<compile_context>
chip_gen: v7x
topology: tpu7x:2x2x1
jax: 0.10.2.dev20260603
libtpu: 0.0.44.dev20260713+nightly
codegen_flags: <defaults>
</compile_context>

<pallas_src>
import functools

import jax
import jax.numpy as jnp
from jax import lax
from jax.experimental import pallas as pl
from jax.experimental.pallas import tpu as pltpu
from jax.experimental.pallas import tpu_sc as plsc

N = 10000
E = 320000
DIN = 128
DH = 256
DOUT = 128
G = 64

NP = 10240
NC = 2
NS = 16
CHUNK = 128
GRP = 16
CPS = 160
KT = NS * CPS
E_PAD = KT * CHUNK
ZPS = NP // NS
TRASH = N
HALF = DH // NC

DEG_W = NC * NS
DEG_EDGES = E_PAD // DEG_W

BLK = 2048
NBLK = NP // BLK

_mesh = plsc.VectorSubcoreMesh(core_axis_name="c", subcore_axis_name="s")



@functools.partial(
    pl.kernel,
    out_type=jax.ShapeDtypeStruct((DEG_W, 1, NP), jnp.float32),
    mesh=_mesh,
    scratch_types=[
        pltpu.VMEM((DEG_EDGES,), jnp.int32),
        pltpu.VMEM((NP,), jnp.float32),
    ],
    compiler_params=pltpu.CompilerParams(needs_layout_passes=False),
)
def _deg_kernel(dst_hbm, out_hbm, dvm, acc):
    c = lax.axis_index("c")
    s = lax.axis_index("s")
    w = s * NC + c

    zero16 = jnp.zeros((16,), jnp.float32)

    def zbody(i, carry):
        acc[pl.ds(i * 16, 16)] = zero16
        return carry

    lax.fori_loop(0, NP // 16, zbody, 0)

    pltpu.sync_copy(dst_hbm.at[pl.ds(w * DEG_EDGES, DEG_EDGES)], dvm)

    one16 = jnp.ones((16,), jnp.float32)

    def body(i, carry):
        idx = dvm[pl.ds(i * 16, 16)]
        plsc.addupdate_scatter(acc, [idx], one16)
        return carry

    lax.fori_loop(0, DEG_EDGES // 16, body, 0)

    pltpu.sync_copy(acc, out_hbm.at[w, 0])


@functools.partial(
    pl.kernel,
    out_type=jax.ShapeDtypeStruct((NC, NP, HALF), jnp.float32),
    mesh=_mesh,
    scratch_types=[
        pltpu.VMEM_SHARED((NP, HALF), jnp.float32),
        pltpu.VMEM((GRP, CHUNK), jnp.int32),
        pltpu.VMEM((GRP, CHUNK), jnp.int32),
        pltpu.VMEM((CHUNK, HALF), jnp.float32),
        pltpu.VMEM((CHUNK, HALF), jnp.float32),
        pltpu.SemaphoreType.DMA,
        pltpu.SemaphoreType.DMA,
        pltpu.SemaphoreType.DMA,
        pltpu.SemaphoreType.DMA,
    ],
)
def _spmm_kernel(src_hbm, dst_hbm, tbl_hbm, zeros_hbm, out_hbm,
                 acc, srcv, dstv, rows_a, rows_b, sga, sgb, ssa, ssb):
    c = lax.axis_index("c")
    s = lax.axis_index("s")

    pltpu.sync_copy(zeros_hbm, acc.at[pl.ds(s * ZPS, ZPS)])
    plsc.subcore_barrier()

    def grp(g, carry):
        base = s * CPS + g * GRP
        pltpu.sync_copy(src_hbm.at[c, pl.ds(base, GRP)], srcv)
        pltpu.sync_copy(dst_hbm.at[pl.ds(base, GRP)], dstv)

        def pair(p, carry2):
            j0 = p * 2
            j1 = p * 2 + 1
            first = jnp.logical_and(g == 0, p == 0)

            @pl.when(jnp.logical_not(first))
            def _():
                pltpu.make_async_copy(rows_a, acc.at[dstv.at[j0]], ssa).wait()
                pltpu.make_async_copy(rows_b, acc.at[dstv.at[j1]], ssb).wait()

            ga = pltpu.async_copy(tbl_hbm.at[srcv.at[j0]], rows_a, sga)
            gb = pltpu.async_copy(tbl_hbm.at[srcv.at[j1]], rows_b, sgb)
            ga.wait()
            pltpu.async_copy(rows_a, acc.at[dstv.at[j0]], ssa, add=True)
            gb.wait()
            pltpu.async_copy(rows_b, acc.at[dstv.at[j1]], ssb, add=True)
            return carry2

        lax.fori_loop(0, GRP // 2, pair, 0)
        return carry

    lax.fori_loop(0, CPS // GRP, grp, 0)
    pltpu.make_async_copy(rows_a, acc.at[dstv.at[GRP - 2]], ssa).wait()
    pltpu.make_async_copy(rows_b, acc.at[dstv.at[GRP - 1]], ssb).wait()

    plsc.subcore_barrier()
    pltpu.sync_copy(acc.at[pl.ds(s * ZPS, ZPS)],
                    out_hbm.at[c, pl.ds(s * ZPS, ZPS)])



def _tc1_body(x_ref, w_ref, part_ref, hw_ref, hws_ref, dinv_ref):
    i = pl.program_id(0)
    deg = 1.0 + jnp.sum(part_ref[:, pl.ds(i * BLK, BLK)], axis=0)
    dinv = lax.rsqrt(deg)
    dinv_ref[...] = dinv[:, None]
    hw = jnp.dot(x_ref[...], w_ref[...], preferred_element_type=jnp.float32)
    hw_ref[0] = hw[:, :HALF]
    hw_ref[1] = hw[:, HALF:]
    hws_ref[0] = hw[:, :HALF] * dinv[:, None]
    hws_ref[1] = hw[:, HALF:] * dinv[:, None]


_tc1 = pl.pallas_call(
    _tc1_body,
    grid=(NBLK,),
    in_specs=[
        pl.BlockSpec((BLK, DIN), lambda i: (i, 0)),
        pl.BlockSpec((DIN, DH), lambda i: (0, 0)),
        pl.BlockSpec((DEG_W, NP), lambda i: (0, 0)),
    ],
    out_specs=[
        pl.BlockSpec((NC, BLK, HALF), lambda i: (0, i, 0)),
        pl.BlockSpec((NC, BLK, HALF), lambda i: (0, i, 0)),
        pl.BlockSpec((BLK, 1), lambda i: (i, 0)),
    ],
    out_shape=[
        jax.ShapeDtypeStruct((NC, NP, HALF), jnp.float32),
        jax.ShapeDtypeStruct((NC, NP, HALF), jnp.float32),
        jax.ShapeDtypeStruct((NP, 1), jnp.float32),
    ],
)


def _tc2_body(es_ref, hwp_ref, dinv_ref, b_ref, w_ref, hwn_ref, hwsn_ref):
    dinv = dinv_ref[...]
    es = jnp.concatenate([es_ref[0], es_ref[1]], axis=1)
    hwp = jnp.concatenate([hwp_ref[0], hwp_ref[1]], axis=1)
    h = jnp.maximum(dinv * es + (dinv * dinv) * hwp + b_ref[...], 0.0)
    hwn = jnp.dot(h, w_ref[...], preferred_element_type=jnp.float32)
    hwn_ref[0] = hwn[:, :HALF]
    hwn_ref[1] = hwn[:, HALF:]
    hwsn_ref[0] = hwn[:, :HALF] * dinv
    hwsn_ref[1] = hwn[:, HALF:] * dinv


_tc2 = pl.pallas_call(
    _tc2_body,
    grid=(NBLK,),
    in_specs=[
        pl.BlockSpec((NC, BLK, HALF), lambda i: (0, i, 0)),
        pl.BlockSpec((NC, BLK, HALF), lambda i: (0, i, 0)),
        pl.BlockSpec((BLK, 1), lambda i: (i, 0)),
        pl.BlockSpec((1, DH), lambda i: (0, 0)),
        pl.BlockSpec((DH, DH), lambda i: (0, 0)),
    ],
    out_specs=[
        pl.BlockSpec((NC, BLK, HALF), lambda i: (0, i, 0)),
        pl.BlockSpec((NC, BLK, HALF), lambda i: (0, i, 0)),
    ],
    out_shape=[
        jax.ShapeDtypeStruct((NC, NP, HALF), jnp.float32),
        jax.ShapeDtypeStruct((NC, NP, HALF), jnp.float32),
    ],
)


def _tc3_body(es_ref, hwp_ref, dinv_ref, b_ref, batch_ref, wfc_ref, bfc_ref,
              out_ref, sums, cnts):
    i = pl.program_id(0)

    @pl.when(i == 0)
    def _():
        sums[...] = jnp.zeros_like(sums)
        cnts[...] = jnp.zeros_like(cnts)

    dinv = dinv_ref[...]
    es = jnp.concatenate([es_ref[0], es_ref[1]], axis=1)
    hwp = jnp.concatenate([hwp_ref[0], hwp_ref[1]], axis=1)
    h = jnp.maximum(dinv * es + (dinv * dinv) * hwp + b_ref[...], 0.0)
    bb = batch_ref[0, 0, :]
    p = (lax.broadcasted_iota(jnp.int32, (G, BLK), 0) == bb[None, :]
         ).astype(jnp.float32)
    sums[...] += jnp.dot(p, h, preferred_element_type=jnp.float32)
    cnts[...] += jnp.broadcast_to(jnp.sum(p, axis=1, keepdims=True), (G, HALF))

    @pl.when(i == NBLK - 1)
    def _():
        pooled = sums[...] / jnp.maximum(cnts[...][:, :1], 1.0)
        out_ref[...] = (jnp.dot(pooled, wfc_ref[...],
                                preferred_element_type=jnp.float32)
                        + bfc_ref[...])


_tc3 = pl.pallas_call(
    _tc3_body,
    grid=(NBLK,),
    in_specs=[
        pl.BlockSpec((NC, BLK, HALF), lambda i: (0, i, 0)),
        pl.BlockSpec((NC, BLK, HALF), lambda i: (0, i, 0)),
        pl.BlockSpec((BLK, 1), lambda i: (i, 0)),
        pl.BlockSpec((1, DH), lambda i: (0, 0)),
        pl.BlockSpec((1, 1, BLK), lambda i: (i, 0, 0)),
        pl.BlockSpec((DH, DOUT), lambda i: (0, 0)),
        pl.BlockSpec((1, DOUT), lambda i: (0, 0)),
    ],
    out_specs=pl.BlockSpec((G, DOUT), lambda i: (0, 0)),
    out_shape=jax.ShapeDtypeStruct((G, DOUT), jnp.float32),
    scratch_shapes=[
        pltpu.VMEM((G, DH), jnp.float32),
        pltpu.VMEM((G, HALF), jnp.float32),
    ],
)



def kernel(x, edge_index, batch, W1, b1, W2, b2, W3, b3, Wfc, bfc):
    src = edge_index[0].astype(jnp.int32)
    dst = edge_index[1].astype(jnp.int32)
    padlen = E_PAD - E
    src_p = jnp.concatenate([src, jnp.zeros((padlen,), jnp.int32)])
    dst_p = jnp.concatenate([dst, jnp.full((padlen,), TRASH, jnp.int32)])
    src_g = jnp.stack([src_p, src_p + NP]).reshape(NC, KT, CHUNK)
    dst_g = dst_p.reshape(KT, CHUNK)
    zeros_h = jnp.zeros((ZPS, HALF), jnp.float32)

    x_p = jnp.concatenate([x, jnp.zeros((NP - N, DIN), jnp.float32)])
    batch3 = jnp.concatenate(
        [batch.astype(jnp.int32), jnp.full((NP - N,), G, jnp.int32)]
    ).reshape(NBLK, 1, BLK)

    part = _deg_kernel(dst_p).reshape(DEG_W, NP)

    b1r = b1.reshape(1, DH)
    b2r = b2.reshape(1, DH)
    b3r = b3.reshape(1, DH)
    bfcr = bfc.reshape(1, DOUT)

    hw1, hws1, dinv = _tc1(x_p, W1, part)
    es1 = _spmm_kernel(src_g, dst_g, hws1.reshape(NC * NP, HALF), zeros_h)
    hw2, hws2 = _tc2(es1, hw1, dinv, b1r, W2)
    es2 = _spmm_kernel(src_g, dst_g, hws2.reshape(NC * NP, HALF), zeros_h)
    hw3, hws3 = _tc2(es2, hw2, dinv, b2r, W3)
    es3 = _spmm_kernel(src_g, dst_g, hws3.reshape(NC * NP, HALF), zeros_h)
    return _tc3(es3, hw3, dinv, b3r, batch3, Wfc, bfcr)

# --- scband reference (transcript-rebuilt; emitter-appended) ---
"""Pipeline reference for scband-gcnconv-model-52501680227004 (READ-ONLY COPY).

The authoritative reference and input builder live on the scoring server;
editing this copy changes nothing except your own understanding.
"""

import jax, jax.numpy as jnp
import numpy as np

N = 10000
E = 320000
DIN = 128
DH = 256
DOUT = 128
G = 64


def setup_inputs(seed: int = 0) -> dict:
    key = jax.random.key(seed)
    ks = jax.random.split(key, 12)
    x = jax.random.normal(ks[0], (N, DIN), dtype=jnp.float32)
    edge_index = jax.random.randint(ks[1], (2, E), 0, N, dtype=jnp.int32)
    batch = jnp.sort(jax.random.randint(ks[2], (N,), 0, G, dtype=jnp.int32))
    W1 = jax.random.normal(ks[3], (DIN, DH), dtype=jnp.float32) * 0.05
    b1 = jnp.zeros((DH,), dtype=jnp.float32)
    W2 = jax.random.normal(ks[4], (DH, DH), dtype=jnp.float32) * 0.05
    b2 = jnp.zeros((DH,), dtype=jnp.float32)
    W3 = jax.random.normal(ks[5], (DH, DH), dtype=jnp.float32) * 0.05
    b3 = jnp.zeros((DH,), dtype=jnp.float32)
    Wfc = jax.random.normal(ks[6], (DH, DOUT), dtype=jnp.float32) * 0.05
    bfc = jnp.zeros((DOUT,), dtype=jnp.float32)
    return {"x": x, "edge_index": edge_index, "batch": batch,
            "W1": W1, "b1": b1, "W2": W2, "b2": b2, "W3": W3, "b3": b3,
            "Wfc": Wfc, "bfc": bfc}


def _gcn_conv(h, src, dst, W, b):
    # PyG GCNConv with add_self_loops=True, symmetric normalization
    n = h.shape[0]
    deg = jnp.zeros((n,), dtype=h.dtype).at[dst].add(1.0)
    dinv = jnp.where(deg > 0, 1.0 / jnp.sqrt(deg), 0.0)
    norm = dinv[src] * dinv[dst]
    hw = h @ W
    msg = jnp.take(hw, src, axis=0) * norm[:, None]
    out = jnp.zeros((n, W.shape[1]), dtype=h.dtype).at[dst].add(msg)
    return out + b


def reference(x, edge_index, batch, W1, b1, W2, b2, W3, b3, Wfc, bfc):
    loop = jnp.arange(N, dtype=edge_index.dtype)
    src = jnp.concatenate([edge_index[0], loop])
    dst = jnp.concatenate([edge_index[1], loop])
    h = jax.nn.relu(_gcn_conv(x, src, dst, W1, b1))
    h = jax.nn.relu(_gcn_conv(h, src, dst, W2, b2))
    h = jax.nn.relu(_gcn_conv(h, src, dst, W3, b3))
    # global_mean_pool over batch assignment
    sums = jax.ops.segment_sum(h, batch, num_segments=G)
    cnts = jax.ops.segment_sum(jnp.ones((N,), dtype=h.dtype), batch, num_segments=G)
    pooled = sums / jnp.maximum(cnts, 1.0)[:, None]
    return pooled @ Wfc + bfc

if __name__ == "__main__":
    import jax
    _d = setup_inputs()
    print(jax.jit(kernel)(*tuple(_d.values())))

</pallas_src>

<mosaic_0001>
#map = affine_map<(d0, d1) -> (0, 0, 0)>
#map1 = affine_map<(d0, d1) -> (0, 0)>
module attributes {stable_mosaic.version = 14 : i64} {
  func.func @_spmm_kernel(%arg0: i32, %arg1: i32, %arg2: memref<2x2560x128xi32, #tpu.memory_space<hbm>>, %arg3: memref<2560x128xi32, #tpu.memory_space<hbm>>, %arg4: memref<20480x128xf32, #tpu.memory_space<hbm>>, %arg5: memref<640x128xf32, #tpu.memory_space<hbm>>, %arg6: memref<2x10240x128xf32, #tpu.memory_space<hbm>>, %arg7: memref<10240x128xf32, #tpu.memory_space<vmem_shared>>, %arg8: memref<16x128xi32, #tpu.memory_space<vmem>>, %arg9: memref<16x128xi32, #tpu.memory_space<vmem>>, %arg10: memref<128x128xf32, #tpu.memory_space<vmem>>, %arg11: memref<128x128xf32, #tpu.memory_space<vmem>>, %arg12: memref<!tpu.dma_semaphore, #tpu.memory_space<semaphore_mem>>, %arg13: memref<!tpu.dma_semaphore, #tpu.memory_space<semaphore_mem>>, %arg14: memref<!tpu.dma_semaphore, #tpu.memory_space<semaphore_mem>>, %arg15: memref<!tpu.dma_semaphore, #tpu.memory_space<semaphore_mem>>) attributes {dimension_semantics = [#tpu.dimension_semantics<core_parallel>, #tpu.dimension_semantics<subcore_parallel>], iteration_bounds = array<i64: 2, 16>, scalar_prefetch = 0 : i64, scratch_operands = 9 : i64, tpu.core_type = #tpu.core_type<sc_vector_subcore>, window_params = [{transform_indices = #map}, {transform_indices = #map1}, {transform_indices = #map1}, {transform_indices = #map1}, {transform_indices = #map}]} {
    %mul3A = arith.constant 640 : i32
    %mul3A_0 = arith.muli %arg1, %mul3A : i32
    "tpu.region"() ({
      %run_scoped3A = tpu.sem_alloc : memref<!tpu.dma_semaphore, #tpu.memory_space<semaphore_mem>>
      %dma_start3A = arith.constant 0 : i32
      %dma_start3A_24 = tpu.memref_slice %arg7[%mul3A_0, %dma_start3A] : memref<10240x128xf32, #tpu.memory_space<vmem_shared>> -> memref<640x128xf32, #tpu.memory_space<vmem_shared>>
      tpu.enqueue_dma source(%arg5 : memref<640x128xf32, #tpu.memory_space<hbm>>) target(%dma_start3A_24 : memref<640x128xf32, #tpu.memory_space<vmem_shared>>) target_semaphore(%run_scoped3A : memref<!tpu.dma_semaphore, #tpu.memory_space<semaphore_mem>>)
      %dma_wait3A_25 = arith.constant 0 : i32
      %dma_wait3A_26 = tpu.memref_slice %arg7[%mul3A_0, %dma_wait3A_25] : memref<10240x128xf32, #tpu.memory_space<vmem_shared>> -> memref<640x128xf32, #tpu.memory_space<vmem_shared>>
      tpu.wait_dma2 semaphore(%run_scoped3A : memref<!tpu.dma_semaphore, #tpu.memory_space<semaphore_mem>>) src(%arg5 : memref<640x128xf32, #tpu.memory_space<hbm>>) dst(%dma_wait3A_26 : memref<640x128xf32, #tpu.memory_space<vmem_shared>>)
      tpu.yield
    }) : () -> ()
    %barrier3A = arith.constant 0 : index
    tpu.barrier barrier_id(%barrier3A)
    %scan3A = arith.constant 0 : i32
    %scan3A_1 = arith.constant 0 : i32
    %scan3A_2 = arith.constant 10 : i32
    %scan3A_3 = arith.addi %scan3A_1, %scan3A_2 : i32
    %scan3A_4 = arith.constant 1 : i32
    scf.for %scan3A_24 = %scan3A_1 to %scan3A_3 step %scan3A_4  : i32 {
      %mul3A_25 = arith.constant 160 : i32
      %mul3A_26 = arith.muli %arg1, %mul3A_25 : i32
      %mul3A_27 = arith.constant 16 : i32
      %mul3A_28 = arith.muli %scan3A_24, %mul3A_27 : i32
      %add3A = arith.addi %mul3A_26, %mul3A_28 : i32
      "tpu.region"() ({
        %run_scoped3A = tpu.sem_alloc : memref<!tpu.dma_semaphore, #tpu.memory_space<semaphore_mem>>
        %dma_start3A = arith.constant 0 : i32
        %dma_start3A_35 = tpu.memref_slice %arg2[%arg0, %add3A, %dma_start3A] : memref<2x2560x128xi32, #tpu.memory_space<hbm>> -> memref<1x16x128xi32, #tpu.memory_space<hbm>>
        %dma_start3A_36 = tpu.memref_squeeze %dma_start3A_35 : memref<1x16x128xi32, #tpu.memory_space<hbm>> -> memref<16x128xi32, #tpu.memory_space<hbm>>
        %dma_start3A_37 = arith.constant 0 : i32
        %dma_start3A_38 = tpu.memref_slice %arg2[%arg0, %add3A, %dma_start3A_37] : memref<2x2560x128xi32, #tpu.memory_space<hbm>> -> memref<1x16x128xi32, #tpu.memory_space<hbm>>
        %dma_start3A_39 = tpu.memref_squeeze %dma_start3A_38 : memref<1x16x128xi32, #tpu.memory_space<hbm>> -> memref<16x128xi32, #tpu.memory_space<hbm>>
        tpu.enqueue_dma source(%dma_start3A_39 : memref<16x128xi32, #tpu.memory_space<hbm>>) target(%arg8 : memref<16x128xi32, #tpu.memory_space<vmem>>) target_semaphore(%run_scoped3A : memref<!tpu.dma_semaphore, #tpu.memory_space<semaphore_mem>>)
        %dma_wait3A_40 = arith.constant 0 : i32
        %dma_wait3A_41 = tpu.memref_slice %arg2[%arg0, %add3A, %dma_wait3A_40] : memref<2x2560x128xi32, #tpu.memory_space<hbm>> -> memref<1x16x128xi32, #tpu.memory_space<hbm>>
        %dma_wait3A_42 = tpu.memref_squeeze %dma_wait3A_41 : memref<1x16x128xi32, #tpu.memory_space<hbm>> -> memref<16x128xi32, #tpu.memory_space<hbm>>
        %dma_wait3A_43 = arith.constant 0 : i32
        %dma_wait3A_44 = tpu.memref_slice %arg2[%arg0, %add3A, %dma_wait3A_43] : memref<2x2560x128xi32, #tpu.memory_space<hbm>> -> memref<1x16x128xi32, #tpu.memory_space<hbm>>
        %dma_wait3A_45 = tpu.memref_squeeze %dma_wait3A_44 : memref<1x16x128xi32, #tpu.memory_space<hbm>> -> memref<16x128xi32, #tpu.memory_space<hbm>>
        tpu.wait_dma2 semaphore(%run_scoped3A : memref<!tpu.dma_semaphore, #tpu.memory_space<semaphore_mem>>) src(%dma_wait3A_45 : memref<16x128xi32, #tpu.memory_space<hbm>>) dst(%arg8 : memref<16x128xi32, #tpu.memory_space<vmem>>)
        tpu.yield
      }) : () -> ()
      "tpu.region"() ({
        %run_scoped3A = tpu.sem_alloc : memref<!tpu.dma_semaphore, #tpu.memory_space<semaphore_mem>>
        %dma_start3A = arith.constant 0 : i32
        %dma_start3A_35 = tpu.memref_slice %arg3[%add3A, %dma_start3A] : memref<2560x128xi32, #tpu.memory_space<hbm>> -> memref<16x128xi32, #tpu.memory_space<hbm>>
        %dma_start3A_36 = arith.constant 0 : i32
        %dma_start3A_37 = tpu.memref_slice %arg3[%add3A, %dma_start3A_36] : memref<2560x128xi32, #tpu.memory_space<hbm>> -> memref<16x128xi32, #tpu.memory_space<hbm>>
        tpu.enqueue_dma source(%dma_start3A_37 : memref<16x128xi32, #tpu.memory_space<hbm>>) target(%arg9 : memref<16x128xi32, #tpu.memory_space<vmem>>) target_semaphore(%run_scoped3A : memref<!tpu.dma_semaphore, #tpu.memory_space<semaphore_mem>>)
        %dma_wait3A_38 = arith.constant 0 : i32
        %dma_wait3A_39 = tpu.memref_slice %arg3[%add3A, %dma_wait3A_38] : memref<2560x128xi32, #tpu.memory_space<hbm>> -> memref<16x128xi32, #tpu.memory_space<hbm>>
        %dma_wait3A_40 = arith.constant 0 : i32
        %dma_wait3A_41 = tpu.memref_slice %arg3[%add3A, %dma_wait3A_40] : memref<2560x128xi32, #tpu.memory_space<hbm>> -> memref<16x128xi32, #tpu.memory_space<hbm>>
        tpu.wait_dma2 semaphore(%run_scoped3A : memref<!tpu.dma_semaphore, #tpu.memory_space<semaphore_mem>>) src(%dma_wait3A_41 : memref<16x128xi32, #tpu.memory_space<hbm>>) dst(%arg9 : memref<16x128xi32, #tpu.memory_space<vmem>>)
        tpu.yield
      }) : () -> ()
      %scan3A_29 = arith.constant 0 : i32
      %scan3A_30 = arith.constant 0 : i32
      %scan3A_31 = arith.constant 8 : i32
      %scan3A_32 = arith.addi %scan3A_30, %scan3A_31 : i32
      %scan3A_33 = arith.constant 1 : i32
      scf.for %scan3A_35 = %scan3A_30 to %scan3A_32 step %scan3A_33  : i32 {
        %mul3A_36 = arith.constant 2 : i32
        %mul3A_37 = arith.muli %scan3A_35, %mul3A_36 : i32
        %mul3A_38 = arith.constant 2 : i32
        %mul3A_39 = arith.muli %scan3A_35, %mul3A_38 : i32
        %add3A_40 = arith.constant 1 : i32
        %add3A_41 = arith.addi %mul3A_39, %add3A_40 : i32
        %eq3A = arith.constant 0 : i32
        %eq3A_42 = arith.cmpi eq, %scan3A_24, %eq3A : i32
        %eq3A_43 = arith.constant 0 : i32
        %eq3A_44 = arith.cmpi eq, %scan3A_35, %eq3A_43 : i32
        %and3A = arith.andi %eq3A_42, %eq3A_44 : i1
        %not3A = arith.constant true
        %not3A_45 = arith.xori %and3A, %not3A : i1
        %convert_element_type3A = arith.extui %not3A_45 : i1 to i32
        %cond3A = arith.constant 0 : i32
        %cond3A_46 = arith.cmpi ne, %convert_element_type3A, %cond3A : i32
        scf.if %cond3A_46 {
          %dma_wait3A_82 = arith.constant 0 : i32
          %dma_wait3A_83 = tpu.memref_slice %arg9[%mul3A_37, %dma_wait3A_82] : memref<16x128xi32, #tpu.memory_space<vmem>> -> memref<1x128xi32, #tpu.memory_space<vmem>>
          %dma_wait3A_84 = tpu.memref_squeeze %dma_wait3A_83 : memref<1x128xi32, #tpu.memory_space<vmem>> -> memref<128xi32, #tpu.memory_space<vmem>>
          %dma_wait3A_85 = arith.constant 0 : i32
          %dma_wait3A_86 = arith.constant 0 : i32
          %dma_wait3A_87 = tpu.memref_slice %arg7[%dma_wait3A_85, %dma_wait3A_86] : memref<10240x128xf32, #tpu.memory_space<vmem_shared>> -> memref<10240x128xf32, #tpu.memory_space<vmem_shared>>
          tpu.wait_indirect_dma semaphore(%arg14 : memref<!tpu.dma_semaphore, #tpu.memory_space<semaphore_mem>>) src(%arg10 : memref<128x128xf32, #tpu.memory_space<vmem>>) dst(%dma_wait3A_87 : memref<10240x128xf32, #tpu.memory_space<vmem_shared>>)
          %dma_wait3A_88 = arith.constant 0 : i32
          %dma_wait3A_89 = tpu.memref_slice %arg9[%add3A_41, %dma_wait3A_88] : memref<16x128xi32, #tpu.memory_space<vmem>> -> memref<1x128xi32, #tpu.memory_space<vmem>>
          %dma_wait3A_90 = tpu.memref_squeeze %dma_wait3A_89 : memref<1x128xi32, #tpu.memory_space<vmem>> -> memref<128xi32, #tpu.memory_space<vmem>>
          %dma_wait3A_91 = arith.constant 0 : i32
          %dma_wait3A_92 = arith.constant 0 : i32
          %dma_wait3A_93 = tpu.memref_slice %arg7[%dma_wait3A_91, %dma_wait3A_92] : memref<10240x128xf32, #tpu.memory_space<vmem_shared>> -> memref<10240x128xf32, #tpu.memory_space<vmem_shared>>
          tpu.wait_indirect_dma semaphore(%arg15 : memref<!tpu.dma_semaphore, #tpu.memory_space<semaphore_mem>>) src(%arg11 : memref<128x128xf32, #tpu.memory_space<vmem>>) dst(%dma_wait3A_93 : memref<10240x128xf32, #tpu.memory_space<vmem_shared>>)
        } else {
        }
        %dma_start3A = arith.constant 0 : i32
        %dma_start3A_47 = tpu.memref_slice %arg8[%mul3A_37, %dma_start3A] : memref<16x128xi32, #tpu.memory_space<vmem>> -> memref<1x128xi32, #tpu.memory_space<vmem>>
        %dma_start3A_48 = tpu.memref_squeeze %dma_start3A_47 : memref<1x128xi32, #tpu.memory_space<vmem>> -> memref<128xi32, #tpu.memory_space<vmem>>
        %dma_start3A_49 = arith.constant 0 : i32
        %dma_start3A_50 = arith.constant 0 : i32
        %dma_start3A_51 = tpu.memref_slice %arg4[%dma_start3A_49, %dma_start3A_50] : memref<20480x128xf32, #tpu.memory_space<hbm>> -> memref<20480x128xf32, #tpu.memory_space<hbm>>
        tpu.enqueue_indirect_dma source(%dma_start3A_51 : memref<20480x128xf32, #tpu.memory_space<hbm>>) target(%arg10 : memref<128x128xf32, #tpu.memory_space<vmem>>) offsets(%dma_start3A_48 : memref<128xi32, #tpu.memory_space<vmem>>) semaphore(%arg12 : memref<!tpu.dma_semaphore, #tpu.memory_space<semaphore_mem>>)
        %dma_start3A_52 = arith.constant 0 : i32
        %dma_start3A_53 = tpu.memref_slice %arg8[%add3A_41, %dma_start3A_52] : memref<16x128xi32, #tpu.memory_space<vmem>> -> memref<1x128xi32, #tpu.memory_space<vmem>>
        %dma_start3A_54 = tpu.memref_squeeze %dma_start3A_53 : memref<1x128xi32, #tpu.memory_space<vmem>> -> memref<128xi32, #tpu.memory_space<vmem>>
        %dma_start3A_55 = arith.constant 0 : i32
        %dma_start3A_56 = arith.constant 0 : i32
        %dma_start3A_57 = tpu.memref_slice %arg4[%dma_start3A_55, %dma_start3A_56] : memref<20480x128xf32, #tpu.memory_space<hbm>> -> memref<20480x128xf32, #tpu.memory_space<hbm>>
        tpu.enqueue_indirect_dma source(%dma_start3A_57 : memref<20480x128xf32, #tpu.memory_space<hbm>>) target(%arg11 : memref<128x128xf32, #tpu.memory_space<vmem>>) offsets(%dma_start3A_54 : memref<128xi32, #tpu.memory_space<vmem>>) semaphore(%arg13 : memref<!tpu.dma_semaphore, #tpu.memory_space<semaphore_mem>>)
        %dma_wait3A_58 = arith.constant 0 : i32
        %dma_wait3A_59 = tpu.memref_slice %arg8[%mul3A_37, %dma_wait3A_58] : memref<16x128xi32, #tpu.memory_space<vmem>> -> memref<1x128xi32, #tpu.memory_space<vmem>>
        %dma_wait3A_60 = tpu.memref_squeeze %dma_wait3A_59 : memref<1x128xi32, #tpu.memory_space<vmem>> -> memref<128xi32, #tpu.memory_space<vmem>>
        %dma_wait3A_61 = arith.constant 0 : i32
        %dma_wait3A_62 = arith.constant 0 : i32
        %dma_wait3A_63 = tpu.memref_slice %arg4[%dma_wait3A_61, %dma_wait3A_62] : memref<20480x128xf32, #tpu.memory_space<hbm>> -> memref<20480x128xf32, #tpu.memory_space<hbm>>
        tpu.wait_indirect_dma semaphore(%arg12 : memref<!tpu.dma_semaphore, #tpu.memory_space<semaphore_mem>>) src(%dma_wait3A_63 : memref<20480x128xf32, #tpu.memory_space<hbm>>) dst(%arg10 : memref<128x128xf32, #tpu.memory_space<vmem>>)
        %dma_start3A_64 = arith.constant 0 : i32
        %dma_start3A_65 = tpu.memref_slice %arg9[%mul3A_37, %dma_start3A_64] : memref<16x128xi32, #tpu.memory_space<vmem>> -> memref<1x128xi32, #tpu.memory_space<vmem>>
        %dma_start3A_66 = tpu.memref_squeeze %dma_start3A_65 : memref<1x128xi32, #tpu.memory_space<vmem>> -> memref<128xi32, #tpu.memory_space<vmem>>
        %dma_start3A_67 = arith.constant 0 : i32
        %dma_start3A_68 = arith.constant 0 : i32
        %dma_start3A_69 = tpu.memref_slice %arg7[%dma_start3A_67, %dma_start3A_68] : memref<10240x128xf32, #tpu.memory_space<vmem_shared>> -> memref<10240x128xf32, #tpu.memory_space<vmem_shared>>
        tpu.enqueue_indirect_dma source(%arg10 : memref<128x128xf32, #tpu.memory_space<vmem>>) target(%dma_start3A_69 : memref<10240x128xf32, #tpu.memory_space<vmem_shared>>) offsets(%dma_start3A_66 : memref<128xi32, #tpu.memory_space<vmem>>) semaphore(%arg14 : memref<!tpu.dma_semaphore, #tpu.memory_space<semaphore_mem>>) {add = true}
        %dma_wait3A_70 = arith.constant 0 : i32
        %dma_wait3A_71 = tpu.memref_slice %arg8[%add3A_41, %dma_wait3A_70] : memref<16x128xi32, #tpu.memory_space<vmem>> -> memref<1x128xi32, #tpu.memory_space<vmem>>
        %dma_wait3A_72 = tpu.memref_squeeze %dma_wait3A_71 : memref<1x128xi32, #tpu.memory_space<vmem>> -> memref<128xi32, #tpu.memory_space<vmem>>
        %dma_wait3A_73 = arith.constant 0 : i32
        %dma_wait3A_74 = arith.constant 0 : i32
        %dma_wait3A_75 = tpu.memref_slice %arg4[%dma_wait3A_73, %dma_wait3A_74] : memref<20480x128xf32, #tpu.memory_space<hbm>> -> memref<20480x128xf32, #tpu.memory_space<hbm>>
        tpu.wait_indirect_dma semaphore(%arg13 : memref<!tpu.dma_semaphore, #tpu.memory_space<semaphore_mem>>) src(%dma_wait3A_75 : memref<20480x128xf32, #tpu.memory_space<hbm>>) dst(%arg11 : memref<128x128xf32, #tpu.memory_space<vmem>>)
        %dma_start3A_76 = arith.constant 0 : i32
        %dma_start3A_77 = tpu.memref_slice %arg9[%add3A_41, %dma_start3A_76] : memref<16x128xi32, #tpu.memory_space<vmem>> -> memref<1x128xi32, #tpu.memory_space<vmem>>
        %dma_start3A_78 = tpu.memref_squeeze %dma_start3A_77 : memref<1x128xi32, #tpu.memory_space<vmem>> -> memref<128xi32, #tpu.memory_space<vmem>>
        %dma_start3A_79 = arith.constant 0 : i32
        %dma_start3A_80 = arith.constant 0 : i32
        %dma_start3A_81 = tpu.memref_slice %arg7[%dma_start3A_79, %dma_start3A_80] : memref<10240x128xf32, #tpu.memory_space<vmem_shared>> -> memref<10240x128xf32, #tpu.memory_space<vmem_shared>>
        tpu.enqueue_indirect_dma source(%arg11 : memref<128x128xf32, #tpu.memory_space<vmem>>) target(%dma_start3A_81 : memref<10240x128xf32, #tpu.memory_space<vmem_shared>>) offsets(%dma_start3A_78 : memref<128xi32, #tpu.memory_space<vmem>>) semaphore(%arg15 : memref<!tpu.dma_semaphore, #tpu.memory_space<semaphore_mem>>) {add = true}
      }
      %scan3A_34 = arith.constant 8 : i32
    }
    %scan3A_5 = arith.constant 10 : i32
    %dma_wait3A = arith.constant 14 : i32
    %dma_wait3A_6 = arith.constant 0 : i32
    %dma_wait3A_7 = tpu.memref_slice %arg9[%dma_wait3A, %dma_wait3A_6] : memref<16x128xi32, #tpu.memory_space<vmem>> -> memref<1x128xi32, #tpu.memory_space<vmem>>
    %dma_wait3A_8 = tpu.memref_squeeze %dma_wait3A_7 : memref<1x128xi32, #tpu.memory_space<vmem>> -> memref<128xi32, #tpu.memory_space<vmem>>
    %dma_wait3A_9 = arith.constant 0 : i32
    %dma_wait3A_10 = arith.constant 0 : i32
    %dma_wait3A_11 = tpu.memref_slice %arg7[%dma_wait3A_9, %dma_wait3A_10] : memref<10240x128xf32, #tpu.memory_space<vmem_shared>> -> memref<10240x128xf32, #tpu.memory_space<vmem_shared>>
    tpu.wait_indirect_dma semaphore(%arg14 : memref<!tpu.dma_semaphore, #tpu.memory_space<semaphore_mem>>) src(%arg10 : memref<128x128xf32, #tpu.memory_space<vmem>>) dst(%dma_wait3A_11 : memref<10240x128xf32, #tpu.memory_space<vmem_shared>>)
    %dma_wait3A_12 = arith.constant 15 : i32
    %dma_wait3A_13 = arith.constant 0 : i32
    %dma_wait3A_14 = tpu.memref_slice %arg9[%dma_wait3A_12, %dma_wait3A_13] : memref<16x128xi32, #tpu.memory_space<vmem>> -> memref<1x128xi32, #tpu.memory_space<vmem>>
    %dma_wait3A_15 = tpu.memref_squeeze %dma_wait3A_14 : memref<1x128xi32, #tpu.memory_space<vmem>> -> memref<128xi32, #tpu.memory_space<vmem>>
    %dma_wait3A_16 = arith.constant 0 : i32
    %dma_wait3A_17 = arith.constant 0 : i32
    %dma_wait3A_18 = tpu.memref_slice %arg7[%dma_wait3A_16, %dma_wait3A_17] : memref<10240x128xf32, #tpu.memory_space<vmem_shared>> -> memref<10240x128xf32, #tpu.memory_space<vmem_shared>>
    tpu.wait_indirect_dma semaphore(%arg15 : memref<!tpu.dma_semaphore, #tpu.memory_space<semaphore_mem>>) src(%arg11 : memref<128x128xf32, #tpu.memory_space<vmem>>) dst(%dma_wait3A_18 : memref<10240x128xf32, #tpu.memory_space<vmem_shared>>)
    %barrier3A_19 = arith.constant 0 : index
    tpu.barrier barrier_id(%barrier3A_19)
    %mul3A_20 = arith.constant 640 : i32
    %mul3A_21 = arith.muli %arg1, %mul3A_20 : i32
    %mul3A_22 = arith.constant 640 : i32
    %mul3A_23 = arith.muli %arg1, %mul3A_22 : i32
    "tpu.region"() ({
      %run_scoped3A = tpu.sem_alloc : memref<!tpu.dma_semaphore, #tpu.memory_space<semaphore_mem>>
      %dma_start3A = arith.constant 0 : i32
      %dma_start3A_24 = tpu.memref_slice %arg6[%arg0, %mul3A_23, %dma_start3A] : memref<2x10240x128xf32, #tpu.memory_space<hbm>> -> memref<1x640x128xf32, #tpu.memory_space<hbm>>
      %dma_start3A_25 = tpu.memref_squeeze %dma_start3A_24 : memref<1x640x128xf32, #tpu.memory_space<hbm>> -> memref<640x128xf32, #tpu.memory_space<hbm>>
      %dma_start3A_26 = arith.constant 0 : i32
      %dma_start3A_27 = tpu.memref_slice %arg7[%mul3A_21, %dma_start3A_26] : memref<10240x128xf32, #tpu.memory_space<vmem_shared>> -> memref<640x128xf32, #tpu.memory_space<vmem_shared>>
      tpu.enqueue_dma source(%dma_start3A_27 : memref<640x128xf32, #tpu.memory_space<vmem_shared>>) target(%dma_start3A_25 : memref<640x128xf32, #tpu.memory_space<hbm>>) target_semaphore(%run_scoped3A : memref<!tpu.dma_semaphore, #tpu.memory_space<semaphore_mem>>)
      %dma_wait3A_28 = arith.constant 0 : i32
      %dma_wait3A_29 = tpu.memref_slice %arg6[%arg0, %mul3A_23, %dma_wait3A_28] : memref<2x10240x128xf32, #tpu.memory_space<hbm>> -> memref<1x640x128xf32, #tpu.memory_space<hbm>>
      %dma_wait3A_30 = tpu.memref_squeeze %dma_wait3A_29 : memref<1x640x128xf32, #tpu.memory_space<hbm>> -> memref<640x128xf32, #tpu.memory_space<hbm>>
      %dma_wait3A_31 = arith.constant 0 : i32
      %dma_wait3A_32 = tpu.memref_slice %arg7[%mul3A_21, %dma_wait3A_31] : memref<10240x128xf32, #tpu.memory_space<vmem_shared>> -> memref<640x128xf32, #tpu.memory_space<vmem_shared>>
      tpu.wait_dma2 semaphore(%run_scoped3A : memref<!tpu.dma_semaphore, #tpu.memory_space<semaphore_mem>>) src(%dma_wait3A_32 : memref<640x128xf32, #tpu.memory_space<vmem_shared>>) dst(%dma_wait3A_30 : memref<640x128xf32, #tpu.memory_space<hbm>>)
      tpu.yield
    }) : () -> ()
    return
  }
}

#map = affine_map<(d0, d1) -> (0)>
#map1 = affine_map<(d0, d1) -> (0, 0, 0)>
module attributes {stable_mosaic.version = 14 : i64} {
  func.func @_deg_kernel(%arg0: i32, %arg1: i32, %arg2: memref<327680xi32, #tpu.memory_space<hbm>>, %arg3: memref<32x1x10240xf32, #tpu.memory_space<hbm>>, %arg4: memref<10240xi32, #tpu.memory_space<vmem>>, %arg5: memref<10240xf32, #tpu.memory_space<vmem>>) attributes {dimension_semantics = [#tpu.dimension_semantics<core_parallel>, #tpu.dimension_semantics<subcore_parallel>], iteration_bounds = array<i64: 2, 16>, scalar_prefetch = 0 : i64, scratch_operands = 2 : i64, tpu.core_type = #tpu.core_type<sc_vector_subcore>, window_params = [{transform_indices = #map}, {transform_indices = #map1}]} {
    %mul3A = arith.constant 2 : i32
    %mul3A_0 = arith.muli %arg1, %mul3A : i32
    %add3A = arith.addi %mul3A_0, %arg0 : i32
    %broadcast_in_dim3A = arith.constant 0.000000e+00 : f32
    %broadcast_in_dim3A_1 = vector.broadcast %broadcast_in_dim3A : f32 to vector<16xf32>
    %scan3A = arith.constant 0 : i32
    %scan3A_2 = arith.constant 0 : i32
    %scan3A_3 = arith.constant 640 : i32
    %scan3A_4 = arith.addi %scan3A_2, %scan3A_3 : i32
    %scan3A_5 = arith.constant 1 : i32
    scf.for %scan3A_17 = %scan3A_2 to %scan3A_4 step %scan3A_5  : i32 {
      %mul3A_18 = arith.constant 16 : i32
      %mul3A_19 = arith.muli %scan3A_17, %mul3A_18 : i32
      %swap3A = arith.index_cast %mul3A_19 : i32 to index
      %swap3A_20 = tpu.vector_load %arg5[%swap3A] {strides = array<i32>} : memref<10240xf32, #tpu.memory_space<vmem>>, vector<16xf32>,
      tpu.vector_store %arg5[%swap3A], %broadcast_in_dim3A_1 {strides = array<i32>} : memref<10240xf32, #tpu.memory_space<vmem>>, vector<16xf32>,
    }
    %scan3A_6 = arith.constant 640 : i32
    %mul3A_7 = arith.constant 10240 : i32
    %mul3A_8 = arith.muli %add3A, %mul3A_7 : i32
    "tpu.region"() ({
      %run_scoped3A_17 = tpu.sem_alloc : memref<!tpu.dma_semaphore, #tpu.memory_space<semaphore_mem>>
      %dma_start3A = tpu.memref_slice %arg2[%mul3A_8] : memref<327680xi32, #tpu.memory_space<hbm>> -> memref<10240xi32, #tpu.memory_space<hbm>>
      %dma_start3A_18 = tpu.memref_slice %arg2[%mul3A_8] : memref<327680xi32, #tpu.memory_space<hbm>> -> memref<10240xi32, #tpu.memory_space<hbm>>
      tpu.enqueue_dma source(%dma_start3A_18 : memref<10240xi32, #tpu.memory_space<hbm>>) target(%arg4 : memref<10240xi32, #tpu.memory_space<vmem>>) target_semaphore(%run_scoped3A_17 : memref<!tpu.dma_semaphore, #tpu.memory_space<semaphore_mem>>)
      %dma_wait3A = tpu.memref_slice %arg2[%mul3A_8] : memref<327680xi32, #tpu.memory_space<hbm>> -> memref<10240xi32, #tpu.memory_space<hbm>>
      %dma_wait3A_19 = tpu.memref_slice %arg2[%mul3A_8] : memref<327680xi32, #tpu.memory_space<hbm>> -> memref<10240xi32, #tpu.memory_space<hbm>>
      tpu.wait_dma2 semaphore(%run_scoped3A_17 : memref<!tpu.dma_semaphore, #tpu.memory_space<semaphore_mem>>) src(%dma_wait3A_19 : memref<10240xi32, #tpu.memory_space<hbm>>) dst(%arg4 : memref<10240xi32, #tpu.memory_space<vmem>>)
      tpu.yield
    }) : () -> ()
    %broadcast_in_dim3A_9 = arith.constant 1.000000e+00 : f32
    %broadcast_in_dim3A_10 = vector.broadcast %broadcast_in_dim3A_9 : f32 to vector<16xf32>
    %scan3A_11 = arith.constant 0 : i32
    %scan3A_12 = arith.constant 0 : i32
    %scan3A_13 = arith.constant 640 : i32
    %scan3A_14 = arith.addi %scan3A_12, %scan3A_13 : i32
    %scan3A_15 = arith.constant 1 : i32
    scf.for %scan3A_17 = %scan3A_12 to %scan3A_14 step %scan3A_15  : i32 {
      %mul3A_18 = arith.constant 16 : i32
      %mul3A_19 = arith.muli %scan3A_17, %mul3A_18 : i32
      %get3A = arith.index_cast %mul3A_19 : i32 to index
      %get3A_20 = tpu.vector_load %arg4[%get3A] {strides = array<i32>} : memref<10240xi32, #tpu.memory_space<vmem>>, vector<16xi32>,
      tpu.vector_store_idx %arg5[%get3A_20], %broadcast_in_dim3A_10 {add = true} : memref<10240xf32, #tpu.memory_space<vmem>>[vector<16xi32>], vector<16xf32>,
    }
    %scan3A_16 = arith.constant 640 : i32
    %run_scoped3A = arith.constant 0 : i32
    "tpu.region"() ({
      %run_scoped3A_17 = tpu.sem_alloc : memref<!tpu.dma_semaphore, #tpu.memory_space<semaphore_mem>>
      %dma_start3A = arith.constant 0 : i32
      %dma_start3A_18 = tpu.memref_slice %arg3[%add3A, %run_scoped3A, %dma_start3A] : memref<32x1x10240xf32, #tpu.memory_space<hbm>> -> memref<1x1x10240xf32, #tpu.memory_space<hbm>>
      %dma_start3A_19 = tpu.memref_squeeze %dma_start3A_18 : memref<1x1x10240xf32, #tpu.memory_space<hbm>> -> memref<10240xf32, #tpu.memory_space<hbm>>
      %dma_start3A_20 = arith.constant 0 : i32
      %dma_start3A_21 = tpu.memref_slice %arg3[%add3A, %run_scoped3A, %dma_start3A_20] : memref<32x1x10240xf32, #tpu.memory_space<hbm>> -> memref<1x1x10240xf32, #tpu.memory_space<hbm>>
      %dma_start3A_22 = tpu.memref_squeeze %dma_start3A_21 : memref<1x1x10240xf32, #tpu.memory_space<hbm>> -> memref<10240xf32, #tpu.memory_space<hbm>>
      tpu.enqueue_dma source(%arg5 : memref<10240xf32, #tpu.memory_space<vmem>>) target(%dma_start3A_22 : memref<10240xf32, #tpu.memory_space<hbm>>) target_semaphore(%run_scoped3A_17 : memref<!tpu.dma_semaphore, #tpu.memory_space<semaphore_mem>>)
      %dma_wait3A = arith.constant 0 : i32
      %dma_wait3A_23 = tpu.memref_slice %arg3[%add3A, %run_scoped3A, %dma_wait3A] : memref<32x1x10240xf32, #tpu.memory_space<hbm>> -> memref<1x1x10240xf32, #tpu.memory_space<hbm>>
      %dma_wait3A_24 = tpu.memref_squeeze %dma_wait3A_23 : memref<1x1x10240xf32, #tpu.memory_space<hbm>> -> memref<10240xf32, #tpu.memory_space<hbm>>
      %dma_wait3A_25 = arith.constant 0 : i32
      %dma_wait3A_26 = tpu.memref_slice %arg3[%add3A, %run_scoped3A, %dma_wait3A_25] : memref<32x1x10240xf32, #tpu.memory_space<hbm>> -> memref<1x1x10240xf32, #tpu.memory_space<hbm>>
      %dma_wait3A_27 = tpu.memref_squeeze %dma_wait3A_26 : memref<1x1x10240xf32, #tpu.memory_space<hbm>> -> memref<10240xf32, #tpu.memory_space<hbm>>
      tpu.wait_dma2 semaphore(%run_scoped3A_17 : memref<!tpu.dma_semaphore, #tpu.memory_space<semaphore_mem>>) src(%arg5 : memref<10240xf32, #tpu.memory_space<vmem>>) dst(%dma_wait3A_27 : memref<10240xf32, #tpu.memory_space<hbm>>)
      tpu.yield
    }) : () -> ()
    return
  }
}

#map = affine_map<(d0, d1) -> (0, 0, 0)>
#map1 = affine_map<(d0, d1) -> (0, 0)>
module attributes {stable_mosaic.version = 14 : i64} {
  func.func @_spmm_kernel(%arg0: i32, %arg1: i32, %arg2: memref<2x2560x128xi32, #tpu.memory_space<hbm>>, %arg3: memref<2560x128xi32, #tpu.memory_space<hbm>>, %arg4: memref<20480x128xf32, #tpu.memory_space<hbm>>, %arg5: memref<640x128xf32, #tpu.memory_space<hbm>>, %arg6: memref<2x10240x128xf32, #tpu.memory_space<hbm>>, %arg7: memref<10240x128xf32, #tpu.memory_space<vmem_shared>>, %arg8: memref<16x128xi32, #tpu.memory_space<vmem>>, %arg9: memref<16x128xi32, #tpu.memory_space<vmem>>, %arg10: memref<128x128xf32, #tpu.memory_space<vmem>>, %arg11: memref<128x128xf32, #tpu.memory_space<vmem>>, %arg12: memref<!tpu.dma_semaphore, #tpu.memory_space<semaphore_mem>>, %arg13: memref<!tpu.dma_semaphore, #tpu.memory_space<semaphore_mem>>, %arg14: memref<!tpu.dma_semaphore, #tpu.memory_space<semaphore_mem>>, %arg15: memref<!tpu.dma_semaphore, #tpu.memory_space<semaphore_mem>>) attributes {dimension_semantics = [#tpu.dimension_semantics<core_parallel>, #tpu.dimension_semantics<subcore_parallel>], iteration_bounds = array<i64: 2, 16>, scalar_prefetch = 0 : i64, scratch_operands = 9 : i64, tpu.core_type = #tpu.core_type<sc_vector_subcore>, window_params = [{transform_indices = #map}, {transform_indices = #map1}, {transform_indices = #map1}, {transform_indices = #map1}, {transform_indices = #map}]} {
    %mul3A = arith.constant 640 : i32
    %mul3A_0 = arith.muli %arg1, %mul3A : i32
    "tpu.region"() ({
      %run_scoped3A = tpu.sem_alloc : memref<!tpu.dma_semaphore, #tpu.memory_space<semaphore_mem>>
      %dma_start3A = arith.constant 0 : i32
      %dma_start3A_24 = tpu.memref_slice %arg7[%mul3A_0, %dma_start3A] : memref<10240x128xf32, #tpu.memory_space<vmem_shared>> -> memref<640x128xf32, #tpu.memory_space<vmem_shared>>
      tpu.enqueue_dma source(%arg5 : memref<640x128xf32, #tpu.memory_space<hbm>>) target(%dma_start3A_24 : memref<640x128xf32, #tpu.memory_space<vmem_shared>>) target_semaphore(%run_scoped3A : memref<!tpu.dma_semaphore, #tpu.memory_space<semaphore_mem>>)
      %dma_wait3A_25 = arith.constant 0 : i32
      %dma_wait3A_26 = tpu.memref_slice %arg7[%mul3A_0, %dma_wait3A_25] : memref<10240x128xf32, #tpu.memory_space<vmem_shared>> -> memref<640x128xf32, #tpu.memory_space<vmem_shared>>
      tpu.wait_dma2 semaphore(%run_scoped3A : memref<!tpu.dma_semaphore, #tpu.memory_space<semaphore_mem>>) src(%arg5 : memref<640x128xf32, #tpu.memory_space<hbm>>) dst(%dma_wait3A_26 : memref<640x128xf32, #tpu.memory_space<vmem_shared>>)
      tpu.yield
    }) : () -> ()
    %barrier3A = arith.constant 0 : index
    tpu.barrier barrier_id(%barrier3A)
    %scan3A = arith.constant 0 : i32
    %scan3A_1 = arith.constant 0 : i32
    %scan3A_2 = arith.constant 10 : i32
    %scan3A_3 = arith.addi %scan3A_1, %scan3A_2 : i32
    %scan3A_4 = arith.constant 1 : i32
    scf.for %scan3A_24 = %scan3A_1 to %scan3A_3 step %scan3A_4  : i32 {
      %mul3A_25 = arith.constant 160 : i32
      %mul3A_26 = arith.muli %arg1, %mul3A_25 : i32
      %mul3A_27 = arith.constant 16 : i32
      %mul3A_28 = arith.muli %scan3A_24, %mul3A_27 : i32
      %add3A = arith.addi %mul3A_26, %mul3A_28 : i32
      "tpu.region"() ({
        %run_scoped3A = tpu.sem_alloc : memref<!tpu.dma_semaphore, #tpu.memory_space<semaphore_mem>>
        %dma_start3A = arith.constant 0 : i32
        %dma_start3A_35 = tpu.memref_slice %arg2[%arg0, %add3A, %dma_start3A] : memref<2x2560x128xi32, #tpu.memory_space<hbm>> -> memref<1x16x128xi32, #tpu.memory_space<hbm>>
        %dma_start3A_36 = tpu.memref_squeeze %dma_start3A_35 : memref<1x16x128xi32, #tpu.memory_space<hbm>> -> memref<16x128xi32, #tpu.memory_space<hbm>>
        %dma_start3A_37 = arith.constant 0 : i32
        %dma_start3A_38 = tpu.memref_slice %arg2[%arg0, %add3A, %dma_start3A_37] : memref<2x2560x128xi32, #tpu.memory_space<hbm>> -> memref<1x16x128xi32, #tpu.memory_space<hbm>>
        %dma_start3A_39 = tpu.memref_squeeze %dma_start3A_38 : memref<1x16x128xi32, #tpu.memory_space<hbm>> -> memref<16x128xi32, #tpu.memory_space<hbm>>
        tpu.enqueue_dma source(%dma_start3A_39 : memref<16x128xi32, #tpu.memory_space<hbm>>) target(%arg8 : memref<16x128xi32, #tpu.memory_space<vmem>>) target_semaphore(%run_scoped3A : memref<!tpu.dma_semaphore, #tpu.memory_space<semaphore_mem>>)
        %dma_wait3A_40 = arith.constant 0 : i32
        %dma_wait3A_41 = tpu.memref_slice %arg2[%arg0, %add3A, %dma_wait3A_40] : memref<2x2560x128xi32, #tpu.memory_space<hbm>> -> memref<1x16x128xi32, #tpu.memory_space<hbm>>
        %dma_wait3A_42 = tpu.memref_squeeze %dma_wait3A_41 : memref<1x16x128xi32, #tpu.memory_space<hbm>> -> memref<16x128xi32, #tpu.memory_space<hbm>>
        %dma_wait3A_43 = arith.constant 0 : i32
        %dma_wait3A_44 = tpu.memref_slice %arg2[%arg0, %add3A, %dma_wait3A_43] : memref<2x2560x128xi32, #tpu.memory_space<hbm>> -> memref<1x16x128xi32, #tpu.memory_space<hbm>>
        %dma_wait3A_45 = tpu.memref_squeeze %dma_wait3A_44 : memref<1x16x128xi32, #tpu.memory_space<hbm>> -> memref<16x128xi32, #tpu.memory_space<hbm>>
        tpu.wait_dma2 semaphore(%run_scoped3A : memref<!tpu.dma_semaphore, #tpu.memory_space<semaphore_mem>>) src(%dma_wait3A_45 : memref<16x128xi32, #tpu.memory_space<hbm>>) dst(%arg8 : memref<16x128xi32, #tpu.memory_space<vmem>>)
        tpu.yield
      }) : () -> ()
      "tpu.region"() ({
        %run_scoped3A = tpu.sem_alloc : memref<!tpu.dma_semaphore, #tpu.memory_space<semaphore_mem>>
        %dma_start3A = arith.constant 0 : i32
        %dma_start3A_35 = tpu.memref_slice %arg3[%add3A, %dma_start3A] : memref<2560x128xi32, #tpu.memory_space<hbm>> -> memref<16x128xi32, #tpu.memory_space<hbm>>
        %dma_start3A_36 = arith.constant 0 : i32
        %dma_start3A_37 = tpu.memref_slice %arg3[%add3A, %dma_start3A_36] : memref<2560x128xi32, #tpu.memory_space<hbm>> -> memref<16x128xi32, #tpu.memory_space<hbm>>
        tpu.enqueue_dma source(%dma_start3A_37 : memref<16x128xi32, #tpu.memory_space<hbm>>) target(%arg9 : memref<16x128xi32, #tpu.memory_space<vmem>>) target_semaphore(%run_scoped3A : memref<!tpu.dma_semaphore, #tpu.memory_space<semaphore_mem>>)
        %dma_wait3A_38 = arith.constant 0 : i32
        %dma_wait3A_39 = tpu.memref_slice %arg3[%add3A, %dma_wait3A_38] : memref<2560x128xi32, #tpu.memory_space<hbm>> -> memref<16x128xi32, #tpu.memory_space<hbm>>
        %dma_wait3A_40 = arith.constant 0 : i32
        %dma_wait3A_41 = tpu.memref_slice %arg3[%add3A, %dma_wait3A_40] : memref<2560x128xi32, #tpu.memory_space<hbm>> -> memref<16x128xi32, #tpu.memory_space<hbm>>
        tpu.wait_dma2 semaphore(%run_scoped3A : memref<!tpu.dma_semaphore, #tpu.memory_space<semaphore_mem>>) src(%dma_wait3A_41 : memref<16x128xi32, #tpu.memory_space<hbm>>) dst(%arg9 : memref<16x128xi32, #tpu.memory_space<vmem>>)
        tpu.yield
      }) : () -> ()
      %scan3A_29 = arith.constant 0 : i32
      %scan3A_30 = arith.constant 0 : i32
      %scan3A_31 = arith.constant 8 : i32
      %scan3A_32 = arith.addi %scan3A_30, %scan3A_31 : i32
      %scan3A_33 = arith.constant 1 : i32
      scf.for %scan3A_35 = %scan3A_30 to %scan3A_32 step %scan3A_33  : i32 {
        %mul3A_36 = arith.constant 2 : i32
        %mul3A_37 = arith.muli %scan3A_35, %mul3A_36 : i32
        %mul3A_38 = arith.constant 2 : i32
        %mul3A_39 = arith.muli %scan3A_35, %mul3A_38 : i32
        %add3A_40 = arith.constant 1 : i32
        %add3A_41 = arith.addi %mul3A_39, %add3A_40 : i32
        %eq3A = arith.constant 0 : i32
        %eq3A_42 = arith.cmpi eq, %scan3A_24, %eq3A : i32
        %eq3A_43 = arith.constant 0 : i32
        %eq3A_44 = arith.cmpi eq, %scan3A_35, %eq3A_43 : i32
        %and3A = arith.andi %eq3A_42, %eq3A_44 : i1
        %not3A = arith.constant true
        %not3A_45 = arith.xori %and3A, %not3A : i1
        %convert_element_type3A = arith.extui %not3A_45 : i1 to i32
        %cond3A = arith.constant 0 : i32
        %cond3A_46 = arith.cmpi ne, %convert_element_type3A, %cond3A : i32
        scf.if %cond3A_46 {
          %dma_wait3A_82 = arith.constant 0 : i32
          %dma_wait3A_83 = tpu.memref_slice %arg9[%mul3A_37, %dma_wait3A_82] : memref<16x128xi32, #tpu.memory_space<vmem>> -> memref<1x128xi32, #tpu.memory_space<vmem>>
          %dma_wait3A_84 = tpu.memref_squeeze %dma_wait3A_83 : memref<1x128xi32, #tpu.memory_space<vmem>> -> memref<128xi32, #tpu.memory_space<vmem>>
          %dma_wait3A_85 = arith.constant 0 : i32
          %dma_wait3A_86 = arith.constant 0 : i32
          %dma_wait3A_87 = tpu.memref_slice %arg7[%dma_wait3A_85, %dma_wait3A_86] : memref<10240x128xf32, #tpu.memory_space<vmem_shared>> -> memref<10240x128xf32, #tpu.memory_space<vmem_shared>>
          tpu.wait_indirect_dma semaphore(%arg14 : memref<!tpu.dma_semaphore, #tpu.memory_space<semaphore_mem>>) src(%arg10 : memref<128x128xf32, #tpu.memory_space<vmem>>) dst(%dma_wait3A_87 : memref<10240x128xf32, #tpu.memory_space<vmem_shared>>)
          %dma_wait3A_88 = arith.constant 0 : i32
          %dma_wait3A_89 = tpu.memref_slice %arg9[%add3A_41, %dma_wait3A_88] : memref<16x128xi32, #tpu.memory_space<vmem>> -> memref<1x128xi32, #tpu.memory_space<vmem>>
          %dma_wait3A_90 = tpu.memref_squeeze %dma_wait3A_89 : memref<1x128xi32, #tpu.memory_space<vmem>> -> memref<128xi32, #tpu.memory_space<vmem>>
          %dma_wait3A_91 = arith.constant 0 : i32
          %dma_wait3A_92 = arith.constant 0 : i32
          %dma_wait3A_93 = tpu.memref_slice %arg7[%dma_wait3A_91, %dma_wait3A_92] : memref<10240x128xf32, #tpu.memory_space<vmem_shared>> -> memref<10240x128xf32, #tpu.memory_space<vmem_shared>>
          tpu.wait_indirect_dma semaphore(%arg15 : memref<!tpu.dma_semaphore, #tpu.memory_space<semaphore_mem>>) src(%arg11 : memref<128x128xf32, #tpu.memory_space<vmem>>) dst(%dma_wait3A_93 : memref<10240x128xf32, #tpu.memory_space<vmem_shared>>)
        } else {
        }
        %dma_start3A = arith.constant 0 : i32
        %dma_start3A_47 = tpu.memref_slice %arg8[%mul3A_37, %dma_start3A] : memref<16x128xi32, #tpu.memory_space<vmem>> -> memref<1x128xi32, #tpu.memory_space<vmem>>
        %dma_start3A_48 = tpu.memref_squeeze %dma_start3A_47 : memref<1x128xi32, #tpu.memory_space<vmem>> -> memref<128xi32, #tpu.memory_space<vmem>>
        %dma_start3A_49 = arith.constant 0 : i32
        %dma_start3A_50 = arith.constant 0 : i32
        %dma_start3A_51 = tpu.memref_slice %arg4[%dma_start3A_49, %dma_start3A_50] : memref<20480x128xf32, #tpu.memory_space<hbm>> -> memref<20480x128xf32, #tpu.memory_space<hbm>>
        tpu.enqueue_indirect_dma source(%dma_start3A_51 : memref<20480x128xf32, #tpu.memory_space<hbm>>) target(%arg10 : memref<128x128xf32, #tpu.memory_space<vmem>>) offsets(%dma_start3A_48 : memref<128xi32, #tpu.memory_space<vmem>>) semaphore(%arg12 : memref<!tpu.dma_semaphore, #tpu.memory_space<semaphore_mem>>)
        %dma_start3A_52 = arith.constant 0 : i32
        %dma_start3A_53 = tpu.memref_slice %arg8[%add3A_41, %dma_start3A_52] : memref<16x128xi32, #tpu.memory_space<vmem>> -> memref<1x128xi32, #tpu.memory_space<vmem>>
        %dma_start3A_54 = tpu.memref_squeeze %dma_start3A_53 : memref<1x128xi32, #tpu.memory_space<vmem>> -> memref<128xi32, #tpu.memory_space<vmem>>
        %dma_start3A_55 = arith.constant 0 : i32
        %dma_start3A_56 = arith.constant 0 : i32
        %dma_start3A_57 = tpu.memref_slice %arg4[%dma_start3A_55, %dma_start3A_56] : memref<20480x128xf32, #tpu.memory_space<hbm>> -> memref<20480x128xf32, #tpu.memory_space<hbm>>
        tpu.enqueue_indirect_dma source(%dma_start3A_57 : memref<20480x128xf32, #tpu.memory_space<hbm>>) target(%arg11 : memref<128x128xf32, #tpu.memory_space<vmem>>) offsets(%dma_start3A_54 : memref<128xi32, #tpu.memory_space<vmem>>) semaphore(%arg13 : memref<!tpu.dma_semaphore, #tpu.memory_space<semaphore_mem>>)
        %dma_wait3A_58 = arith.constant 0 : i32
        %dma_wait3A_59 = tpu.memref_slice %arg8[%mul3A_37, %dma_wait3A_58] : memref<16x128xi32, #tpu.memory_space<vmem>> -> memref<1x128xi32, #tpu.memory_space<vmem>>
        %dma_wait3A_60 = tpu.memref_squeeze %dma_wait3A_59 : memref<1x128xi32, #tpu.memory_space<vmem>> -> memref<128xi32, #tpu.memory_space<vmem>>
        %dma_wait3A_61 = arith.constant 0 : i32
        %dma_wait3A_62 = arith.constant 0 : i32
        %dma_wait3A_63 = tpu.memref_slice %arg4[%dma_wait3A_61, %dma_wait3A_62] : memref<20480x128xf32, #tpu.memory_space<hbm>> -> memref<20480x128xf32, #tpu.memory_space<hbm>>
        tpu.wait_indirect_dma semaphore(%arg12 : memref<!tpu.dma_semaphore, #tpu.memory_space<semaphore_mem>>) src(%dma_wait3A_63 : memref<20480x128xf32, #tpu.memory_space<hbm>>) dst(%arg10 : memref<128x128xf32, #tpu.memory_space<vmem>>)
        %dma_start3A_64 = arith.constant 0 : i32
        %dma_start3A_65 = tpu.memref_slice %arg9[%mul3A_37, %dma_start3A_64] : memref<16x128xi32, #tpu.memory_space<vmem>> -> memref<1x128xi32, #tpu.memory_space<vmem>>
        %dma_start3A_66 = tpu.memref_squeeze %dma_start3A_65 : memref<1x128xi32, #tpu.memory_space<vmem>> -> memref<128xi32, #tpu.memory_space<vmem>>
        %dma_start3A_67 = arith.constant 0 : i32
        %dma_start3A_68 = arith.constant 0 : i32
        %dma_start3A_69 = tpu.memref_slice %arg7[%dma_start3A_67, %dma_start3A_68] : memref<10240x128xf32, #tpu.memory_space<vmem_shared>> -> memref<10240x128xf32, #tpu.memory_space<vmem_shared>>
        tpu.enqueue_indirect_dma source(%arg10 : memref<128x128xf32, #tpu.memory_space<vmem>>) target(%dma_start3A_69 : memref<10240x128xf32, #tpu.memory_space<vmem_shared>>) offsets(%dma_start3A_66 : memref<128xi32, #tpu.memory_space<vmem>>) semaphore(%arg14 : memref<!tpu.dma_semaphore, #tpu.memory_space<semaphore_mem>>) {add = true}
        %dma_wait3A_70 = arith.constant 0 : i32
        %dma_wait3A_71 = tpu.memref_slice %arg8[%add3A_41, %dma_wait3A_70] : memref<16x128xi32, #tpu.memory_space<vmem>> -> memref<1x128xi32, #tpu.memory_space<vmem>>
        %dma_wait3A_72 = tpu.memref_squeeze %dma_wait3A_71 : memref<1x128xi32, #tpu.memory_space<vmem>> -> memref<128xi32, #tpu.memory_space<vmem>>
        %dma_wait3A_73 = arith.constant 0 : i32
        %dma_wait3A_74 = arith.constant 0 : i32
        %dma_wait3A_75 = tpu.memref_slice %arg4[%dma_wait3A_73, %dma_wait3A_74] : memref<20480x128xf32, #tpu.memory_space<hbm>> -> memref<20480x128xf32, #tpu.memory_space<hbm>>
        tpu.wait_indirect_dma semaphore(%arg13 : memref<!tpu.dma_semaphore, #tpu.memory_space<semaphore_mem>>) src(%dma_wait3A_75 : memref<20480x128xf32, #tpu.memory_space<hbm>>) dst(%arg11 : memref<128x128xf32, #tpu.memory_space<vmem>>)
        %dma_start3A_76 = arith.constant 0 : i32
        %dma_start3A_77 = tpu.memref_slice %arg9[%add3A_41, %dma_start3A_76] : memref<16x128xi32, #tpu.memory_space<vmem>> -> memref<1x128xi32, #tpu.memory_space<vmem>>
        %dma_start3A_78 = tpu.memref_squeeze %dma_start3A_77 : memref<1x128xi32, #tpu.memory_space<vmem>> -> memref<128xi32, #tpu.memory_space<vmem>>
        %dma_start3A_79 = arith.constant 0 : i32
        %dma_start3A_80 = arith.constant 0 : i32
        %dma_start3A_81 = tpu.memref_slice %arg7[%dma_start3A_79, %dma_start3A_80] : memref<10240x128xf32, #tpu.memory_space<vmem_shared>> -> memref<10240x128xf32, #tpu.memory_space<vmem_shared>>
        tpu.enqueue_indirect_dma source(%arg11 : memref<128x128xf32, #tpu.memory_space<vmem>>) target(%dma_start3A_81 : memref<10240x128xf32, #tpu.memory_space<vmem_shared>>) offsets(%dma_start3A_78 : memref<128xi32, #tpu.memory_space<vmem>>) semaphore(%arg15 : memref<!tpu.dma_semaphore, #tpu.memory_space<semaphore_mem>>) {add = true}
      }
      %scan3A_34 = arith.constant 8 : i32
    }
    %scan3A_5 = arith.constant 10 : i32
    %dma_wait3A = arith.constant 14 : i32
    %dma_wait3A_6 = arith.constant 0 : i32
    %dma_wait3A_7 = tpu.memref_slice %arg9[%dma_wait3A, %dma_wait3A_6] : memref<16x128xi32, #tpu.memory_space<vmem>> -> memref<1x128xi32, #tpu.memory_space<vmem>>
    %dma_wait3A_8 = tpu.memref_squeeze %dma_wait3A_7 : memref<1x128xi32, #tpu.memory_space<vmem>> -> memref<128xi32, #tpu.memory_space<vmem>>
    %dma_wait3A_9 = arith.constant 0 : i32
    %dma_wait3A_10 = arith.constant 0 : i32
    %dma_wait3A_11 = tpu.memref_slice %arg7[%dma_wait3A_9, %dma_wait3A_10] : memref<10240x128xf32, #tpu.memory_space<vmem_shared>> -> memref<10240x128xf32, #tpu.memory_space<vmem_shared>>
    tpu.wait_indirect_dma semaphore(%arg14 : memref<!tpu.dma_semaphore, #tpu.memory_space<semaphore_mem>>) src(%arg10 : memref<128x128xf32, #tpu.memory_space<vmem>>) dst(%dma_wait3A_11 : memref<10240x128xf32, #tpu.memory_space<vmem_shared>>)
    %dma_wait3A_12 = arith.constant 15 : i32
    %dma_wait3A_13 = arith.constant 0 : i32
    %dma_wait3A_14 = tpu.memref_slice %arg9[%dma_wait3A_12, %dma_wait3A_13] : memref<16x128xi32, #tpu.memory_space<vmem>> -> memref<1x128xi32, #tpu.memory_space<vmem>>
    %dma_wait3A_15 = tpu.memref_squeeze %dma_wait3A_14 : memref<1x128xi32, #tpu.memory_space<vmem>> -> memref<128xi32, #tpu.memory_space<vmem>>
    %dma_wait3A_16 = arith.constant 0 : i32
    %dma_wait3A_17 = arith.constant 0 : i32
    %dma_wait3A_18 = tpu.memref_slice %arg7[%dma_wait3A_16, %dma_wait3A_17] : memref<10240x128xf32, #tpu.memory_space<vmem_shared>> -> memref<10240x128xf32, #tpu.memory_space<vmem_shared>>
    tpu.wait_indirect_dma semaphore(%arg15 : memref<!tpu.dma_semaphore, #tpu.memory_space<semaphore_mem>>) src(%arg11 : memref<128x128xf32, #tpu.memory_space<vmem>>) dst(%dma_wait3A_18 : memref<10240x128xf32, #tpu.memory_space<vmem_shared>>)
    %barrier3A_19 = arith.constant 0 : index
    tpu.barrier barrier_id(%barrier3A_19)
    %mul3A_20 = arith.constant 640 : i32
    %mul3A_21 = arith.muli %arg1, %mul3A_20 : i32
    %mul3A_22 = arith.constant 640 : i32
    %mul3A_23 = arith.muli %arg1, %mul3A_22 : i32
    "tpu.region"() ({
      %run_scoped3A = tpu.sem_alloc : memref<!tpu.dma_semaphore, #tpu.memory_space<semaphore_mem>>
      %dma_start3A = arith.constant 0 : i32
      %dma_start3A_24 = tpu.memref_slice %arg6[%arg0, %mul3A_23, %dma_start3A] : memref<2x10240x128xf32, #tpu.memory_space<hbm>> -> memref<1x640x128xf32, #tpu.memory_space<hbm>>
      %dma_start3A_25 = tpu.memref_squeeze %dma_start3A_24 : memref<1x640x128xf32, #tpu.memory_space<hbm>> -> memref<640x128xf32, #tpu.memory_space<hbm>>
      %dma_start3A_26 = arith.constant 0 : i32
      %dma_start3A_27 = tpu.memref_slice %arg7[%mul3A_21, %dma_start3A_26] : memref<10240x128xf32, #tpu.memory_space<vmem_shared>> -> memref<640x128xf32, #tpu.memory_space<vmem_shared>>
      tpu.enqueue_dma source(%dma_start3A_27 : memref<640x128xf32, #tpu.memory_space<vmem_shared>>) target(%dma_start3A_25 : memref<640x128xf32, #tpu.memory_space<hbm>>) target_semaphore(%run_scoped3A : memref<!tpu.dma_semaphore, #tpu.memory_space<semaphore_mem>>)
      %dma_wait3A_28 = arith.constant 0 : i32
      %dma_wait3A_29 = tpu.memref_slice %arg6[%arg0, %mul3A_23, %dma_wait3A_28] : memref<2x10240x128xf32, #tpu.memory_space<hbm>> -> memref<1x640x128xf32, #tpu.memory_space<hbm>>
      %dma_wait3A_30 = tpu.memref_squeeze %dma_wait3A_29 : memref<1x640x128xf32, #tpu.memory_space<hbm>> -> memref<640x128xf32, #tpu.memory_space<hbm>>
      %dma_wait3A_31 = arith.constant 0 : i32
      %dma_wait3A_32 = tpu.memref_slice %arg7[%mul3A_21, %dma_wait3A_31] : memref<10240x128xf32, #tpu.memory_space<vmem_shared>> -> memref<640x128xf32, #tpu.memory_space<vmem_shared>>
      tpu.wait_dma2 semaphore(%run_scoped3A : memref<!tpu.dma_semaphore, #tpu.memory_space<semaphore_mem>>) src(%dma_wait3A_32 : memref<640x128xf32, #tpu.memory_space<vmem_shared>>) dst(%dma_wait3A_30 : memref<640x128xf32, #tpu.memory_space<hbm>>)
      tpu.yield
    }) : () -> ()
    return
  }
}

#map = affine_map<(d0, d1) -> (0, 0, 0)>
#map1 = affine_map<(d0, d1) -> (0, 0)>
module attributes {stable_mosaic.version = 14 : i64} {
  func.func @_spmm_kernel(%arg0: i32, %arg1: i32, %arg2: memref<2x2560x128xi32, #tpu.memory_space<hbm>>, %arg3: memref<2560x128xi32, #tpu.memory_space<hbm>>, %arg4: memref<20480x128xf32, #tpu.memory_space<hbm>>, %arg5: memref<640x128xf32, #tpu.memory_space<hbm>>, %arg6: memref<2x10240x128xf32, #tpu.memory_space<hbm>>, %arg7: memref<10240x128xf32, #tpu.memory_space<vmem_shared>>, %arg8: memref<16x128xi32, #tpu.memory_space<vmem>>, %arg9: memref<16x128xi32, #tpu.memory_space<vmem>>, %arg10: memref<128x128xf32, #tpu.memory_space<vmem>>, %arg11: memref<128x128xf32, #tpu.memory_space<vmem>>, %arg12: memref<!tpu.dma_semaphore, #tpu.memory_space<semaphore_mem>>, %arg13: memref<!tpu.dma_semaphore, #tpu.memory_space<semaphore_mem>>, %arg14: memref<!tpu.dma_semaphore, #tpu.memory_space<semaphore_mem>>, %arg15: memref<!tpu.dma_semaphore, #tpu.memory_space<semaphore_mem>>) attributes {dimension_semantics = [#tpu.dimension_semantics<core_parallel>, #tpu.dimension_semantics<subcore_parallel>], iteration_bounds = array<i64: 2, 16>, scalar_prefetch = 0 : i64, scratch_operands = 9 : i64, tpu.core_type = #tpu.core_type<sc_vector_subcore>, window_params = [{transform_indices = #map}, {transform_indices = #map1}, {transform_indices = #map1}, {transform_indices = #map1}, {transform_indices = #map}]} {
    %mul3A = arith.constant 640 : i32
    %mul3A_0 = arith.muli %arg1, %mul3A : i32
    "tpu.region"() ({
      %run_scoped3A = tpu.sem_alloc : memref<!tpu.dma_semaphore, #tpu.memory_space<semaphore_mem>>
      %dma_start3A = arith.constant 0 : i32
      %dma_start3A_24 = tpu.memref_slice %arg7[%mul3A_0, %dma_start3A] : memref<10240x128xf32, #tpu.memory_space<vmem_shared>> -> memref<640x128xf32, #tpu.memory_space<vmem_shared>>
      tpu.enqueue_dma source(%arg5 : memref<640x128xf32, #tpu.memory_space<hbm>>) target(%dma_start3A_24 : memref<640x128xf32, #tpu.memory_space<vmem_shared>>) target_semaphore(%run_scoped3A : memref<!tpu.dma_semaphore, #tpu.memory_space<semaphore_mem>>)
      %dma_wait3A_25 = arith.constant 0 : i32
      %dma_wait3A_26 = tpu.memref_slice %arg7[%mul3A_0, %dma_wait3A_25] : memref<10240x128xf32, #tpu.memory_space<vmem_shared>> -> memref<640x128xf32, #tpu.memory_space<vmem_shared>>
      tpu.wait_dma2 semaphore(%run_scoped3A : memref<!tpu.dma_semaphore, #tpu.memory_space<semaphore_mem>>) src(%arg5 : memref<640x128xf32, #tpu.memory_space<hbm>>) dst(%dma_wait3A_26 : memref<640x128xf32, #tpu.memory_space<vmem_shared>>)
      tpu.yield
    }) : () -> ()
    %barrier3A = arith.constant 0 : index
    tpu.barrier barrier_id(%barrier3A)
    %scan3A = arith.constant 0 : i32
    %scan3A_1 = arith.constant 0 : i32
    %scan3A_2 = arith.constant 10 : i32
    %scan3A_3 = arith.addi %scan3A_1, %scan3A_2 : i32
    %scan3A_4 = arith.constant 1 : i32
    scf.for %scan3A_24 = %scan3A_1 to %scan3A_3 step %scan3A_4  : i32 {
      %mul3A_25 = arith.constant 160 : i32
      %mul3A_26 = arith.muli %arg1, %mul3A_25 : i32
      %mul3A_27 = arith.constant 16 : i32
      %mul3A_28 = arith.muli %scan3A_24, %mul3A_27 : i32
      %add3A = arith.addi %mul3A_26, %mul3A_28 : i32
      "tpu.region"() ({
        %run_scoped3A = tpu.sem_alloc : memref<!tpu.dma_semaphore, #tpu.memory_space<semaphore_mem>>
        %dma_start3A = arith.constant 0 : i32
        %dma_start3A_35 = tpu.memref_slice %arg2[%arg0, %add3A, %dma_start3A] : memref<2x2560x128xi32, #tpu.memory_space<hbm>> -> memref<1x16x128xi32, #tpu.memory_space<hbm>>
        %dma_start3A_36 = tpu.memref_squeeze %dma_start3A_35 : memref<1x16x128xi32, #tpu.memory_space<hbm>> -> memref<16x128xi32, #tpu.memory_space<hbm>>
        %dma_start3A_37 = arith.constant 0 : i32
        %dma_start3A_38 = tpu.memref_slice %arg2[%arg0, %add3A, %dma_start3A_37] : memref<2x2560x128xi32, #tpu.memory_space<hbm>> -> memref<1x16x128xi32, #tpu.memory_space<hbm>>
        %dma_start3A_39 = tpu.memref_squeeze %dma_start3A_38 : memref<1x16x128xi32, #tpu.memory_space<hbm>> -> memref<16x128xi32, #tpu.memory_space<hbm>>
        tpu.enqueue_dma source(%dma_start3A_39 : memref<16x128xi32, #tpu.memory_space<hbm>>) target(%arg8 : memref<16x128xi32, #tpu.memory_space<vmem>>) target_semaphore(%run_scoped3A : memref<!tpu.dma_semaphore, #tpu.memory_space<semaphore_mem>>)
        %dma_wait3A_40 = arith.constant 0 : i32
        %dma_wait3A_41 = tpu.memref_slice %arg2[%arg0, %add3A, %dma_wait3A_40] : memref<2x2560x128xi32, #tpu.memory_space<hbm>> -> memref<1x16x128xi32, #tpu.memory_space<hbm>>
        %dma_wait3A_42 = tpu.memref_squeeze %dma_wait3A_41 : memref<1x16x128xi32, #tpu.memory_space<hbm>> -> memref<16x128xi32, #tpu.memory_space<hbm>>
        %dma_wait3A_43 = arith.constant 0 : i32
        %dma_wait3A_44 = tpu.memref_slice %arg2[%arg0, %add3A, %dma_wait3A_43] : memref<2x2560x128xi32, #tpu.memory_space<hbm>> -> memref<1x16x128xi32, #tpu.memory_space<hbm>>
        %dma_wait3A_45 = tpu.memref_squeeze %dma_wait3A_44 : memref<1x16x128xi32, #tpu.memory_space<hbm>> -> memref<16x128xi32, #tpu.memory_space<hbm>>
        tpu.wait_dma2 semaphore(%run_scoped3A : memref<!tpu.dma_semaphore, #tpu.memory_space<semaphore_mem>>) src(%dma_wait3A_45 : memref<16x128xi32, #tpu.memory_space<hbm>>) dst(%arg8 : memref<16x128xi32, #tpu.memory_space<vmem>>)
        tpu.yield
      }) : () -> ()
      "tpu.region"() ({
        %run_scoped3A = tpu.sem_alloc : memref<!tpu.dma_semaphore, #tpu.memory_space<semaphore_mem>>
        %dma_start3A = arith.constant 0 : i32
        %dma_start3A_35 = tpu.memref_slice %arg3[%add3A, %dma_start3A] : memref<2560x128xi32, #tpu.memory_space<hbm>> -> memref<16x128xi32, #tpu.memory_space<hbm>>
        %dma_start3A_36 = arith.constant 0 : i32
        %dma_start3A_37 = tpu.memref_slice %arg3[%add3A, %dma_start3A_36] : memref<2560x128xi32, #tpu.memory_space<hbm>> -> memref<16x128xi32, #tpu.memory_space<hbm>>
        tpu.enqueue_dma source(%dma_start3A_37 : memref<16x128xi32, #tpu.memory_space<hbm>>) target(%arg9 : memref<16x128xi32, #tpu.memory_space<vmem>>) target_semaphore(%run_scoped3A : memref<!tpu.dma_semaphore, #tpu.memory_space<semaphore_mem>>)
        %dma_wait3A_38 = arith.constant 0 : i32
        %dma_wait3A_39 = tpu.memref_slice %arg3[%add3A, %dma_wait3A_38] : memref<2560x128xi32, #tpu.memory_space<hbm>> -> memref<16x128xi32, #tpu.memory_space<hbm>>
        %dma_wait3A_40 = arith.constant 0 : i32
        %dma_wait3A_41 = tpu.memref_slice %arg3[%add3A, %dma_wait3A_40] : memref<2560x128xi32, #tpu.memory_space<hbm>> -> memref<16x128xi32, #tpu.memory_space<hbm>>
        tpu.wait_dma2 semaphore(%run_scoped3A : memref<!tpu.dma_semaphore, #tpu.memory_space<semaphore_mem>>) src(%dma_wait3A_41 : memref<16x128xi32, #tpu.memory_space<hbm>>) dst(%arg9 : memref<16x128xi32, #tpu.memory_space<vmem>>)
        tpu.yield
      }) : () -> ()
      %scan3A_29 = arith.constant 0 : i32
      %scan3A_30 = arith.constant 0 : i32
      %scan3A_31 = arith.constant 8 : i32
      %scan3A_32 = arith.addi %scan3A_30, %scan3A_31 : i32
      %scan3A_33 = arith.constant 1 : i32
      scf.for %scan3A_35 = %scan3A_30 to %scan3A_32 step %scan3A_33  : i32 {
        %mul3A_36 = arith.constant 2 : i32
        %mul3A_37 = arith.muli %scan3A_35, %mul3A_36 : i32
        %mul3A_38 = arith.constant 2 : i32
        %mul3A_39 = arith.muli %scan3A_35, %mul3A_38 : i32
        %add3A_40 = arith.constant 1 : i32
        %add3A_41 = arith.addi %mul3A_39, %add3A_40 : i32
        %eq3A = arith.constant 0 : i32
        %eq3A_42 = arith.cmpi eq, %scan3A_24, %eq3A : i32
        %eq3A_43 = arith.constant 0 : i32
        %eq3A_44 = arith.cmpi eq, %scan3A_35, %eq3A_43 : i32
        %and3A = arith.andi %eq3A_42, %eq3A_44 : i1
        %not3A = arith.constant true
        %not3A_45 = arith.xori %and3A, %not3A : i1
        %convert_element_type3A = arith.extui %not3A_45 : i1 to i32
        %cond3A = arith.constant 0 : i32
        %cond3A_46 = arith.cmpi ne, %convert_element_type3A, %cond3A : i32
        scf.if %cond3A_46 {
          %dma_wait3A_82 = arith.constant 0 : i32
          %dma_wait3A_83 = tpu.memref_slice %arg9[%mul3A_37, %dma_wait3A_82] : memref<16x128xi32, #tpu.memory_space<vmem>> -> memref<1x128xi32, #tpu.memory_space<vmem>>
          %dma_wait3A_84 = tpu.memref_squeeze %dma_wait3A_83 : memref<1x128xi32, #tpu.memory_space<vmem>> -> memref<128xi32, #tpu.memory_space<vmem>>
          %dma_wait3A_85 = arith.constant 0 : i32
          %dma_wait3A_86 = arith.constant 0 : i32
          %dma_wait3A_87 = tpu.memref_slice %arg7[%dma_wait3A_85, %dma_wait3A_86] : memref<10240x128xf32, #tpu.memory_space<vmem_shared>> -> memref<10240x128xf32, #tpu.memory_space<vmem_shared>>
          tpu.wait_indirect_dma semaphore(%arg14 : memref<!tpu.dma_semaphore, #tpu.memory_space<semaphore_mem>>) src(%arg10 : memref<128x128xf32, #tpu.memory_space<vmem>>) dst(%dma_wait3A_87 : memref<10240x128xf32, #tpu.memory_space<vmem_shared>>)
          %dma_wait3A_88 = arith.constant 0 : i32
          %dma_wait3A_89 = tpu.memref_slice %arg9[%add3A_41, %dma_wait3A_88] : memref<16x128xi32, #tpu.memory_space<vmem>> -> memref<1x128xi32, #tpu.memory_space<vmem>>
          %dma_wait3A_90 = tpu.memref_squeeze %dma_wait3A_89 : memref<1x128xi32, #tpu.memory_space<vmem>> -> memref<128xi32, #tpu.memory_space<vmem>>
          %dma_wait3A_91 = arith.constant 0 : i32
          %dma_wait3A_92 = arith.constant 0 : i32
          %dma_wait3A_93 = tpu.memref_slice %arg7[%dma_wait3A_91, %dma_wait3A_92] : memref<10240x128xf32, #tpu.memory_space<vmem_shared>> -> memref<10240x128xf32, #tpu.memory_space<vmem_shared>>
          tpu.wait_indirect_dma semaphore(%arg15 : memref<!tpu.dma_semaphore, #tpu.memory_space<semaphore_mem>>) src(%arg11 : memref<128x128xf32, #tpu.memory_space<vmem>>) dst(%dma_wait3A_93 : memref<10240x128xf32, #tpu.memory_space<vmem_shared>>)
        } else {
        }
        %dma_start3A = arith.constant 0 : i32
        %dma_start3A_47 = tpu.memref_slice %arg8[%mul3A_37, %dma_start3A] : memref<16x128xi32, #tpu.memory_space<vmem>> -> memref<1x128xi32, #tpu.memory_space<vmem>>
        %dma_start3A_48 = tpu.memref_squeeze %dma_start3A_47 : memref<1x128xi32, #tpu.memory_space<vmem>> -> memref<128xi32, #tpu.memory_space<vmem>>
        %dma_start3A_49 = arith.constant 0 : i32
        %dma_start3A_50 = arith.constant 0 : i32
        %dma_start3A_51 = tpu.memref_slice %arg4[%dma_start3A_49, %dma_start3A_50] : memref<20480x128xf32, #tpu.memory_space<hbm>> -> memref<20480x128xf32, #tpu.memory_space<hbm>>
        tpu.enqueue_indirect_dma source(%dma_start3A_51 : memref<20480x128xf32, #tpu.memory_space<hbm>>) target(%arg10 : memref<128x128xf32, #tpu.memory_space<vmem>>) offsets(%dma_start3A_48 : memref<128xi32, #tpu.memory_space<vmem>>) semaphore(%arg12 : memref<!tpu.dma_semaphore, #tpu.memory_space<semaphore_mem>>)
        %dma_start3A_52 = arith.constant 0 : i32
        %dma_start3A_53 = tpu.memref_slice %arg8[%add3A_41, %dma_start3A_52] : memref<16x128xi32, #tpu.memory_space<vmem>> -> memref<1x128xi32, #tpu.memory_space<vmem>>
        %dma_start3A_54 = tpu.memref_squeeze %dma_start3A_53 : memref<1x128xi32, #tpu.memory_space<vmem>> -> memref<128xi32, #tpu.memory_space<vmem>>
        %dma_start3A_55 = arith.constant 0 : i32
        %dma_start3A_56 = arith.constant 0 : i32
        %dma_start3A_57 = tpu.memref_slice %arg4[%dma_start3A_55, %dma_start3A_56] : memref<20480x128xf32, #tpu.memory_space<hbm>> -> memref<20480x128xf32, #tpu.memory_space<hbm>>
        tpu.enqueue_indirect_dma source(%dma_start3A_57 : memref<20480x128xf32, #tpu.memory_space<hbm>>) target(%arg11 : memref<128x128xf32, #tpu.memory_space<vmem>>) offsets(%dma_start3A_54 : memref<128xi32, #tpu.memory_space<vmem>>) semaphore(%arg13 : memref<!tpu.dma_semaphore, #tpu.memory_space<semaphore_mem>>)
        %dma_wait3A_58 = arith.constant 0 : i32
        %dma_wait3A_59 = tpu.memref_slice %arg8[%mul3A_37, %dma_wait3A_58] : memref<16x128xi32, #tpu.memory_space<vmem>> -> memref<1x128xi32, #tpu.memory_space<vmem>>
        %dma_wait3A_60 = tpu.memref_squeeze %dma_wait3A_59 : memref<1x128xi32, #tpu.memory_space<vmem>> -> memref<128xi32, #tpu.memory_space<vmem>>
        %dma_wait3A_61 = arith.constant 0 : i32
        %dma_wait3A_62 = arith.constant 0 : i32
        %dma_wait3A_63 = tpu.memref_slice %arg4[%dma_wait3A_61, %dma_wait3A_62] : memref<20480x128xf32, #tpu.memory_space<hbm>> -> memref<20480x128xf32, #tpu.memory_space<hbm>>
        tpu.wait_indirect_dma semaphore(%arg12 : memref<!tpu.dma_semaphore, #tpu.memory_space<semaphore_mem>>) src(%dma_wait3A_63 : memref<20480x128xf32, #tpu.memory_space<hbm>>) dst(%arg10 : memref<128x128xf32, #tpu.memory_space<vmem>>)
        %dma_start3A_64 = arith.constant 0 : i32
        %dma_start3A_65 = tpu.memref_slice %arg9[%mul3A_37, %dma_start3A_64] : memref<16x128xi32, #tpu.memory_space<vmem>> -> memref<1x128xi32, #tpu.memory_space<vmem>>
        %dma_start3A_66 = tpu.memref_squeeze %dma_start3A_65 : memref<1x128xi32, #tpu.memory_space<vmem>> -> memref<128xi32, #tpu.memory_space<vmem>>
        %dma_start3A_67 = arith.constant 0 : i32
        %dma_start3A_68 = arith.constant 0 : i32
        %dma_start3A_69 = tpu.memref_slice %arg7[%dma_start3A_67, %dma_start3A_68] : memref<10240x128xf32, #tpu.memory_space<vmem_shared>> -> memref<10240x128xf32, #tpu.memory_space<vmem_shared>>
        tpu.enqueue_indirect_dma source(%arg10 : memref<128x128xf32, #tpu.memory_space<vmem>>) target(%dma_start3A_69 : memref<10240x128xf32, #tpu.memory_space<vmem_shared>>) offsets(%dma_start3A_66 : memref<128xi32, #tpu.memory_space<vmem>>) semaphore(%arg14 : memref<!tpu.dma_semaphore, #tpu.memory_space<semaphore_mem>>) {add = true}
        %dma_wait3A_70 = arith.constant 0 : i32
        %dma_wait3A_71 = tpu.memref_slice %arg8[%add3A_41, %dma_wait3A_70] : memref<16x128xi32, #tpu.memory_space<vmem>> -> memref<1x128xi32, #tpu.memory_space<vmem>>
        %dma_wait3A_72 = tpu.memref_squeeze %dma_wait3A_71 : memref<1x128xi32, #tpu.memory_space<vmem>> -> memref<128xi32, #tpu.memory_space<vmem>>
        %dma_wait3A_73 = arith.constant 0 : i32
        %dma_wait3A_74 = arith.constant 0 : i32
        %dma_wait3A_75 = tpu.memref_slice %arg4[%dma_wait3A_73, %dma_wait3A_74] : memref<20480x128xf32, #tpu.memory_space<hbm>> -> memref<20480x128xf32, #tpu.memory_space<hbm>>
        tpu.wait_indirect_dma semaphore(%arg13 : memref<!tpu.dma_semaphore, #tpu.memory_space<semaphore_mem>>) src(%dma_wait3A_75 : memref<20480x128xf32, #tpu.memory_space<hbm>>) dst(%arg11 : memref<128x128xf32, #tpu.memory_space<vmem>>)
        %dma_start3A_76 = arith.constant 0 : i32
        %dma_start3A_77 = tpu.memref_slice %arg9[%add3A_41, %dma_start3A_76] : memref<16x128xi32, #tpu.memory_space<vmem>> -> memref<1x128xi32, #tpu.memory_space<vmem>>
        %dma_start3A_78 = tpu.memref_squeeze %dma_start3A_77 : memref<1x128xi32, #tpu.memory_space<vmem>> -> memref<128xi32, #tpu.memory_space<vmem>>
        %dma_start3A_79 = arith.constant 0 : i32
        %dma_start3A_80 = arith.constant 0 : i32
        %dma_start3A_81 = tpu.memref_slice %arg7[%dma_start3A_79, %dma_start3A_80] : memref<10240x128xf32, #tpu.memory_space<vmem_shared>> -> memref<10240x128xf32, #tpu.memory_space<vmem_shared>>
        tpu.enqueue_indirect_dma source(%arg11 : memref<128x128xf32, #tpu.memory_space<vmem>>) target(%dma_start3A_81 : memref<10240x128xf32, #tpu.memory_space<vmem_shared>>) offsets(%dma_start3A_78 : memref<128xi32, #tpu.memory_space<vmem>>) semaphore(%arg15 : memref<!tpu.dma_semaphore, #tpu.memory_space<semaphore_mem>>) {add = true}
      }
      %scan3A_34 = arith.constant 8 : i32
    }
    %scan3A_5 = arith.constant 10 : i32
    %dma_wait3A = arith.constant 14 : i32
    %dma_wait3A_6 = arith.constant 0 : i32
    %dma_wait3A_7 = tpu.memref_slice %arg9[%dma_wait3A, %dma_wait3A_6] : memref<16x128xi32, #tpu.memory_space<vmem>> -> memref<1x128xi32, #tpu.memory_space<vmem>>
    %dma_wait3A_8 = tpu.memref_squeeze %dma_wait3A_7 : memref<1x128xi32, #tpu.memory_space<vmem>> -> memref<128xi32, #tpu.memory_space<vmem>>
    %dma_wait3A_9 = arith.constant 0 : i32
    %dma_wait3A_10 = arith.constant 0 : i32
    %dma_wait3A_11 = tpu.memref_slice %arg7[%dma_wait3A_9, %dma_wait3A_10] : memref<10240x128xf32, #tpu.memory_space<vmem_shared>> -> memref<10240x128xf32, #tpu.memory_space<vmem_shared>>
    tpu.wait_indirect_dma semaphore(%arg14 : memref<!tpu.dma_semaphore, #tpu.memory_space<semaphore_mem>>) src(%arg10 : memref<128x128xf32, #tpu.memory_space<vmem>>) dst(%dma_wait3A_11 : memref<10240x128xf32, #tpu.memory_space<vmem_shared>>)
    %dma_wait3A_12 = arith.constant 15 : i32
    %dma_wait3A_13 = arith.constant 0 : i32
    %dma_wait3A_14 = tpu.memref_slice %arg9[%dma_wait3A_12, %dma_wait3A_13] : memref<16x128xi32, #tpu.memory_space<vmem>> -> memref<1x128xi32, #tpu.memory_space<vmem>>
    %dma_wait3A_15 = tpu.memref_squeeze %dma_wait3A_14 : memref<1x128xi32, #tpu.memory_space<vmem>> -> memref<128xi32, #tpu.memory_space<vmem>>
    %dma_wait3A_16 = arith.constant 0 : i32
    %dma_wait3A_17 = arith.constant 0 : i32
    %dma_wait3A_18 = tpu.memref_slice %arg7[%dma_wait3A_16, %dma_wait3A_17] : memref<10240x128xf32, #tpu.memory_space<vmem_shared>> -> memref<10240x128xf32, #tpu.memory_space<vmem_shared>>
    tpu.wait_indirect_dma semaphore(%arg15 : memref<!tpu.dma_semaphore, #tpu.memory_space<semaphore_mem>>) src(%arg11 : memref<128x128xf32, #tpu.memory_space<vmem>>) dst(%dma_wait3A_18 : memref<10240x128xf32, #tpu.memory_space<vmem_shared>>)
    %barrier3A_19 = arith.constant 0 : index
    tpu.barrier barrier_id(%barrier3A_19)
    %mul3A_20 = arith.constant 640 : i32
    %mul3A_21 = arith.muli %arg1, %mul3A_20 : i32
    %mul3A_22 = arith.constant 640 : i32
    %mul3A_23 = arith.muli %arg1, %mul3A_22 : i32
    "tpu.region"() ({
      %run_scoped3A = tpu.sem_alloc : memref<!tpu.dma_semaphore, #tpu.memory_space<semaphore_mem>>
      %dma_start3A = arith.constant 0 : i32
      %dma_start3A_24 = tpu.memref_slice %arg6[%arg0, %mul3A_23, %dma_start3A] : memref<2x10240x128xf32, #tpu.memory_space<hbm>> -> memref<1x640x128xf32, #tpu.memory_space<hbm>>
      %dma_start3A_25 = tpu.memref_squeeze %dma_start3A_24 : memref<1x640x128xf32, #tpu.memory_space<hbm>> -> memref<640x128xf32, #tpu.memory_space<hbm>>
      %dma_start3A_26 = arith.constant 0 : i32
      %dma_start3A_27 = tpu.memref_slice %arg7[%mul3A_21, %dma_start3A_26] : memref<10240x128xf32, #tpu.memory_space<vmem_shared>> -> memref<640x128xf32, #tpu.memory_space<vmem_shared>>
      tpu.enqueue_dma source(%dma_start3A_27 : memref<640x128xf32, #tpu.memory_space<vmem_shared>>) target(%dma_start3A_25 : memref<640x128xf32, #tpu.memory_space<hbm>>) target_semaphore(%run_scoped3A : memref<!tpu.dma_semaphore, #tpu.memory_space<semaphore_mem>>)
      %dma_wait3A_28 = arith.constant 0 : i32
      %dma_wait3A_29 = tpu.memref_slice %arg6[%arg0, %mul3A_23, %dma_wait3A_28] : memref<2x10240x128xf32, #tpu.memory_space<hbm>> -> memref<1x640x128xf32, #tpu.memory_space<hbm>>
      %dma_wait3A_30 = tpu.memref_squeeze %dma_wait3A_29 : memref<1x640x128xf32, #tpu.memory_space<hbm>> -> memref<640x128xf32, #tpu.memory_space<hbm>>
      %dma_wait3A_31 = arith.constant 0 : i32
      %dma_wait3A_32 = tpu.memref_slice %arg7[%mul3A_21, %dma_wait3A_31] : memref<10240x128xf32, #tpu.memory_space<vmem_shared>> -> memref<640x128xf32, #tpu.memory_space<vmem_shared>>
      tpu.wait_dma2 semaphore(%run_scoped3A : memref<!tpu.dma_semaphore, #tpu.memory_space<semaphore_mem>>) src(%dma_wait3A_32 : memref<640x128xf32, #tpu.memory_space<vmem_shared>>) dst(%dma_wait3A_30 : memref<640x128xf32, #tpu.memory_space<hbm>>)
      tpu.yield
    }) : () -> ()
    return
  }
}

module attributes {stable_mosaic.version = 14 : i64} {
  func.func @_tc1_body(%arg0: i32, %arg1: memref<2048x128xf32, #tpu.memory_space<vmem>>, %arg2: memref<128x256xf32, #tpu.memory_space<vmem>>, %arg3: memref<32x10240xf32, #tpu.memory_space<vmem>>, %arg4: memref<2x2048x128xf32, #tpu.memory_space<vmem>>, %arg5: memref<2x2048x128xf32, #tpu.memory_space<vmem>>, %arg6: memref<2048x1xf32, #tpu.memory_space<vmem>>) attributes {dimension_semantics = [#tpu.dimension_semantics<arbitrary>], iteration_bounds = array<i64: 5>, scalar_prefetch = 0 : i64, scratch_operands = 0 : i64, tpu.core_type = #tpu.core_type<tc>, window_params = [{transform_indices = @transform_0, window_bounds = array<i64: 2048, 128>}, {pipeline_mode = #tpu.pipeline_mode<synchronous>, transform_indices = @transform_1, window_bounds = array<i64: 128, 256>}, {pipeline_mode = #tpu.pipeline_mode<synchronous>, transform_indices = @transform_2, window_bounds = array<i64: 32, 10240>}, {transform_indices = @transform_3, window_bounds = array<i64: 2, 2048, 128>}, {transform_indices = @transform_4, window_bounds = array<i64: 2, 2048, 128>}, {transform_indices = @transform_5, window_bounds = array<i64: 2048, 1>}]} {
    %mul3A = arith.constant 2048 : i32
    %mul3A_0 = arith.muli %arg0, %mul3A : i32
    %get3A = arith.constant 0 : index
    %get3A_1 = arith.index_cast %mul3A_0 : i32 to index
    %get3A_2 = vector.load %arg3[%get3A, %get3A_1] : memref<32x10240xf32, #tpu.memory_space<vmem>>, vector<32x2048xf32>
    %reduce_sum3A = arith.constant dense<0.000000e+00> : vector<2048xf32>
    %reduce_sum3A_3 = vector.multi_reduction <add>, %get3A_2, %reduce_sum3A [0] : vector<32x2048xf32> to vector<2048xf32>
    %add3A = arith.constant 1.000000e+00 : f32
    %add3A_4 = vector.broadcast %add3A : f32 to vector<2048xf32>
    %add3A_5 = arith.addf %add3A_4, %reduce_sum3A_3 : vector<2048xf32>
    %rsqrt3A = math.rsqrt %add3A_5 : vector<2048xf32>
    %broadcast_in_dim3A = vector.shape_cast %rsqrt3A : vector<2048xf32> to vector<2048x1xf32>
    %swap3A = arith.constant 0 : index
    %swap3A_6 = arith.constant 0 : index
    %swap3A_7 = vector.load %arg6[%swap3A, %swap3A_6] : memref<2048x1xf32, #tpu.memory_space<vmem>>, vector<2048x1xf32>
    tpu.vector_store %arg6[%swap3A, %swap3A_6], %broadcast_in_dim3A {strides = array<i32>} : memref<2048x1xf32, #tpu.memory_space<vmem>>, vector<2048x1xf32>,
    %get3A_8 = arith.constant 0 : index
    %get3A_9 = arith.constant 0 : index
    %get3A_10 = vector.load %arg1[%get3A_8, %get3A_9] : memref<2048x128xf32, #tpu.memory_space<vmem>>, vector<2048x128xf32>
    %get3A_11 = arith.constant 0 : index
    %get3A_12 = arith.constant 0 : index
    %get3A_13 = vector.load %arg2[%get3A_11, %get3A_12] : memref<128x256xf32, #tpu.memory_space<vmem>>, vector<128x256xf32>
    %dot_general3A = arith.constant dense<0.000000e+00> : vector<2048x256xf32>
    %dot_general3A_14 = tpu.matmul %get3A_10, %get3A_13, %dot_general3A {dimension_numbers = #tpu.dot_dimension_numbers<[1], [0], [0], [1], [0, 0, 1, 1], [], []>, transpose_lhs_hint = false} : vector<2048x128xf32>, vector<128x256xf32>, vector<2048x256xf32> -> vector<2048x256xf32>
    %slice3A = vector.extract_strided_slice %dot_general3A_14 {offsets = [0, 0], sizes = [2048, 128], strides = [1, 1]} : vector<2048x256xf32> to vector<2048x128xf32>
    %swap3A_15 = arith.constant 0 : index
    %swap3A_16 = arith.constant 0 : index
    %swap3A_17 = arith.constant 0 : index
    %swap3A_18 = vector.load %arg4[%swap3A_15, %swap3A_16, %swap3A_17] : memref<2x2048x128xf32, #tpu.memory_space<vmem>>, vector<1x2048x128xf32>
    %swap3A_19 = vector.shape_cast %swap3A_18 : vector<1x2048x128xf32> to vector<2048x128xf32>
    %swap3A_20 = vector.shape_cast %slice3A : vector<2048x128xf32> to vector<1x2048x128xf32>
    tpu.vector_store %arg4[%swap3A_15, %swap3A_16, %swap3A_17], %swap3A_20 {strides = array<i32>} : memref<2x2048x128xf32, #tpu.memory_space<vmem>>, vector<1x2048x128xf32>,
    %slice3A_21 = vector.extract_strided_slice %dot_general3A_14 {offsets = [0, 128], sizes = [2048, 128], strides = [1, 1]} : vector<2048x256xf32> to vector<2048x128xf32>
    %swap3A_22 = arith.constant 1 : index
    %swap3A_23 = arith.constant 0 : index
    %swap3A_24 = arith.constant 0 : index
    %swap3A_25 = vector.load %arg4[%swap3A_22, %swap3A_23, %swap3A_24] : memref<2x2048x128xf32, #tpu.memory_space<vmem>>, vector<1x2048x128xf32>
    %swap3A_26 = vector.shape_cast %swap3A_25 : vector<1x2048x128xf32> to vector<2048x128xf32>
    %swap3A_27 = vector.shape_cast %slice3A_21 : vector<2048x128xf32> to vector<1x2048x128xf32>
    tpu.vector_store %arg4[%swap3A_22, %swap3A_23, %swap3A_24], %swap3A_27 {strides = array<i32>} : memref<2x2048x128xf32, #tpu.memory_space<vmem>>, vector<1x2048x128xf32>,
    %slice3A_28 = vector.extract_strided_slice %dot_general3A_14 {offsets = [0, 0], sizes = [2048, 128], strides = [1, 1]} : vector<2048x256xf32> to vector<2048x128xf32>
    %broadcast_in_dim3A_29 = vector.shape_cast %rsqrt3A : vector<2048xf32> to vector<2048x1xf32>
    %mul3A_30 = vector.broadcast %broadcast_in_dim3A_29 : vector<2048x1xf32> to vector<2048x128xf32>
    %mul3A_31 = arith.mulf %slice3A_28, %mul3A_30 : vector<2048x128xf32>
    %swap3A_32 = arith.constant 0 : index
    %swap3A_33 = arith.constant 0 : index
    %swap3A_34 = arith.constant 0 : index
    %swap3A_35 = vector.load %arg5[%swap3A_32, %swap3A_33, %swap3A_34] : memref<2x2048x128xf32, #tpu.memory_space<vmem>>, vector<1x2048x128xf32>
    %swap3A_36 = vector.shape_cast %swap3A_35 : vector<1x2048x128xf32> to vector<2048x128xf32>
    %swap3A_37 = vector.shape_cast %mul3A_31 : vector<2048x128xf32> to vector<1x2048x128xf32>
    tpu.vector_store %arg5[%swap3A_32, %swap3A_33, %swap3A_34], %swap3A_37 {strides = array<i32>} : memref<2x2048x128xf32, #tpu.memory_space<vmem>>, vector<1x2048x128xf32>,
    %slice3A_38 = vector.extract_strided_slice %dot_general3A_14 {offsets = [0, 128], sizes = [2048, 128], strides = [1, 1]} : vector<2048x256xf32> to vector<2048x128xf32>
    %broadcast_in_dim3A_39 = vector.shape_cast %rsqrt3A : vector<2048xf32> to vector<2048x1xf32>
    %mul3A_40 = vector.broadcast %broadcast_in_dim3A_39 : vector<2048x1xf32> to vector<2048x128xf32>
    %mul3A_41 = arith.mulf %slice3A_38, %mul3A_40 : vector<2048x128xf32>
    %swap3A_42 = arith.constant 1 : index
    %swap3A_43 = arith.constant 0 : index
    %swap3A_44 = arith.constant 0 : index
    %swap3A_45 = vector.load %arg5[%swap3A_42, %swap3A_43, %swap3A_44] : memref<2x2048x128xf32, #tpu.memory_space<vmem>>, vector<1x2048x128xf32>
    %swap3A_46 = vector.shape_cast %swap3A_45 : vector<1x2048x128xf32> to vector<2048x128xf32>
    %swap3A_47 = vector.shape_cast %mul3A_41 : vector<2048x128xf32> to vector<1x2048x128xf32>
    tpu.vector_store %arg5[%swap3A_42, %swap3A_43, %swap3A_44], %swap3A_47 {strides = array<i32>} : memref<2x2048x128xf32, #tpu.memory_space<vmem>>, vector<1x2048x128xf32>,
    return
  }
  func.func @transform_0(%arg0: i32) -> (i32, i32) {
    %c0_i32 = arith.constant 0 : i32
    %c0_i32_0 = arith.constant 0 : i32
    return %arg0, %c0_i32 : i32, i32
  }
  func.func @transform_1(%arg0: i32) -> (i32, i32) {
    %c0_i32 = arith.constant 0 : i32
    %c0_i32_0 = arith.constant 0 : i32
    %c0_i32_1 = arith.constant 0 : i32
    return %c0_i32, %c0_i32_0 : i32, i32
  }
  func.func @transform_2(%arg0: i32) -> (i32, i32) {
    %c0_i32 = arith.constant 0 : i32
    %c0_i32_0 = arith.constant 0 : i32
    %c0_i32_1 = arith.constant 0 : i32
    return %c0_i32, %c0_i32_0 : i32, i32
  }
  func.func @transform_3(%arg0: i32) -> (i32, i32, i32) {
    %c0_i32 = arith.constant 0 : i32
    %c0_i32_0 = arith.constant 0 : i32
    %c0_i32_1 = arith.constant 0 : i32
    return %c0_i32, %arg0, %c0_i32_0 : i32, i32, i32
  }
  func.func @transform_4(%arg0: i32) -> (i32, i32, i32) {
    %c0_i32 = arith.constant 0 : i32
    %c0_i32_0 = arith.constant 0 : i32
    %c0_i32_1 = arith.constant 0 : i32
    return %c0_i32, %arg0, %c0_i32_0 : i32, i32, i32
  }
  func.func @transform_5(%arg0: i32) -> (i32, i32) {
    %c0_i32 = arith.constant 0 : i32
    %c0_i32_0 = arith.constant 0 : i32
    return %arg0, %c0_i32 : i32, i32
  }
}

module attributes {stable_mosaic.version = 14 : i64} {
  func.func @_tc2_body(%arg0: i32, %arg1: memref<2x2048x128xf32, #tpu.memory_space<vmem>>, %arg2: memref<2x2048x128xf32, #tpu.memory_space<vmem>>, %arg3: memref<2048x1xf32, #tpu.memory_space<vmem>>, %arg4: memref<1x256xf32, #tpu.memory_space<vmem>>, %arg5: memref<256x256xf32, #tpu.memory_space<vmem>>, %arg6: memref<2x2048x128xf32, #tpu.memory_space<vmem>>, %arg7: memref<2x2048x128xf32, #tpu.memory_space<vmem>>) attributes {dimension_semantics = [#tpu.dimension_semantics<arbitrary>], iteration_bounds = array<i64: 5>, scalar_prefetch = 0 : i64, scratch_operands = 0 : i64, tpu.core_type = #tpu.core_type<tc>, window_params = [{transform_indices = @transform_0, window_bounds = array<i64: 2, 2048, 128>}, {transform_indices = @transform_1, window_bounds = array<i64: 2, 2048, 128>}, {transform_indices = @transform_2, window_bounds = array<i64: 2048, 1>}, {pipeline_mode = #tpu.pipeline_mode<synchronous>, transform_indices = @transform_3, window_bounds = array<i64: 1, 256>}, {pipeline_mode = #tpu.pipeline_mode<synchronous>, transform_indices = @transform_4, window_bounds = array<i64: 256, 256>}, {transform_indices = @transform_5, window_bounds = array<i64: 2, 2048, 128>}, {transform_indices = @transform_6, window_bounds = array<i64: 2, 2048, 128>}]} {
    %get3A = arith.constant 0 : index
    %get3A_0 = arith.constant 0 : index
    %get3A_1 = vector.load %arg3[%get3A, %get3A_0] : memref<2048x1xf32, #tpu.memory_space<vmem>>, vector<2048x1xf32>
    %get3A_2 = arith.constant 0 : index
    %get3A_3 = arith.constant 0 : index
    %get3A_4 = arith.constant 0 : index
    %get3A_5 = vector.load %arg1[%get3A_2, %get3A_3, %get3A_4] : memref<2x2048x128xf32, #tpu.memory_space<vmem>>, vector<1x2048x128xf32>
    %get3A_6 = vector.shape_cast %get3A_5 : vector<1x2048x128xf32> to vector<2048x128xf32>
    %get3A_7 = arith.constant 1 : index
    %get3A_8 = arith.constant 0 : index
    %get3A_9 = arith.constant 0 : index
    %get3A_10 = vector.load %arg1[%get3A_7, %get3A_8, %get3A_9] : memref<2x2048x128xf32, #tpu.memory_space<vmem>>, vector<1x2048x128xf32>
    %get3A_11 = vector.shape_cast %get3A_10 : vector<1x2048x128xf32> to vector<2048x128xf32>
    %concatenate3A = tpu.concatenate %get3A_6, %get3A_11 in 1 : vector<2048x128xf32>, vector<2048x128xf32> -> vector<2048x256xf32>
    %get3A_12 = arith.constant 0 : index
    %get3A_13 = arith.constant 0 : index
    %get3A_14 = arith.constant 0 : index
    %get3A_15 = vector.load %arg2[%get3A_12, %get3A_13, %get3A_14] : memref<2x2048x128xf32, #tpu.memory_space<vmem>>, vector<1x2048x128xf32>
    %get3A_16 = vector.shape_cast %get3A_15 : vector<1x2048x128xf32> to vector<2048x128xf32>
    %get3A_17 = arith.constant 1 : index
    %get3A_18 = arith.constant 0 : index
    %get3A_19 = arith.constant 0 : index
    %get3A_20 = vector.load %arg2[%get3A_17, %get3A_18, %get3A_19] : memref<2x2048x128xf32, #tpu.memory_space<vmem>>, vector<1x2048x128xf32>
    %get3A_21 = vector.shape_cast %get3A_20 : vector<1x2048x128xf32> to vector<2048x128xf32>
    %concatenate3A_22 = tpu.concatenate %get3A_16, %get3A_21 in 1 : vector<2048x128xf32>, vector<2048x128xf32> -> vector<2048x256xf32>
    %mul3A = vector.broadcast %get3A_1 : vector<2048x1xf32> to vector<2048x256xf32>
    %mul3A_23 = arith.mulf %mul3A, %concatenate3A : vector<2048x256xf32>
    %mul3A_24 = arith.mulf %get3A_1, %get3A_1 : vector<2048x1xf32>
    %mul3A_25 = vector.broadcast %mul3A_24 : vector<2048x1xf32> to vector<2048x256xf32>
    %mul3A_26 = arith.mulf %mul3A_25, %concatenate3A_22 : vector<2048x256xf32>
    %add3A = arith.addf %mul3A_23, %mul3A_26 : vector<2048x256xf32>
    %get3A_27 = arith.constant 0 : index
    %get3A_28 = arith.constant 0 : index
    %get3A_29 = vector.load %arg4[%get3A_27, %get3A_28] : memref<1x256xf32, #tpu.memory_space<vmem>>, vector<1x256xf32>
    %add3A_30 = vector.broadcast %get3A_29 : vector<1x256xf32> to vector<2048x256xf32>
    %add3A_31 = arith.addf %add3A, %add3A_30 : vector<2048x256xf32>
    %max3A = arith.constant 0.000000e+00 : f32
    %max3A_32 = vector.broadcast %max3A : f32 to vector<2048x256xf32>
    %max3A_33 = arith.maximumf %add3A_31, %max3A_32 : vector<2048x256xf32>
    %get3A_34 = arith.constant 0 : index
    %get3A_35 = arith.constant 0 : index
    %get3A_36 = vector.load %arg5[%get3A_34, %get3A_35] : memref<256x256xf32, #tpu.memory_space<vmem>>, vector<256x256xf32>
    %dot_general3A = arith.constant dense<0.000000e+00> : vector<2048x256xf32>
    %dot_general3A_37 = tpu.matmul %max3A_33, %get3A_36, %dot_general3A {dimension_numbers = #tpu.dot_dimension_numbers<[1], [0], [0], [1], [0, 0, 1, 1], [], []>, transpose_lhs_hint = false} : vector<2048x256xf32>, vector<256x256xf32>, vector<2048x256xf32> -> vector<2048x256xf32>
    %slice3A = vector.extract_strided_slice %dot_general3A_37 {offsets = [0, 0], sizes = [2048, 128], strides = [1, 1]} : vector<2048x256xf32> to vector<2048x128xf32>
    %swap3A = arith.constant 0 : index
    %swap3A_38 = arith.constant 0 : index
    %swap3A_39 = arith.constant 0 : index
    %swap3A_40 = vector.load %arg6[%swap3A, %swap3A_38, %swap3A_39] : memref<2x2048x128xf32, #tpu.memory_space<vmem>>, vector<1x2048x128xf32>
    %swap3A_41 = vector.shape_cast %swap3A_40 : vector<1x2048x128xf32> to vector<2048x128xf32>
    %swap3A_42 = vector.shape_cast %slice3A : vector<2048x128xf32> to vector<1x2048x128xf32>
    tpu.vector_store %arg6[%swap3A, %swap3A_38, %swap3A_39], %swap3A_42 {strides = array<i32>} : memref<2x2048x128xf32, #tpu.memory_space<vmem>>, vector<1x2048x128xf32>,
    %slice3A_43 = vector.extract_strided_slice %dot_general3A_37 {offsets = [0, 128], sizes = [2048, 128], strides = [1, 1]} : vector<2048x256xf32> to vector<2048x128xf32>
    %swap3A_44 = arith.constant 1 : index
    %swap3A_45 = arith.constant 0 : index
    %swap3A_46 = arith.constant 0 : index
    %swap3A_47 = vector.load %arg6[%swap3A_44, %swap3A_45, %swap3A_46] : memref<2x2048x128xf32, #tpu.memory_space<vmem>>, vector<1x2048x128xf32>
    %swap3A_48 = vector.shape_cast %swap3A_47 : vector<1x2048x128xf32> to vector<2048x128xf32>
    %swap3A_49 = vector.shape_cast %slice3A_43 : vector<2048x128xf32> to vector<1x2048x128xf32>
    tpu.vector_store %arg6[%swap3A_44, %swap3A_45, %swap3A_46], %swap3A_49 {strides = array<i32>} : memref<2x2048x128xf32, #tpu.memory_space<vmem>>, vector<1x2048x128xf32>,
    %slice3A_50 = vector.extract_strided_slice %dot_general3A_37 {offsets = [0, 0], sizes = [2048, 128], strides = [1, 1]} : vector<2048x256xf32> to vector<2048x128xf32>
    %mul3A_51 = vector.broadcast %get3A_1 : vector<2048x1xf32> to vector<2048x128xf32>
    %mul3A_52 = arith.mulf %slice3A_50, %mul3A_51 : vector<2048x128xf32>
    %swap3A_53 = arith.constant 0 : index
    %swap3A_54 = arith.constant 0 : index
    %swap3A_55 = arith.constant 0 : index
    %swap3A_56 = vector.load %arg7[%swap3A_53, %swap3A_54, %swap3A_55] : memref<2x2048x128xf32, #tpu.memory_space<vmem>>, vector<1x2048x128xf32>
    %swap3A_57 = vector.shape_cast %swap3A_56 : vector<1x2048x128xf32> to vector<2048x128xf32>
    %swap3A_58 = vector.shape_cast %mul3A_52 : vector<2048x128xf32> to vector<1x2048x128xf32>
    tpu.vector_store %arg7[%swap3A_53, %swap3A_54, %swap3A_55], %swap3A_58 {strides = array<i32>} : memref<2x2048x128xf32, #tpu.memory_space<vmem>>, vector<1x2048x128xf32>,
    %slice3A_59 = vector.extract_strided_slice %dot_general3A_37 {offsets = [0, 128], sizes = [2048, 128], strides = [1, 1]} : vector<2048x256xf32> to vector<2048x128xf32>
    %mul3A_60 = vector.broadcast %get3A_1 : vector<2048x1xf32> to vector<2048x128xf32>
    %mul3A_61 = arith.mulf %slice3A_59, %mul3A_60 : vector<2048x128xf32>
    %swap3A_62 = arith.constant 1 : index
    %swap3A_63 = arith.constant 0 : index
    %swap3A_64 = arith.constant 0 : index
    %swap3A_65 = vector.load %arg7[%swap3A_62, %swap3A_63, %swap3A_64] : memref<2x2048x128xf32, #tpu.memory_space<vmem>>, vector<1x2048x128xf32>
    %swap3A_66 = vector.shape_cast %swap3A_65 : vector<1x2048x128xf32> to vector<2048x128xf32>
    %swap3A_67 = vector.shape_cast %mul3A_61 : vector<2048x128xf32> to vector<1x2048x128xf32>
    tpu.vector_store %arg7[%swap3A_62, %swap3A_63, %swap3A_64], %swap3A_67 {strides = array<i32>} : memref<2x2048x128xf32, #tpu.memory_space<vmem>>, vector<1x2048x128xf32>,
    return
  }
  func.func @transform_0(%arg0: i32) -> (i32, i32, i32) {
    %c0_i32 = arith.constant 0 : i32
    %c0_i32_0 = arith.constant 0 : i32
    %c0_i32_1 = arith.constant 0 : i32
    return %c0_i32, %arg0, %c0_i32_0 : i32, i32, i32
  }
  func.func @transform_1(%arg0: i32) -> (i32, i32, i32) {
    %c0_i32 = arith.constant 0 : i32
    %c0_i32_0 = arith.constant 0 : i32
    %c0_i32_1 = arith.constant 0 : i32
    return %c0_i32, %arg0, %c0_i32_0 : i32, i32, i32
  }
  func.func @transform_2(%arg0: i32) -> (i32, i32) {
    %c0_i32 = arith.constant 0 : i32
    %c0_i32_0 = arith.constant 0 : i32
    return %arg0, %c0_i32 : i32, i32
  }
  func.func @transform_3(%arg0: i32) -> (i32, i32) {
    %c0_i32 = arith.constant 0 : i32
    %c0_i32_0 = arith.constant 0 : i32
    %c0_i32_1 = arith.constant 0 : i32
    return %c0_i32, %c0_i32_0 : i32, i32
  }
  func.func @transform_4(%arg0: i32) -> (i32, i32) {
    %c0_i32 = arith.constant 0 : i32
    %c0_i32_0 = arith.constant 0 : i32
    %c0_i32_1 = arith.constant 0 : i32
    return %c0_i32, %c0_i32_0 : i32, i32
  }
  func.func @transform_5(%arg0: i32) -> (i32, i32, i32) {
    %c0_i32 = arith.constant 0 : i32
    %c0_i32_0 = arith.constant 0 : i32
    %c0_i32_1 = arith.constant 0 : i32
    return %c0_i32, %arg0, %c0_i32_0 : i32, i32, i32
  }
  func.func @transform_6(%arg0: i32) -> (i32, i32, i32) {
    %c0_i32 = arith.constant 0 : i32
    %c0_i32_0 = arith.constant 0 : i32
    %c0_i32_1 = arith.constant 0 : i32
    return %c0_i32, %arg0, %c0_i32_0 : i32, i32, i32
  }
}

module attributes {stable_mosaic.version = 14 : i64} {
  func.func @_tc3_body(%arg0: i32, %arg1: memref<2x2048x128xf32, #tpu.memory_space<vmem>>, %arg2: memref<2x2048x128xf32, #tpu.memory_space<vmem>>, %arg3: memref<2048x1xf32, #tpu.memory_space<vmem>>, %arg4: memref<1x256xf32, #tpu.memory_space<vmem>>, %arg5: memref<1x1x2048xi32, #tpu.memory_space<vmem>>, %arg6: memref<256x128xf32, #tpu.memory_space<vmem>>, %arg7: memref<1x128xf32, #tpu.memory_space<vmem>>, %arg8: memref<64x128xf32, #tpu.memory_space<vmem>>, %arg9: memref<64x256xf32, #tpu.memory_space<vmem>>, %arg10: memref<64x128xf32, #tpu.memory_space<vmem>>) attributes {dimension_semantics = [#tpu.dimension_semantics<arbitrary>], iteration_bounds = array<i64: 5>, scalar_prefetch = 0 : i64, scratch_operands = 2 : i64, tpu.core_type = #tpu.core_type<tc>, window_params = [{transform_indices = @transform_0, window_bounds = array<i64: 2, 2048, 128>}, {transform_indices = @transform_1, window_bounds = array<i64: 2, 2048, 128>}, {transform_indices = @transform_2, window_bounds = array<i64: 2048, 1>}, {pipeline_mode = #tpu.pipeline_mode<synchronous>, transform_indices = @transform_3, window_bounds = array<i64: 1, 256>}, {transform_indices = @transform_4, window_bounds = array<i64: 1, 1, 2048>}, {pipeline_mode = #tpu.pipeline_mode<synchronous>, transform_indices = @transform_5, window_bounds = array<i64: 256, 128>}, {pipeline_mode = #tpu.pipeline_mode<synchronous>, transform_indices = @transform_6, window_bounds = array<i64: 1, 128>}, {pipeline_mode = #tpu.pipeline_mode<synchronous>, transform_indices = @transform_7, window_bounds = array<i64: 64, 128>}]} {
    %eq3A = arith.constant 0 : i32
    %eq3A_0 = arith.cmpi eq, %arg0, %eq3A : i32
    %convert_element_type3A = arith.extui %eq3A_0 : i1 to i32
    %cond3A = arith.constant 0 : i32
    %cond3A_1 = arith.cmpi ne, %convert_element_type3A, %cond3A : i32
    scf.if %cond3A_1 {
      %broadcast_in_dim3A_68 = arith.constant 0.000000e+00 : f32
      %broadcast_in_dim3A_69 = vector.broadcast %broadcast_in_dim3A_68 : f32 to vector<64x256xf32>
      %swap3A_70 = arith.constant 0 : index
      %swap3A_71 = arith.constant 0 : index
      %swap3A_72 = vector.load %arg9[%swap3A_70, %swap3A_71] : memref<64x256xf32, #tpu.memory_space<vmem>>, vector<64x256xf32>
      tpu.vector_store %arg9[%swap3A_70, %swap3A_71], %broadcast_in_dim3A_69 {strides = array<i32>} : memref<64x256xf32, #tpu.memory_space<vmem>>, vector<64x256xf32>,
      %broadcast_in_dim3A_73 = arith.constant 0.000000e+00 : f32
      %broadcast_in_dim3A_74 = vector.broadcast %broadcast_in_dim3A_73 : f32 to vector<64x128xf32>
      %swap3A_75 = arith.constant 0 : index
      %swap3A_76 = arith.constant 0 : index
      %swap3A_77 = vector.load %arg10[%swap3A_75, %swap3A_76] : memref<64x128xf32, #tpu.memory_space<vmem>>, vector<64x128xf32>
      tpu.vector_store %arg10[%swap3A_75, %swap3A_76], %broadcast_in_dim3A_74 {strides = array<i32>} : memref<64x128xf32, #tpu.memory_space<vmem>>, vector<64x128xf32>,
    } else {
    }
    %get3A = arith.constant 0 : index
    %get3A_2 = arith.constant 0 : index
    %get3A_3 = vector.load %arg3[%get3A, %get3A_2] : memref<2048x1xf32, #tpu.memory_space<vmem>>, vector<2048x1xf32>
    %get3A_4 = arith.constant 0 : index
    %get3A_5 = arith.constant 0 : index
    %get3A_6 = arith.constant 0 : index
    %get3A_7 = vector.load %arg1[%get3A_4, %get3A_5, %get3A_6] : memref<2x2048x128xf32, #tpu.memory_space<vmem>>, vector<1x2048x128xf32>
    %get3A_8 = vector.shape_cast %get3A_7 : vector<1x2048x128xf32> to vector<2048x128xf32>
    %get3A_9 = arith.constant 1 : index
    %get3A_10 = arith.constant 0 : index
    %get3A_11 = arith.constant 0 : index
    %get3A_12 = vector.load %arg1[%get3A_9, %get3A_10, %get3A_11] : memref<2x2048x128xf32, #tpu.memory_space<vmem>>, vector<1x2048x128xf32>
    %get3A_13 = vector.shape_cast %get3A_12 : vector<1x2048x128xf32> to vector<2048x128xf32>
    %concatenate3A = tpu.concatenate %get3A_8, %get3A_13 in 1 : vector<2048x128xf32>, vector<2048x128xf32> -> vector<2048x256xf32>
    %get3A_14 = arith.constant 0 : index
    %get3A_15 = arith.constant 0 : index
    %get3A_16 = arith.constant 0 : index
    %get3A_17 = vector.load %arg2[%get3A_14, %get3A_15, %get3A_16] : memref<2x2048x128xf32, #tpu.memory_space<vmem>>, vector<1x2048x128xf32>
    %get3A_18 = vector.shape_cast %get3A_17 : vector<1x2048x128xf32> to vector<2048x128xf32>
    %get3A_19 = arith.constant 1 : index
    %get3A_20 = arith.constant 0 : index
    %get3A_21 = arith.constant 0 : index
    %get3A_22 = vector.load %arg2[%get3A_19, %get3A_20, %get3A_21] : memref<2x2048x128xf32, #tpu.memory_space<vmem>>, vector<1x2048x128xf32>
    %get3A_23 = vector.shape_cast %get3A_22 : vector<1x2048x128xf32> to vector<2048x128xf32>
    %concatenate3A_24 = tpu.concatenate %get3A_18, %get3A_23 in 1 : vector<2048x128xf32>, vector<2048x128xf32> -> vector<2048x256xf32>
    %mul3A = vector.broadcast %get3A_3 : vector<2048x1xf32> to vector<2048x256xf32>
    %mul3A_25 = arith.mulf %mul3A, %concatenate3A : vector<2048x256xf32>
    %mul3A_26 = arith.mulf %get3A_3, %get3A_3 : vector<2048x1xf32>
    %mul3A_27 = vector.broadcast %mul3A_26 : vector<2048x1xf32> to vector<2048x256xf32>
    %mul3A_28 = arith.mulf %mul3A_27, %concatenate3A_24 : vector<2048x256xf32>
    %add3A = arith.addf %mul3A_25, %mul3A_28 : vector<2048x256xf32>
    %get3A_29 = arith.constant 0 : index
    %get3A_30 = arith.constant 0 : index
    %get3A_31 = vector.load %arg4[%get3A_29, %get3A_30] : memref<1x256xf32, #tpu.memory_space<vmem>>, vector<1x256xf32>
    %add3A_32 = vector.broadcast %get3A_31 : vector<1x256xf32> to vector<2048x256xf32>
    %add3A_33 = arith.addf %add3A, %add3A_32 : vector<2048x256xf32>
    %max3A = arith.constant 0.000000e+00 : f32
    %max3A_34 = vector.broadcast %max3A : f32 to vector<2048x256xf32>
    %max3A_35 = arith.maximumf %add3A_33, %max3A_34 : vector<2048x256xf32>
    %get3A_36 = arith.constant 0 : index
    %get3A_37 = arith.constant 0 : index
    %get3A_38 = arith.constant 0 : index
    %get3A_39 = vector.load %arg5[%get3A_36, %get3A_37, %get3A_38] : memref<1x1x2048xi32, #tpu.memory_space<vmem>>, vector<1x1x2048xi32>
    %get3A_40 = vector.shape_cast %get3A_39 : vector<1x1x2048xi32> to vector<2048xi32>
    %iota3A = tpu.iota {dimensions = array<i32: 0>} : vector<64x2048xi32>
    %broadcast_in_dim3A = vector.shape_cast %get3A_40 : vector<2048xi32> to vector<1x2048xi32>
    %eq3A_41 = vector.broadcast %broadcast_in_dim3A : vector<1x2048xi32> to vector<64x2048xi32>
    %eq3A_42 = arith.cmpi eq, %iota3A, %eq3A_41 : vector<64x2048xi32>
    %convert_element_type3A_43 = arith.extui %eq3A_42 : vector<64x2048xi1> to vector<64x2048xi32>
    %convert_element_type3A_44 = arith.sitofp %convert_element_type3A_43 : vector<64x2048xi32> to vector<64x2048xf32>
    %get3A_45 = arith.constant 0 : index
    %get3A_46 = arith.constant 0 : index
    %get3A_47 = vector.load %arg9[%get3A_45, %get3A_46] : memref<64x256xf32, #tpu.memory_space<vmem>>, vector<64x256xf32>
    %dot_general3A = arith.constant dense<0.000000e+00> : vector<64x256xf32>
    %dot_general3A_48 = tpu.matmul %convert_element_type3A_44, %max3A_35, %dot_general3A {dimension_numbers = #tpu.dot_dimension_numbers<[1], [0], [0], [1], [0, 0, 1, 1], [], []>, transpose_lhs_hint = false} : vector<64x2048xf32>, vector<2048x256xf32>, vector<64x256xf32> -> vector<64x256xf32>
    %add3A_49 = arith.addf %get3A_47, %dot_general3A_48 : vector<64x256xf32>
    %swap3A = arith.constant 0 : index
    %swap3A_50 = arith.constant 0 : index
    %swap3A_51 = vector.load %arg9[%swap3A, %swap3A_50] : memref<64x256xf32, #tpu.memory_space<vmem>>, vector<64x256xf32>
    tpu.vector_store %arg9[%swap3A, %swap3A_50], %add3A_49 {strides = array<i32>} : memref<64x256xf32, #tpu.memory_space<vmem>>, vector<64x256xf32>,
    %get3A_52 = arith.constant 0 : index
    %get3A_53 = arith.constant 0 : index
    %get3A_54 = vector.load %arg10[%get3A_52, %get3A_53] : memref<64x128xf32, #tpu.memory_space<vmem>>, vector<64x128xf32>
    %reduce_sum3A = arith.constant dense<0.000000e+00> : vector<64xf32>
    %reduce_sum3A_55 = vector.multi_reduction <add>, %convert_element_type3A_44, %reduce_sum3A [1] : vector<64x2048xf32> to vector<64xf32>
    %broadcast_in_dim3A_56 = vector.shape_cast %reduce_sum3A_55 : vector<64xf32> to vector<64x1xf32>
    %broadcast_in_dim3A_57 = vector.shape_cast %broadcast_in_dim3A_56 : vector<64x1xf32> to vector<64x1xf32>
    %broadcast_in_dim3A_58 = vector.broadcast %broadcast_in_dim3A_57 : vector<64x1xf32> to vector<64x128xf32>
    %add3A_59 = arith.addf %get3A_54, %broadcast_in_dim3A_58 : vector<64x128xf32>
    %swap3A_60 = arith.constant 0 : index
    %swap3A_61 = arith.constant 0 : index
    %swap3A_62 = vector.load %arg10[%swap3A_60, %swap3A_61] : memref<64x128xf32, #tpu.memory_space<vmem>>, vector<64x128xf32>
    tpu.vector_store %arg10[%swap3A_60, %swap3A_61], %add3A_59 {strides = array<i32>} : memref<64x128xf32, #tpu.memory_space<vmem>>, vector<64x128xf32>,
    %eq3A_63 = arith.constant 4 : i32
    %eq3A_64 = arith.cmpi eq, %arg0, %eq3A_63 : i32
    %convert_element_type3A_65 = arith.extui %eq3A_64 : i1 to i32
    %cond3A_66 = arith.constant 0 : i32
    %cond3A_67 = arith.cmpi ne, %convert_element_type3A_65, %cond3A_66 : i32
    scf.if %cond3A_67 {
      %get3A_68 = arith.constant 0 : index
      %get3A_69 = arith.constant 0 : index
      %get3A_70 = vector.load %arg9[%get3A_68, %get3A_69] : memref<64x256xf32, #tpu.memory_space<vmem>>, vector<64x256xf32>
      %get3A_71 = arith.constant 0 : index
      %get3A_72 = arith.constant 0 : index
      %get3A_73 = vector.load %arg10[%get3A_71, %get3A_72] : memref<64x128xf32, #tpu.memory_space<vmem>>, vector<64x128xf32>
      %slice3A = vector.extract_strided_slice %get3A_73 {offsets = [0, 0], sizes = [64, 1], strides = [1, 1]} : vector<64x128xf32> to vector<64x1xf32>
      %max3A_74 = arith.constant 1.000000e+00 : f32
      %max3A_75 = vector.broadcast %max3A_74 : f32 to vector<64x1xf32>
      %max3A_76 = arith.maximumf %slice3A, %max3A_75 : vector<64x1xf32>
      %div3A = vector.broadcast %max3A_76 : vector<64x1xf32> to vector<64x256xf32>
      %div3A_77 = arith.divf %get3A_70, %div3A : vector<64x256xf32>
      %get3A_78 = arith.constant 0 : index
      %get3A_79 = arith.constant 0 : index
      %get3A_80 = vector.load %arg6[%get3A_78, %get3A_79] : memref<256x128xf32, #tpu.memory_space<vmem>>, vector<256x128xf32>
      %dot_general3A_81 = arith.constant dense<0.000000e+00> : vector<64x128xf32>
      %dot_general3A_82 = tpu.matmul %div3A_77, %get3A_80, %dot_general3A_81 {dimension_numbers = #tpu.dot_dimension_numbers<[1], [0], [0], [1], [0, 0, 1, 1], [], []>, transpose_lhs_hint = false} : vector<64x256xf32>, vector<256x128xf32>, vector<64x128xf32> -> vector<64x128xf32>
      %get3A_83 = arith.constant 0 : index
      %get3A_84 = arith.constant 0 : index
      %get3A_85 = vector.load %arg7[%get3A_83, %get3A_84] : memref<1x128xf32, #tpu.memory_space<vmem>>, vector<1x128xf32>
      %add3A_86 = vector.broadcast %get3A_85 : vector<1x128xf32> to vector<64x128xf32>
      %add3A_87 = arith.addf %dot_general3A_82, %add3A_86 : vector<64x128xf32>
      %swap3A_88 = arith.constant 0 : index
      %swap3A_89 = arith.constant 0 : index
      %swap3A_90 = vector.load %arg8[%swap3A_88, %swap3A_89] : memref<64x128xf32, #tpu.memory_space<vmem>>, vector<64x128xf32>
      tpu.vector_store %arg8[%swap3A_88, %swap3A_89], %add3A_87 {strides = array<i32>} : memref<64x128xf32, #tpu.memory_space<vmem>>, vector<64x128xf32>,
    } else {
    }
    return
  }
  func.func @transform_0(%arg0: i32) -> (i32, i32, i32) {
    %c0_i32 = arith.constant 0 : i32
    %c0_i32_0 = arith.constant 0 : i32
    %c0_i32_1 = arith.constant 0 : i32
    return %c0_i32, %arg0, %c0_i32_0 : i32, i32, i32
  }
  func.func @transform_1(%arg0: i32) -> (i32, i32, i32) {
    %c0_i32 = arith.constant 0 : i32
    %c0_i32_0 = arith.constant 0 : i32
    %c0_i32_1 = arith.constant 0 : i32
    return %c0_i32, %arg0, %c0_i32_0 : i32, i32, i32
  }
  func.func @transform_2(%arg0: i32) -> (i32, i32) {
    %c0_i32 = arith.constant 0 : i32
    %c0_i32_0 = arith.constant 0 : i32
    return %arg0, %c0_i32 : i32, i32
  }
  func.func @transform_3(%arg0: i32) -> (i32, i32) {
    %c0_i32 = arith.constant 0 : i32
    %c0_i32_0 = arith.constant 0 : i32
    %c0_i32_1 = arith.constant 0 : i32
    return %c0_i32, %c0_i32_0 : i32, i32
  }
  func.func @transform_4(%arg0: i32) -> (i32, i32, i32) {
    %c0_i32 = arith.constant 0 : i32
    %c0_i32_0 = arith.constant 0 : i32
    %c0_i32_1 = arith.constant 0 : i32
    return %arg0, %c0_i32, %c0_i32_0 : i32, i32, i32
  }
  func.func @transform_5(%arg0: i32) -> (i32, i32) {
    %c0_i32 = arith.constant 0 : i32
    %c0_i32_0 = arith.constant 0 : i32
    %c0_i32_1 = arith.constant 0 : i32
    return %c0_i32, %c0_i32_0 : i32, i32
  }
  func.func @transform_6(%arg0: i32) -> (i32, i32) {
    %c0_i32 = arith.constant 0 : i32
    %c0_i32_0 = arith.constant 0 : i32
    %c0_i32_1 = arith.constant 0 : i32
    return %c0_i32, %c0_i32_0 : i32, i32
  }
  func.func @transform_7(%arg0: i32) -> (i32, i32) {
    %c0_i32 = arith.constant 0 : i32
    %c0_i32_0 = arith.constant 0 : i32
    %c0_i32_1 = arith.constant 0 : i32
    return %c0_i32, %c0_i32_0 : i32, i32
  }
}

</mosaic_0001>

<sc_bundles>
// kernel: kernel.10.cloned.1.call-start
scs
__scs_entry_jumppad:
0x0: {  	(pc) =	sbr.rel $0x88, $3  }
0x1: {  	(tag) =	ssettag $0x0;
	lr =	simm.s32 $0x1  }
0x2: {  	[smem:$0x3F96] =	sst lr;
	_ =	strace $0xD0000000  }
0x3: {  	_ = 	snop  }
0x4: {  	_ = 	snop  }
0x5: {  	_ = 	snop  }
0x6: {  	_ = 	snop  }
0x7: {  	_ = 	snop  }
__scs_overlays_trampoline_lowered:
0x8: {  	[smem:$0x3FA5] =	sst s0  }
0x9: {  	[smem:$0x3FA6] =	sst s1  }
0xa: {  	[smem:$0x3FA7] =	sst s2  }
0xb: {  	[smem:$0x3FA8] =	sst s3  }
0xc: {  	[smem:$0x3FA9] =	sst s4  }
0xd: {  	[smem:$0x3FAA] =	sst s5  }
0xe: {  	[smem:$0x3FAB] =	sst s6  }
0xf: {  	[smem:$0x3FAC] =	sst s7  }
0x10: {  	[smem:$0x3FAD] =	sst s8  }
0x11: {  	[smem:$0x3FAE] =	sst s9;
	s0 =	simm.s32 @!p0 $0x0  }
0x12: {  	s1 =	sld [smem:$0x3F94];
	s0 =	simm.s32 @p0 $0x1  }
0x13: {  	[smem:$0x3FAF] =	sst s0;
	s0 =	simm.s32 @!p1 $0x0  }
0x14: {  	s2 =	sld [smem:$0x3F93];
	s0 =	simm.s32 @p1 $0x1  }
0x15: {  	[smem:$0x3FB0] =	sst s0;
	s0 =	simm.s32 @!p2 $0x0  }
0x16: {  	s3 =	sld [smem:$0x3FDB];
	s0 =	simm.s32 @p2 $0x1  }
0x17: {  	s4 =	simm.s32 $0x1BF5;
	[smem:$0x3FB2] =	sst s0  }
0x18: {  	s0 =	sld [smem:$0x3F95];
	_ =	swait.ge [sflag:s4], $0x0  }
0x19: {  	s7 =	sld [smem:$0x3F96]  }
0x1a: {  	s8 =	sadd.s32 $0xFFFFE003, lr  }
0x1b: {  	s9 =	sadd.s32 $0xFFFFFEF7, lr;
	s5 =	simm.s32 $0xFFFFFFFF;
	p2 =	slt.u32 s8, $0xFFFFF086  }
0x1c: {  	p1 =	slt.u32 s9, $0xF7A;
	s5 =	simm.s32 @!p2 $0x0  }
0x1d: {  	s5 =	simm.s32 @p1 $0x1;
	p0 =	seq.s32 s7, s2  }
0x1e: {  	s7 =	smul.u32 @!p0 $0xF7A, s2;
	p2 =	seq.s32 @!p0 s5, $0x0  }
0x1f: {  	s9 =	smul.u32 $0xF7A, s1;
	s8 =	simm.s32 @!p0 $0x1BF5;
	p2 =	por !p2, p0  }
0x20: {  	[sflag:s8] =	ssyncset.s32 @!p0 $0xFFFFF086;
	s6 =	sadd.s32 @!p0 s3, s7;
	s7 =	simm.s32 @!p0 $0x108  }
0x21: {  	s3 =	sadd.s32 s3, s9;
	s6 =	sadd.s32 @!p0 $0x88, s6;
	s7 =	simm.s32 @p2 $0x1082  }
0x22: {  	[simem:s7], [sflag:s8] =	dma.local @!p0 [hbm:s6], $0xF7A  }
0x23: {  	s9 =	sor.u32 $0xD0000000, s2;
	s6 =	simm.s32 $0x108;
	_ =	swait.ge @!p0 [sflag:s8], $0x0  }
0x24: {  	s3 =	sadd.s32 $0x88, s3;
	s6 =	simm.s32 @!p1 $0x1082;
	[sflag:s4] =	ssyncset.s32 $0xFFFFF086  }
0x25: {  	[simem:s6], [sflag:s4] =	dma.local [hbm:s3], $0xF7A  }
0x26: {  	[smem:$0x3F96] =	sst s1;
	(tag) =	ssettag s2;
	_ =	strace s9  }
0x27: {  	s1 =	sld [smem:$0x3FA6]  }
0x28: {  	s2 =	sld [smem:$0x3FA7]  }
0x29: {  	s4 =	sld [smem:$0x3FA9]  }
0x2a: {  	p0 =	seq.s32 s5, $0x0;
	s5 =	sld [smem:$0x3FAA]  }
0x2b: {  	s6 =	sld [smem:$0x3FAB]  }
0x2c: {  	s7 =	sld [smem:$0x3FAC]  }
0x2d: {  	s3 =	simm.s32 $0x108;
	s8 =	sld [smem:$0x3FAD]  }
0x2e: {  	s3 =	simm.s32 @!p0 $0x1082;
	s9 =	sld [smem:$0x3FAE]  }
0x2f: {  	lr =	sadd.s32 s0, s3;
	s0 =	sld [smem:$0x3FA5]  }
0x30: {  	s3 =	sld [smem:$0x3FA8]  }
0x31: {  	[smem:$0x3FB1] =	sst s10  }
0x32: {  	s10 =	sld [smem:$0x3FAF];
	_ =	sdelay $0x3  }
0x33: {  	p0 =	seq.s32 s10, $0x1;
	s10 =	sld [smem:$0x3FB1];
	_ =	sdelay $0x3  }
0x34: {  	[smem:$0x3FB1] =	sst s10  }
0x35: {  	s10 =	sld [smem:$0x3FB0];
	_ =	sdelay $0x3  }
0x36: {  	p1 =	seq.s32 s10, $0x1;
	s10 =	sld [smem:$0x3FB1];
	_ =	sdelay $0x3  }
0x37: {  	[smem:$0x3FB1] =	sst s10  }
0x38: {  	s10 =	sld [smem:$0x3FB2]  }
0x39: {  	_ = 	snop;
	(pc) =	sbr.ind lr, $3  }
0x3a: {  	_ = 	snop  }
0x3b: {  	_ = 	snop  }
0x3c: {  	p2 =	seq.s32 s10, $0x1;
	s10 =	sld [smem:$0x3FB1]  }
0x3d: {  	_ =	shalt  }
0x3e: {  	_ =	shalt  }
0x3f: {  	_ =	shalt  }
0x40: {  	_ =	shalt  }
0x41: {  	_ =	shalt  }
0x42: {  	_ =	shalt  }
0x43: {  	_ =	shalt  }
0x44: {  	_ =	shalt  }
0x45: {  	_ =	shalt  }
0x46: {  	_ =	shalt  }
0x47: {  	_ =	shalt  }
0x48: {  	_ =	shalt  }
0x49: {  	_ =	shalt  }
0x4a: {  	_ =	shalt  }
0x4b: {  	_ =	shalt  }
0x4c: {  	_ =	shalt  }
0x4d: {  	_ =	shalt  }
0x4e: {  	_ =	shalt  }
0x4f: {  	_ =	shalt  }
0x50: {  	_ =	shalt  }
0x51: {  	_ =	shalt  }
0x52: {  	_ =	shalt  }
0x53: {  	_ =	shalt  }
0x54: {  	_ =	shalt  }
0x55: {  	_ =	shalt  }
0x56: {  	_ =	shalt  }
0x57: {  	_ =	shalt  }
0x58: {  	_ =	shalt  }
0x59: {  	_ =	shalt  }
0x5a: {  	_ =	shalt  }
0x5b: {  	_ =	shalt  }
0x5c: {  	_ =	shalt  }
0x5d: {  	_ =	shalt  }
0x5e: {  	_ =	shalt  }
0x5f: {  	_ =	shalt  }
0x60: {  	_ =	shalt  }
0x61: {  	_ =	shalt  }
0x62: {  	_ =	shalt  }
0x63: {  	_ =	shalt  }
0x64: {  	_ =	shalt  }
0x65: {  	_ =	shalt  }
0x66: {  	_ =	shalt  }
0x67: {  	_ =	shalt  }
0x68: {  	_ =	shalt  }
0x69: {  	_ =	shalt  }
0x6a: {  	_ =	shalt  }
0x6b: {  	_ =	shalt  }
0x6c: {  	_ =	shalt  }
0x6d: {  	_ =	shalt  }
0x6e: {  	_ =	shalt  }
0x6f: {  	_ =	shalt  }
0x70: {  	_ =	shalt  }
0x71: {  	_ =	shalt  }
0x72: {  	_ =	shalt  }
0x73: {  	_ =	shalt  }
0x74: {  	_ =	shalt  }
0x75: {  	_ =	shalt  }
0x76: {  	_ =	shalt  }
0x77: {  	_ =	shalt  }
0x78: {  	_ =	shalt  }
0x79: {  	_ =	shalt  }
0x7a: {  	_ =	shalt  }
0x7b: {  	_ =	shalt  }
0x7c: {  	_ =	shalt  }
0x7d: {  	_ =	shalt  }
0x7e: {  	_ =	shalt  }
0x7f: {  	_ =	shalt  }
0x80: {  	_ =	shalt  }
0x81: {  	_ =	shalt  }
0x82: {  	_ =	shalt  }
0x83: {  	_ =	shalt  }
0x84: {  	_ =	shalt  }
0x85: {  	_ =	shalt  }
0x86: {  	_ =	shalt  }
0x87: {  	_ =	shalt  }
.Lfunc_end0:
.L_simem_size_0:
called_computation_lowered:
.L_overlay_start_0:
0x88: {  	s2 =	sld [smem:$0x3FD9]  }
0x89: {  	s3 =	sld [smem:$0x3FFE];
	_ =	sdelay $0x1  }
0x8a: {  	s1 =	srdreg.scid  }
0x8b: {  	s0 =	sand.u32 $0x1, s1  }
0x8c: {  	s16 =	sshll.u32 s0, $0xA;
	s2 =	sadd.s32 s3, s2  }
0x8d: {  	s2 =	sadd.s32 s2, s16  }
0x8e: {  	[smem:$0x3FBD] =	sst s2  }
0x8f: {  	_ = 	snop  }
0x90: {  	(tm) =	ssettm $0x1  }
0x91: {  	s17 =	sld [smem:$0x3FFB];
	_ =	sdelay $0x3  }
0x92: {  	_ =	strace s17  }
0x93: {  	s2 =	sld [smem:$0x3FFC];
	_ =	sdelay $0x3  }
0x94: {  	_ =	strace s2  }
0x95: {  	s2 =	sld [smem:$0x3FFD];
	_ =	sdelay $0x3  }
0x96: {  	_ =	strace s2  }
0x97: {  	_ =	strace $0x8FFFFFFF  }
0x98: {  	s18 =	sld [smem:$0x3FDB];
	_ =	sdelay $0x1  }
0x99: {  	s19 =	simm.s32 $_scs_section_size  }
0x9a: {  	s4 =	simm.s32 $_size__tile_overlayer_lowered;
	s5 =	simm.s32 $_tile_overlayer_lowered  }
0x9b: {  	s22 =	simm.s32 $0x1BFF;
	s21 =	sshll.u32 s5, $0x1;
	s2 =	sadd.s32 s19, s18  }
0x9c: {  	s6 =	simm.s32 $0x0;
	s20 =	sshll.u32 s4, $0x1;
	s4 =	sadd.s32 s21, s2  }
0x9d: {  	[timem:s6], [sflag:s22] =	dma.local [hbm:s4], s20  }
0x9e: {  	_ =	swait.ge [sflag:s22], s20  }
0x9f: {  	s3 =	ssub.s32 $0x0, s20;
	[sflag:s22] =	ssyncset.done $0x0  }
0xa0: {  	[sflag:s22] =	ssyncadd.s32 s3;
	_ =	sdelay $0x1  }
0xa1: {  	s23 =	simm.s32 $0x1B8B  }
0xa2: {  	_ =	swait.ge [sflag:s23], $0x1  }
0xa3: {  	[sflag:s23] =	ssyncset.done $0x0  }
0xa4: {  	s25 =	simm.s32 $0x1B8E;
	s24 =	sld [smem:$0x3FFE];
	[sflag:s23] =	ssyncadd.s32 $0xFFFFFFFF  }
0xa5: {  	s26 =	simm.s32 $execute0_lowered;
	[smem:$0x3FD2] =	sst s25  }
0xa6: {  	s4 =	sshll.u32 s26, $0x1;
	_ =	strace $0x80000046;
	[dreg:$0x1] =	wrdreg $0xFFFFFFFF  }
0xa7: {  	s28 =	simm.s32 $_size_execute0_lowered;
	s2 =	sadd.s32 s2, s4;
	[dreg:$0x0] =	wrdreg $0x0  }
0xa8: {  	s4 =	sshll.u32 s28, $0x1;
	[dreg:$0x2] =	wrdreg s2  }
0xa9: {  	[dreg:$0x3] =	wrdreg s4  }
0xaa: {  	[dreg:$0x4] =	wrdreg $0xC0  }
0xab: {  	_ =	task [dreg:s6], $0x5FFFF  }
0xac: {  	[dreg:$0x1] =	wrdreg $0xFFFFFFFF  }
0xad: {  	[dreg:$0x0] =	wrdreg $0x60  }
0xae: {  	[dreg:$0x2] =	wrdreg s24  }
0xaf: {  	[dreg:$0x3] =	wrdreg $0x9  }
0xb0: {  	_ =	task.clear_ibuf [dreg:s6], $0x4FFFF;
	_ =	strace $0x90000046  }
0xb1: {  	s29 =	simm.s32 $0x9;
	_ =	strace $0x80000048  }
0xb2: {  	_ =	swait.ge [sflag:s29], $0x1  }
0xb3: {  	[sflag:s29] =	ssyncadd.s32 $0xFFFFFFFF  }
0xb4: {  	_ =	strace $0x90000048  }
0xb5: {  	_ =	sfence  }
0xb6: {  	s30 =	sld [smem:$0x0];
	_ =	sdelay $0x2  }
0xb7: {  	s31 =	sshll.u32 s1, $0xD;
	s1 =	sshrl.u32 s1, $0x2  }
0xb8: {  	s3 =	sand.u32 $0x4000, s31;
	s1 =	sadd.s32 s1, s30  }
0xb9: {  	s0 =	sor.u32 s3, s0;
	s1 =	sshll.u32 s1, $0x11  }
0xba: {  	s0 =	sor.u32 s1, s0  }
0xbb: {  	s0 =	sadd.s32 $0x8F2B, s0  }
0xbc: {  	[sflag:s0] =	ssyncadd.remote.s32 $0x1  }
0xbd: {  	_ =	sfence.sel $0xFFFF  }
0xbe: {  	[dreg:$0x0] =	wrdreg $0xFFFFFFFF;
	(pc) =	sbr.abs _section_cstart, $3  }
0xbf: {  	[dreg:$0x1] =	wrdreg $0xFFFFFFFF  }
0xc0: {  	_ =	task.clear_ibuf [dreg:s6], $0x2FFFF;
	_ =	strace $0x9FFFFFFF  }
0xc1: {  	(tm) =	ssettm $0x7FFFFFFF  }
tec
execute0_lowered:
.L_overlay_start_1:
0x0: {  	(tag) =	ssettag $0x1  }
0x1: {  	s1 =	srdreg.scid;
	s0 =	stileid.u32  }
0x2: {  	s4 =	sand.u32 $0x1, s1;
	s2 =	sshll.u32 s0, $0x1  }
0x3: {  	s3 =	rddreg [dreg:$0x0];
	s5 =	sor.u32 s4, s2  }
0x4: {  	s7 =	simm.s32 $0x2800;
	s8 =	simm.s32 $0x0;
	s5 =	smul.u32 $0x500, s5  }
0x5: {  	s1 =	rddreg [dreg:$0x1];
	s2 =	simm.s32 $0x0;
	s4 =	ssub.s32 $0x2, s4  }
0x6: {  	[smem:$0x7FF] =	sst s2;
	s6 =	sshrl.u32 s4, $0x1;
	s5 =	sadd.s32 s5, s3  }
0x7: {  	_ =	strace $0x80000047;
	s6 =	ssub.s32 s4, s6;
	s3 =	sadd.s32 $0x3400, s5  }
0x8: {  	v0 =	vimm.f32 $0.0e+00;
	v1 =	vimm.f32 $1.000000000e+00;
	s4 =	sadd.s32 $0x17400, s5;
	s5 =	smax.u32 s6, $0x1;
	s6 =	simm.s32 $0x1  }
.LBB2_1:
0x9: {  	s9 =	simm.s32 $0x40;
	s10 =	simm.s32 $0x0  }
.LBB2_2:
0xa: {  	p0 =	sne.s32 s9, $0x9FC0;
	[tilespmem:s10+$0x2800] =	vst v0;
	s10 =	smov.u32 s9;
	s9 =	sadd.s32 $0x40, s9  }
.Ltmp0:
0xb: {  	(pc) =	sbr.rel @p0 .LBB2_2-.Ltmp0, $2  }
0xc: {  	_ =	sdelay $0x2  }
0xd: {  	s10 =	sshra.s32 s10, $0x2  }
0xe: {  	[tilespmem:s10+$0x2800] =	vst v0;
	s9 =	simm.s32 $0x0  }
0xf: {  	[tilespmem:s9], [sflag:$0x1] =	stream.linear.gather [hbm4b:s3+s9], $0x2800, $0x38;
	[tilespmem:$0x5000] =	vst v63  }
0x10: {  	_ =	swait.ge [sflag:s6], $0x2800  }
0x11: {  	[sflag:s6] =	ssyncset.done $0x0  }
0x12: {  	s10 =	simm.s32 $0x0;
	s9 =	simm.s32 $0x40;
	[sflag:s6] =	ssyncadd.s32 $0xFFFFD800  }
.LBB2_4:
0x13: {  	p0 =	sne.s32 s9, $0x9FC0;
	v2 =	vld [tilespmem:s10+$0x0];
	_ =	sdelay $0x3  }
.Ltmp1:
0x14: {  	(pc) =	sbr.rel @p0 .LBB2_4-.Ltmp1, $2  }
0x15: {  	_ =	sdelay $0x2  }
0x16: {  	s10 =	sshra.s32 s9, $0x2;
	s9 =	sadd.s32 $0x40, s9;
	[tilespmem:v2+s7+$0x0] =	vst.idx.add.f32.msk $0xffff, v1  }
0x17: {  	v2 =	vld [tilespmem:s10+$0x0];
	_ =	sdelay $0x5  }
0x18: {  	s8 =	sadd.s32 $0x1, s8  }
0x19: {  	p0 =	sne.s32 s8, s5  }
.Ltmp2:
0x1a: {  	[tilespmem:v2+s7+$0x0] =	vst.idx.add.f32.msk $0xffff, v1;
	(pc) =	sbr.rel @p0 .LBB2_1-.Ltmp2, $4  }
0x1b: {  	[hbm4b:s4+s2] =	stream.linear.scatter [tilespmem:s7], [sflag:$0x1], $0x2800, $0x38;
	[tilespmem:$0x5000] =	vst v63  }
0x1c: {  	_ =	swait.ge [sflag:s6], $0x2800  }
0x1d: {  	[sflag:s6] =	ssyncset.done $0x0  }
0x1e: {  	[sflag:s6] =	ssyncadd.s32 $0xFFFFD800  }
0x1f: {  	_ =	sfence.sel $0x180000  }
0x20: {  	[bflag:$0x0] =	sbarrier.arrive $0xFFFF  }
0x21: {  	p0 =	sne.s32 s0, $0x0;
	_ =	strace $0x90000047  }
0x22: {  	s0 =	sadd.s32 @!p0 $0x100000, s1;
	[bflag:$0x2] =	sbarrier.arrive $0xFFFF  }
0x23: {  	[sflag:s0] =	ssyncadd.tile.s32 @!p0 $0x1;
	_ =	shalt  }
.Lfunc_end2:
_tile_overlayer_lowered:
.L_overlay_start_2:
0x24: {  	(tag) =	ssettag $0x2  }
0x25: {  	s0 =	rddreg [dreg:$0x0];
	s2 =	stileid.u32  }
0x26: {  	s1 =	rddreg [dreg:$0x1];
	p0 =	sne.s32 s2, $0x0  }
0x27: {  	s3 =	rddreg [dreg:$0x2];
	[bflag:$0x3] =	sbarrier.arrive $0xFFFF;
	s2 =	simm.s32 @!p0 $0x1C01  }
0x28: {  	[timem:s3], [sflag:s2] =	dma.local @!p0 [hbm:s0], s1  }
0x29: {  	s0 =	simm.s32 @!p0 $0x1  }
0x2a: {  	_ =	swait.ge @!p0 [sflag:s0], s1  }
0x2b: {  	s1 =	ssub.s32 @!p0 $0x0, s1;
	[sflag:s0] =	ssyncset.done @!p0 $0x0  }
0x2c: {  	[sflag:s0] =	ssyncadd.s32 @!p0 s1  }
0x2d: {  	[bflag:$0x3] =	sbarrier.arrive $0xFFFF  }
0x2e: {  	_ =	shalt  }

// kernel: kernel.13.cloned.1.call-start
scs
__scs_entry_jumppad:
0x0: {  	(pc) =	sbr.rel $0x88, $3  }
0x1: {  	(tag) =	ssettag $0x0;
	lr =	simm.s32 $0x1  }
0x2: {  	[smem:$0x3F96] =	sst lr;
	_ =	strace $0xD0000000  }
0x3: {  	_ = 	snop  }
0x4: {  	_ = 	snop  }
0x5: {  	_ = 	snop  }
0x6: {  	_ = 	snop  }
0x7: {  	_ = 	snop  }
__scs_overlays_trampoline_lowered:
0x8: {  	[smem:$0x3FA5] =	sst s0  }
0x9: {  	[smem:$0x3FA6] =	sst s1  }
0xa: {  	[smem:$0x3FA7] =	sst s2  }
0xb: {  	[smem:$0x3FA8] =	sst s3  }
0xc: {  	[smem:$0x3FA9] =	sst s4  }
0xd: {  	[smem:$0x3FAA] =	sst s5  }
0xe: {  	[smem:$0x3FAB] =	sst s6  }
0xf: {  	[smem:$0x3FAC] =	sst s7  }
0x10: {  	[smem:$0x3FAD] =	sst s8  }
0x11: {  	[smem:$0x3FAE] =	sst s9;
	s0 =	simm.s32 @!p0 $0x0  }
0x12: {  	s1 =	sld [smem:$0x3F94];
	s0 =	simm.s32 @p0 $0x1  }
0x13: {  	[smem:$0x3FAF] =	sst s0;
	s0 =	simm.s32 @!p1 $0x0  }
0x14: {  	s2 =	sld [smem:$0x3F93];
	s0 =	simm.s32 @p1 $0x1  }
0x15: {  	[smem:$0x3FB0] =	sst s0;
	s0 =	simm.s32 @!p2 $0x0  }
0x16: {  	s3 =	sld [smem:$0x3FDB];
	s0 =	simm.s32 @p2 $0x1  }
0x17: {  	s4 =	simm.s32 $0x1BF5;
	[smem:$0x3FB2] =	sst s0  }
0x18: {  	s0 =	sld [smem:$0x3F95];
	_ =	swait.ge [sflag:s4], $0x0  }
0x19: {  	s7 =	sld [smem:$0x3F96]  }
0x1a: {  	s8 =	sadd.s32 $0xFFFFE003, lr  }
0x1b: {  	s9 =	sadd.s32 $0xFFFFFEF7, lr;
	s5 =	simm.s32 $0xFFFFFFFF;
	p2 =	slt.u32 s8, $0xFFFFF086  }
0x1c: {  	p1 =	slt.u32 s9, $0xF7A;
	s5 =	simm.s32 @!p2 $0x0  }
0x1d: {  	s5 =	simm.s32 @p1 $0x1;
	p0 =	seq.s32 s7, s2  }
0x1e: {  	s7 =	smul.u32 @!p0 $0xF7A, s2;
	p2 =	seq.s32 @!p0 s5, $0x0  }
0x1f: {  	s9 =	smul.u32 $0xF7A, s1;
	s8 =	simm.s32 @!p0 $0x1BF5;
	p2 =	por !p2, p0  }
0x20: {  	[sflag:s8] =	ssyncset.s32 @!p0 $0xFFFFF086;
	s6 =	sadd.s32 @!p0 s3, s7;
	s7 =	simm.s32 @!p0 $0x108  }
0x21: {  	s3 =	sadd.s32 s3, s9;
	s6 =	sadd.s32 @!p0 $0x88, s6;
	s7 =	simm.s32 @p2 $0x1082  }
0x22: {  	[simem:s7], [sflag:s8] =	dma.local @!p0 [hbm:s6], $0xF7A  }
0x23: {  	s9 =	sor.u32 $0xD0000000, s2;
	s6 =	simm.s32 $0x108;
	_ =	swait.ge @!p0 [sflag:s8], $0x0  }
0x24: {  	s3 =	sadd.s32 $0x88, s3;
	s6 =	simm.s32 @!p1 $0x1082;
	[sflag:s4] =	ssyncset.s32 $0xFFFFF086  }
0x25: {  	[simem:s6], [sflag:s4] =	dma.local [hbm:s3], $0xF7A  }
0x26: {  	[smem:$0x3F96] =	sst s1;
	(tag) =	ssettag s2;
	_ =	strace s9  }
0x27: {  	s1 =	sld [smem:$0x3FA6]  }
0x28: {  	s2 =	sld [smem:$0x3FA7]  }
0x29: {  	s4 =	sld [smem:$0x3FA9]  }
0x2a: {  	p0 =	seq.s32 s5, $0x0;
	s5 =	sld [smem:$0x3FAA]  }
0x2b: {  	s6 =	sld [smem:$0x3FAB]  }
0x2c: {  	s7 =	sld [smem:$0x3FAC]  }
0x2d: {  	s3 =	simm.s32 $0x108;
	s8 =	sld [smem:$0x3FAD]  }
0x2e: {  	s3 =	simm.s32 @!p0 $0x1082;
	s9 =	sld [smem:$0x3FAE]  }
0x2f: {  	lr =	sadd.s32 s0, s3;
	s0 =	sld [smem:$0x3FA5]  }
0x30: {  	s3 =	sld [smem:$0x3FA8]  }
0x31: {  	[smem:$0x3FB1] =	sst s10  }
0x32: {  	s10 =	sld [smem:$0x3FAF];
	_ =	sdelay $0x3  }
0x33: {  	p0 =	seq.s32 s10, $0x1;
	s10 =	sld [smem:$0x3FB1];
	_ =	sdelay $0x3  }
0x34: {  	[smem:$0x3FB1] =	sst s10  }
0x35: {  	s10 =	sld [smem:$0x3FB0];
	_ =	sdelay $0x3  }
0x36: {  	p1 =	seq.s32 s10, $0x1;
	s10 =	sld [smem:$0x3FB1];
	_ =	sdelay $0x3  }
0x37: {  	[smem:$0x3FB1] =	sst s10  }
0x38: {  	s10 =	sld [smem:$0x3FB2]  }
0x39: {  	_ = 	snop;
	(pc) =	sbr.ind lr, $3  }
0x3a: {  	_ = 	snop  }
0x3b: {  	_ = 	snop  }
0x3c: {  	p2 =	seq.s32 s10, $0x1;
	s10 =	sld [smem:$0x3FB1]  }
0x3d: {  	_ =	shalt  }
0x3e: {  	_ =	shalt  }
0x3f: {  	_ =	shalt  }
0x40: {  	_ =	shalt  }
0x41: {  	_ =	shalt  }
0x42: {  	_ =	shalt  }
0x43: {  	_ =	shalt  }
0x44: {  	_ =	shalt  }
0x45: {  	_ =	shalt  }
0x46: {  	_ =	shalt  }
0x47: {  	_ =	shalt  }
0x48: {  	_ =	shalt  }
0x49: {  	_ =	shalt  }
0x4a: {  	_ =	shalt  }
0x4b: {  	_ =	shalt  }
0x4c: {  	_ =	shalt  }
0x4d: {  	_ =	shalt  }
0x4e: {  	_ =	shalt  }
0x4f: {  	_ =	shalt  }
0x50: {  	_ =	shalt  }
0x51: {  	_ =	shalt  }
0x52: {  	_ =	shalt  }
0x53: {  	_ =	shalt  }
0x54: {  	_ =	shalt  }
0x55: {  	_ =	shalt  }
0x56: {  	_ =	shalt  }
0x57: {  	_ =	shalt  }
0x58: {  	_ =	shalt  }
0x59: {  	_ =	shalt  }
0x5a: {  	_ =	shalt  }
0x5b: {  	_ =	shalt  }
0x5c: {  	_ =	shalt  }
0x5d: {  	_ =	shalt  }
0x5e: {  	_ =	shalt  }
0x5f: {  	_ =	shalt  }
0x60: {  	_ =	shalt  }
0x61: {  	_ =	shalt  }
0x62: {  	_ =	shalt  }
0x63: {  	_ =	shalt  }
0x64: {  	_ =	shalt  }
0x65: {  	_ =	shalt  }
0x66: {  	_ =	shalt  }
0x67: {  	_ =	shalt  }
0x68: {  	_ =	shalt  }
0x69: {  	_ =	shalt  }
0x6a: {  	_ =	shalt  }
0x6b: {  	_ =	shalt  }
0x6c: {  	_ =	shalt  }
0x6d: {  	_ =	shalt  }
0x6e: {  	_ =	shalt  }
0x6f: {  	_ =	shalt  }
0x70: {  	_ =	shalt  }
0x71: {  	_ =	shalt  }
0x72: {  	_ =	shalt  }
0x73: {  	_ =	shalt  }
0x74: {  	_ =	shalt  }
0x75: {  	_ =	shalt  }
0x76: {  	_ =	shalt  }
0x77: {  	_ =	shalt  }
0x78: {  	_ =	shalt  }
0x79: {  	_ =	shalt  }
0x7a: {  	_ =	shalt  }
0x7b: {  	_ =	shalt  }
0x7c: {  	_ =	shalt  }
0x7d: {  	_ =	shalt  }
0x7e: {  	_ =	shalt  }
0x7f: {  	_ =	shalt  }
0x80: {  	_ =	shalt  }
0x81: {  	_ =	shalt  }
0x82: {  	_ =	shalt  }
0x83: {  	_ =	shalt  }
0x84: {  	_ =	shalt  }
0x85: {  	_ =	shalt  }
0x86: {  	_ =	shalt  }
0x87: {  	_ =	shalt  }
.Lfunc_end0:
.L_simem_size_0:
called_computation.1_lowered:
.L_overlay_start_0:
0x88: {  	s2 =	sld [smem:$0x3FD9]  }
0x89: {  	s3 =	sld [smem:$0x3FFE];
	_ =	sdelay $0x1  }
0x8a: {  	s1 =	srdreg.scid  }
0x8b: {  	s0 =	sand.u32 $0x1, s1  }
0x8c: {  	s16 =	sshll.u32 s0, $0xA;
	s2 =	sadd.s32 s3, s2  }
0x8d: {  	s2 =	sadd.s32 s2, s16  }
0x8e: {  	[smem:$0x3FBD] =	sst s2  }
0x8f: {  	_ = 	snop  }
0x90: {  	(tm) =	ssettm $0x1  }
0x91: {  	s17 =	sld [smem:$0x3FFB];
	_ =	sdelay $0x3  }
0x92: {  	_ =	strace s17  }
0x93: {  	s2 =	sld [smem:$0x3FFC];
	_ =	sdelay $0x3  }
0x94: {  	_ =	strace s2  }
0x95: {  	s2 =	sld [smem:$0x3FFD];
	_ =	sdelay $0x3  }
0x96: {  	_ =	strace s2  }
0x97: {  	_ =	strace $0x8FFFFFFF  }
0x98: {  	s18 =	sld [smem:$0x3FDB];
	_ =	sdelay $0x1  }
0x99: {  	s19 =	simm.s32 $_scs_section_size  }
0x9a: {  	s4 =	simm.s32 $_size__tile_overlayer_lowered;
	s5 =	simm.s32 $_tile_overlayer_lowered  }
0x9b: {  	s22 =	simm.s32 $0x1BFF;
	s21 =	sshll.u32 s5, $0x1;
	s2 =	sadd.s32 s19, s18  }
0x9c: {  	s6 =	simm.s32 $0x0;
	s20 =	sshll.u32 s4, $0x1;
	s4 =	sadd.s32 s21, s2  }
0x9d: {  	[timem:s6], [sflag:s22] =	dma.local [hbm:s4], s20  }
0x9e: {  	_ =	swait.ge [sflag:s22], s20  }
0x9f: {  	s3 =	ssub.s32 $0x0, s20;
	[sflag:s22] =	ssyncset.done $0x0  }
0xa0: {  	[sflag:s22] =	ssyncadd.s32 s3;
	_ =	sdelay $0x1  }
0xa1: {  	s23 =	simm.s32 $0x1B8B  }
0xa2: {  	_ =	swait.ge [sflag:s23], $0x1  }
0xa3: {  	[sflag:s23] =	ssyncset.done $0x0  }
0xa4: {  	s25 =	simm.s32 $0x1B8E;
	s24 =	sld [smem:$0x3FFE];
	[sflag:s23] =	ssyncadd.s32 $0xFFFFFFFF  }
0xa5: {  	s26 =	simm.s32 $execute0_lowered;
	[smem:$0x3FD2] =	sst s25  }
0xa6: {  	s4 =	sshll.u32 s26, $0x1;
	_ =	strace $0x80000049;
	[dreg:$0x1] =	wrdreg $0xFFFFFFFF  }
0xa7: {  	s28 =	simm.s32 $_size_execute0_lowered;
	s2 =	sadd.s32 s2, s4;
	[dreg:$0x0] =	wrdreg $0x0  }
0xa8: {  	s4 =	sshll.u32 s28, $0x1;
	[dreg:$0x2] =	wrdreg s2  }
0xa9: {  	[dreg:$0x3] =	wrdreg s4  }
0xaa: {  	[dreg:$0x4] =	wrdreg $0xC0  }
0xab: {  	_ =	task [dreg:s6], $0x5FFFF  }
0xac: {  	[dreg:$0x1] =	wrdreg $0xFFFFFFFF  }
0xad: {  	[dreg:$0x0] =	wrdreg $0x60  }
0xae: {  	[dreg:$0x2] =	wrdreg s24  }
0xaf: {  	[dreg:$0x3] =	wrdreg $0x0  }
0xb0: {  	[dreg:$0x4] =	wrdreg $0x9  }
0xb1: {  	_ =	task.clear_ibuf [dreg:s6], $0x5FFFF;
	_ =	strace $0x90000049  }
0xb2: {  	s29 =	simm.s32 $0x9;
	_ =	strace $0x8000004B  }
0xb3: {  	_ =	swait.ge [sflag:s29], $0x1  }
0xb4: {  	[sflag:s29] =	ssyncadd.s32 $0xFFFFFFFF  }
0xb5: {  	_ =	strace $0x9000004B  }
0xb6: {  	_ =	sfence  }
0xb7: {  	s30 =	sld [smem:$0x0];
	_ =	sdelay $0x2  }
0xb8: {  	s31 =	sshll.u32 s1, $0xD;
	s1 =	sshrl.u32 s1, $0x2  }
0xb9: {  	s3 =	sand.u32 $0x4000, s31;
	s1 =	sadd.s32 s1, s30  }
0xba: {  	s0 =	sor.u32 s3, s0;
	s1 =	sshll.u32 s1, $0x11  }
0xbb: {  	s0 =	sor.u32 s1, s0  }
0xbc: {  	s0 =	sadd.s32 $0x8F2B, s0  }
0xbd: {  	[sflag:s0] =	ssyncadd.remote.s32 $0x1  }
0xbe: {  	_ =	sfence.sel $0xFFFF  }
0xbf: {  	[dreg:$0x0] =	wrdreg $0xFFFFFFFF;
	(pc) =	sbr.abs _section_cstart, $3  }
0xc0: {  	[dreg:$0x1] =	wrdreg $0xFFFFFFFF  }
0xc1: {  	_ =	task.clear_ibuf [dreg:s6], $0x2FFFF;
	_ =	strace $0x9FFFFFFF  }
0xc2: {  	(tm) =	ssettm $0x7FFFFFFF  }
0xc3: {  	_ =	shalt  }
tec
execute0_lowered:
.L_overlay_start_1:
0x0: {  	(tag) =	ssettag $0x1  }
0x1: {  	s0 =	srdreg.scid;
	s5 =	rddreg [dreg:$0x0]  }
0x2: {  	s8 =	stileid.u32;
	s2 =	rddreg [dreg:$0x1]  }
0x3: {  	s3 =	simm.s32 $0x0;
	s26 =	simm.s32 $0x14080;
	s11 =	simm.s32 $0x14180  }
0x4: {  	s13 =	simm.s32 $0x14900;
	s14 =	simm.s32 $0x14980;
	s15 =	simm.s32 $0x14200  }
0x5: {  	s16 =	simm.s32 $0x14280;
	[smem:$0x7FF] =	sst s3;
	s9 =	sadd.s32 $0x3400, s5  }
0x6: {  	s17 =	simm.s32 $0x14A00;
	_ =	strace $0x8000004A;
	[dreg:$0x17] =	wrdreg s9  }
0x7: {  	s18 =	simm.s32 $0x14A80;
	s19 =	simm.s32 $0x14300;
	[dreg:$0x5] =	wrdreg s26  }
0x8: {  	s20 =	simm.s32 $0x14380;
	s21 =	simm.s32 $0x14B00;
	[dreg:$0x8] =	wrdreg s11  }
0x9: {  	s22 =	simm.s32 $0x14B80;
	s28 =	simm.s32 $0x14E80;
	[dreg:$0x9] =	wrdreg s13  }
0xa: {  	s29 =	simm.s32 $0x14700;
	s1 =	smul.u32 $0x5000, s8;
	[dreg:$0xa] =	wrdreg s14  }
0xb: {  	s30 =	simm.s32 $0x14780;
	s6 =	smul.u32 $0xA00, s8;
	[dreg:$0xb] =	wrdreg s15  }
0xc: {  	s31 =	simm.s32 $0x14F00;
	s23 =	smul.u32 $0x14000, s8;
	[dreg:$0xc] =	wrdreg s16  }
0xd: {  	s0 =	sand.u32 $0x1, s0;
	s25 =	smul.u32 $0x50000, s8;
	[dreg:$0xd] =	wrdreg s17  }
0xe: {  	s12 =	sshll.u32 s8, $0x6;
	s4 =	smul.u32 $0x50000, s0;
	[dreg:$0xe] =	wrdreg s18  }
0xf: {  	s7 =	smul.u32 $0x140000, s0;
	s0 =	ssub.s32 $0x2, s0;
	[dreg:$0xf] =	wrdreg s19  }
0x10: {  	s9 =	simm.s32 $0x14100;
	s11 =	simm.s32 $0x14000;
	[dreg:$0x10] =	wrdreg s20  }
0x11: {  	s13 =	simm.s32 $0x80;
	s14 =	simm.s32 $0x15000;
	[dreg:$0x11] =	wrdreg s21  }
0x12: {  	s15 =	simm.s32 $0x19000;
	[dreg:$0x12] =	wrdreg s22;
	s16 =	simm.s32 $0x1  }
0x13: {  	s17 =	simm.s32 $0x2;
	s18 =	simm.s32 $0x3;
	s26 =	simm.s32 $0x14C80  }
0x14: {  	s19 =	simm.s32 $0x4;
	s20 =	simm.s32 $0x14500;
	s21 =	simm.s32 $0x14580  }
0x15: {  	s22 =	simm.s32 $0x14D00;
	s6 =	sadd.s32 s6, s5;
	[dreg:$0x7] =	wrdreg s9  }
0x16: {  	s24 =	sshrl.u32 s0, $0x1;
	[dreg:$0x16] =	wrdreg s26;
	s26 =	simm.s32 $0x14E00  }
0x17: {  	s1 =	sadd.s32 s1, s4;
	s7 =	sadd.s32 s23, s7;
	s4 =	sadd.s32 $0x35400, s5  }
0x18: {  	s6 =	sadd.s32 $0xD400, s6;
	s0 =	ssub.s32 s0, s24;
	s23 =	simm.s32 $0x14400  }
0x19: {  	s24 =	simm.s32 $0x14480;
	s1 =	sshrl.u32 s1, $0x3;
	[dreg:$0x3] =	wrdreg s6  }
0x1a: {  	s7 =	sshrl.u32 s7, $0x3;
	s6 =	sshrl.u32 s25, $0x2;
	[dreg:$0x13] =	wrdreg s23  }
0x1b: {  	s0 =	smax.u32 s0, $0x1;
	[dreg:$0x14] =	wrdreg s24;
	s25 =	simm.s32 $0x14C00  }
0x1c: {  	s23 =	simm.s32 $0x14D80;
	s24 =	simm.s32 $0x14600;
	s1 =	sadd.s32 s1, s5  }
0x1d: {  	s5 =	sadd.s32 s7, s5;
	s7 =	simm.s32 $0x14880;
	[dreg:$0x19] =	wrdreg s0  }
0x1e: {  	s10 =	sadd.s32 s6, s2;
	s6 =	sor.u32 $0x1C05, s12;
	[dreg:$0x15] =	wrdreg s25  }
0x1f: {  	s12 =	simm.s32 $0x14800;
	s1 =	sadd.s32 $0x21400, s1;
	[dreg:$0x6] =	wrdreg s7  }
0x20: {  	s25 =	simm.s32 $0x14680;
	s5 =	sadd.s32 $0xD5400, s5;
	[dreg:$0x4] =	wrdreg s1  }
0x21: {  	s0 =	simm.s32 $0x0;
	s7 =	sshrl.u32 s10, $0x3;
	[dreg:$0x18] =	wrdreg s5  }
0x22: {  	s10 =	simm.s32 $0x5;
	s1 =	simm.s32 $0x14F80;
	[dreg:$0x1a] =	wrdreg s7  }
.LBB2_1:
0x23: {  	s5 =	rddreg [dreg:$0x17]  }
0x24: {  	[spmem:s7], [sflag:s6] =	dma.local [hbm:s5], $0x2800  }
0x25: {  	_ =	swait.ge [sflag:s10], $0x2800  }
0x26: {  	[sflag:s10] =	ssyncset.done $0x0  }
0x27: {  	[sflag:s10] =	ssyncadd.s32 $0xFFFFD800  }
0x28: {  	[bflag:$0x0] =	sbarrier.arrive $0xFFFF  }
0x29: {  	s9 =	smov.u32 s6;
	s6 =	rddreg [dreg:$0x4]  }
0x2a: {  	s5 =	sadd.s32 $0x0, s6  }
0x2b: {  	[tilespmem:s11], [sflag:$0x5] =	stream.linear.gather [hbm4b:s5+s3], $0x800, $0x38;
	[tilespmem:$0x1D000] =	vst v63  }
0x2c: {  	_ =	swait.ge [sflag:s10], $0x800  }
0x2d: {  	s7 =	rddreg [dreg:$0x3];
	[sflag:s10] =	ssyncset.done $0x0  }
0x2e: {  	[sflag:s10] =	ssyncadd.s32 $0xFFFFF800;
	s5 =	sadd.s32 $0x0, s7  }
0x2f: {  	[tilespmem:s12], [sflag:$0x5] =	stream.linear.gather [hbm4b:s5+s3], $0x800, $0x38;
	[tilespmem:$0x1D000] =	vst v63  }
0x30: {  	_ =	swait.ge [sflag:s10], $0x800  }
0x31: {  	p0 =	por $0x1, $0x1;
	[sflag:s10] =	ssyncset.done $0x0  }
0x32: {  	s5 =	simm.s32 @!p0 $0x3;
	[sflag:s10] =	ssyncadd.s32 $0xFFFFF800  }
0x33: {  	_ =	swait.ge @!p0 [sflag:s5], $0x4000  }
0x34: {  	[sflag:s5] =	ssyncset.done @!p0 $0x0  }
0x35: {  	[sflag:s5] =	ssyncadd.s32 @!p0 $0xFFFFC000;
	s5 =	simm.s32 @!p0 $0x4  }
0x36: {  	_ =	swait.ge @!p0 [sflag:s5], $0x4000  }
0x37: {  	[sflag:s5] =	ssyncset.done @!p0 $0x0  }
0x38: {  	[sflag:s5] =	ssyncadd.s32 @!p0 $0xFFFFC000  }
0x39: {  	[tilespmem:s14], [sflag:$0x1] =	stream.indirect.gather [hbm4b:s4+s13], $0x80, s11, s13, $0xb8;
	[tilespmem:$0x1D000] =	vst v63  }
0x3a: {  	s8 =	rddreg [dreg:$0x5]  }
0x3b: {  	[tilespmem:s15], [sflag:$0x2] =	stream.indirect.gather [hbm4b:s4+s13], $0x80, s8, s13, $0xb8;
	[tilespmem:$0x1D000] =	vst v63  }
0x3c: {  	_ =	swait.ge [sflag:s16], $0x4000  }
0x3d: {  	[sflag:s16] =	ssyncset.done $0x0  }
0x3e: {  	[sflag:s16] =	ssyncadd.s32 $0xFFFFC000  }
0x3f: {  	[spmem:s2] =	stream.indirect.scatter.add.f32 [tilespmem:s14], [sflag:$0x3], $0x80, s12, s13, $0xb8;
	[tilespmem:$0x1D000] =	vst v63  }
0x40: {  	_ =	swait.ge [sflag:s17], $0x4000  }
0x41: {  	[sflag:s17] =	ssyncset.done $0x0  }
0x42: {  	s6 =	rddreg [dreg:$0x6];
	[sflag:s17] =	ssyncadd.s32 $0xFFFFC000  }
0x43: {  	[spmem:s2] =	stream.indirect.scatter.add.f32 [tilespmem:s15], [sflag:$0x4], $0x80, s6, s13, $0xb8;
	[tilespmem:$0x1D000] =	vst v63  }
0x44: {  	_ =	swait.ge [sflag:s18], $0x4000  }
0x45: {  	[sflag:s18] =	ssyncset.done $0x0  }
0x46: {  	[sflag:s18] =	ssyncadd.s32 $0xFFFFC000  }
0x47: {  	_ =	swait.ge [sflag:s19], $0x4000  }
0x48: {  	[sflag:s19] =	ssyncset.done $0x0  }
0x49: {  	s7 =	rddreg [dreg:$0x7];
	[sflag:s19] =	ssyncadd.s32 $0xFFFFC000  }
0x4a: {  	[tilespmem:s14], [sflag:$0x1] =	stream.indirect.gather [hbm4b:s4+s13], $0x80, s7, s13, $0xb8;
	[tilespmem:$0x1D000] =	vst v63  }
0x4b: {  	s8 =	rddreg [dreg:$0x8]  }
0x4c: {  	[tilespmem:s15], [sflag:$0x2] =	stream.indirect.gather [hbm4b:s4+s13], $0x80, s8, s13, $0xb8;
	[tilespmem:$0x1D000] =	vst v63  }
0x4d: {  	_ =	swait.ge [sflag:s16], $0x4000  }
0x4e: {  	[sflag:s16] =	ssyncset.done $0x0  }
0x4f: {  	s6 =	rddreg [dreg:$0x9];
	[sflag:s16] =	ssyncadd.s32 $0xFFFFC000  }
0x50: {  	[spmem:s2] =	stream.indirect.scatter.add.f32 [tilespmem:s14], [sflag:$0x3], $0x80, s6, s13, $0xb8;
	[tilespmem:$0x1D000] =	vst v63  }
0x51: {  	_ =	swait.ge [sflag:s17], $0x4000  }
0x52: {  	[sflag:s17] =	ssyncset.done $0x0  }
0x53: {  	s7 =	rddreg [dreg:$0xa];
	[sflag:s17] =	ssyncadd.s32 $0xFFFFC000  }
0x54: {  	[spmem:s2] =	stream.indirect.scatter.add.f32 [tilespmem:s15], [sflag:$0x4], $0x80, s7, s13, $0xb8;
	[tilespmem:$0x1D000] =	vst v63  }
0x55: {  	_ =	swait.ge [sflag:s18], $0x4000  }
0x56: {  	[sflag:s18] =	ssyncset.done $0x0  }
0x57: {  	[sflag:s18] =	ssyncadd.s32 $0xFFFFC000  }
0x58: {  	_ =	swait.ge [sflag:s19], $0x4000  }
0x59: {  	[sflag:s19] =	ssyncset.done $0x0  }
0x5a: {  	s8 =	rddreg [dreg:$0xb];
	[sflag:s19] =	ssyncadd.s32 $0xFFFFC000  }
0x5b: {  	[tilespmem:s14], [sflag:$0x1] =	stream.indirect.gather [hbm4b:s4+s13], $0x80, s8, s13, $0xb8;
	[tilespmem:$0x1D000] =	vst v63  }
0x5c: {  	s6 =	rddreg [dreg:$0xc]  }
0x5d: {  	[tilespmem:s15], [sflag:$0x2] =	stream.indirect.gather [hbm4b:s4+s13], $0x80, s6, s13, $0xb8;
	[tilespmem:$0x1D000] =	vst v63  }
0x5e: {  	_ =	swait.ge [sflag:s16], $0x4000  }
0x5f: {  	[sflag:s16] =	ssyncset.done $0x0  }
0x60: {  	s8 =	rddreg [dreg:$0xd];
	[sflag:s16] =	ssyncadd.s32 $0xFFFFC000  }
0x61: {  	[spmem:s2] =	stream.indirect.scatter.add.f32 [tilespmem:s14], [sflag:$0x3], $0x80, s8, s13, $0xb8;
	[tilespmem:$0x1D000] =	vst v63  }
0x62: {  	_ =	swait.ge [sflag:s17], $0x4000  }
0x63: {  	[sflag:s17] =	ssyncset.done $0x0  }
0x64: {  	s6 =	rddreg [dreg:$0xe];
	[sflag:s17] =	ssyncadd.s32 $0xFFFFC000  }
0x65: {  	[spmem:s2] =	stream.indirect.scatter.add.f32 [tilespmem:s15], [sflag:$0x4], $0x80, s6, s13, $0xb8;
	[tilespmem:$0x1D000] =	vst v63  }
0x66: {  	_ =	swait.ge [sflag:s18], $0x4000  }
0x67: {  	[sflag:s18] =	ssyncset.done $0x0  }
0x68: {  	[sflag:s18] =	ssyncadd.s32 $0xFFFFC000  }
0x69: {  	_ =	swait.ge [sflag:s19], $0x4000  }
0x6a: {  	[sflag:s19] =	ssyncset.done $0x0  }
0x6b: {  	s7 =	rddreg [dreg:$0xf];
	[sflag:s19] =	ssyncadd.s32 $0xFFFFC000  }
0x6c: {  	[tilespmem:s14], [sflag:$0x1] =	stream.indirect.gather [hbm4b:s4+s13], $0x80, s7, s13, $0xb8;
	[tilespmem:$0x1D000] =	vst v63  }
0x6d: {  	s8 =	rddreg [dreg:$0x10]  }
0x6e: {  	[tilespmem:s15], [sflag:$0x2] =	stream.indirect.gather [hbm4b:s4+s13], $0x80, s8, s13, $0xb8;
	[tilespmem:$0x1D000] =	vst v63  }
0x6f: {  	_ =	swait.ge [sflag:s16], $0x4000  }
0x70: {  	[sflag:s16] =	ssyncset.done $0x0  }
0x71: {  	s6 =	rddreg [dreg:$0x11];
	[sflag:s16] =	ssyncadd.s32 $0xFFFFC000  }
0x72: {  	[spmem:s2] =	stream.indirect.scatter.add.f32 [tilespmem:s14], [sflag:$0x3], $0x80, s6, s13, $0xb8;
	[tilespmem:$0x1D000] =	vst v63  }
0x73: {  	_ =	swait.ge [sflag:s17], $0x4000  }
0x74: {  	[sflag:s17] =	ssyncset.done $0x0  }
0x75: {  	s7 =	rddreg [dreg:$0x12];
	[sflag:s17] =	ssyncadd.s32 $0xFFFFC000  }
0x76: {  	[spmem:s2] =	stream.indirect.scatter.add.f32 [tilespmem:s15], [sflag:$0x4], $0x80, s7, s13, $0xb8;
	[tilespmem:$0x1D000] =	vst v63  }
0x77: {  	_ =	swait.ge [sflag:s18], $0x4000  }
0x78: {  	[sflag:s18] =	ssyncset.done $0x0  }
0x79: {  	[sflag:s18] =	ssyncadd.s32 $0xFFFFC000  }
0x7a: {  	_ =	swait.ge [sflag:s19], $0x4000  }
0x7b: {  	[sflag:s19] =	ssyncset.done $0x0  }
0x7c: {  	s8 =	rddreg [dreg:$0x13];
	[sflag:s19] =	ssyncadd.s32 $0xFFFFC000  }
0x7d: {  	[tilespmem:s14], [sflag:$0x1] =	stream.indirect.gather [hbm4b:s4+s13], $0x80, s8, s13, $0xb8;
	[tilespmem:$0x1D000] =	vst v63  }
0x7e: {  	s6 =	rddreg [dreg:$0x14]  }
0x7f: {  	[tilespmem:s15], [sflag:$0x2] =	stream.indirect.gather [hbm4b:s4+s13], $0x80, s6, s13, $0xb8;
	[tilespmem:$0x1D000] =	vst v63  }
0x80: {  	_ =	swait.ge [sflag:s16], $0x4000  }
0x81: {  	[sflag:s16] =	ssyncset.done $0x0  }
0x82: {  	s7 =	rddreg [dreg:$0x15];
	[sflag:s16] =	ssyncadd.s32 $0xFFFFC000  }
0x83: {  	[spmem:s2] =	stream.indirect.scatter.add.f32 [tilespmem:s14], [sflag:$0x3], $0x80, s7, s13, $0xb8;
	[tilespmem:$0x1D000] =	vst v63  }
0x84: {  	_ =	swait.ge [sflag:s17], $0x4000  }
0x85: {  	[sflag:s17] =	ssyncset.done $0x0  }
0x86: {  	s8 =	rddreg [dreg:$0x16];
	[sflag:s17] =	ssyncadd.s32 $0xFFFFC000  }
0x87: {  	[spmem:s2] =	stream.indirect.scatter.add.f32 [tilespmem:s15], [sflag:$0x4], $0x80, s8, s13, $0xb8;
	[tilespmem:$0x1D000] =	vst v63  }
0x88: {  	_ =	swait.ge [sflag:s18], $0x4000  }
0x89: {  	[sflag:s18] =	ssyncset.done $0x0  }
0x8a: {  	[sflag:s18] =	ssyncadd.s32 $0xFFFFC000  }
0x8b: {  	_ =	swait.ge [sflag:s19], $0x4000  }
0x8c: {  	[sflag:s19] =	ssyncset.done $0x0  }
0x8d: {  	[sflag:s19] =	ssyncadd.s32 $0xFFFFC000  }
0x8e: {  	[tilespmem:s14], [sflag:$0x1] =	stream.indirect.gather [hbm4b:s4+s13], $0x80, s20, s13, $0xb8;
	[tilespmem:$0x1D000] =	vst v63  }
0x8f: {  	_ = 	snop  }
0x90: {  	[tilespmem:s15], [sflag:$0x2] =	stream.indirect.gather [hbm4b:s4+s13], $0x80, s21, s13, $0xb8;
	[tilespmem:$0x1D000] =	vst v63  }
0x91: {  	_ =	swait.ge [sflag:s16], $0x4000  }
0x92: {  	[sflag:s16] =	ssyncset.done $0x0  }
0x93: {  	[sflag:s16] =	ssyncadd.s32 $0xFFFFC000  }
0x94: {  	[spmem:s2] =	stream.indirect.scatter.add.f32 [tilespmem:s14], [sflag:$0x3], $0x80, s22, s13, $0xb8;
	[tilespmem:$0x1D000] =	vst v63  }
0x95: {  	_ =	swait.ge [sflag:s17], $0x4000  }
0x96: {  	[sflag:s17] =	ssyncset.done $0x0  }
0x97: {  	[sflag:s17] =	ssyncadd.s32 $0xFFFFC000  }
0x98: {  	[spmem:s2] =	stream.indirect.scatter.add.f32 [tilespmem:s15], [sflag:$0x4], $0x80, s23, s13, $0xb8;
	[tilespmem:$0x1D000] =	vst v63  }
0x99: {  	_ =	swait.ge [sflag:s18], $0x4000  }
0x9a: {  	[sflag:s18] =	ssyncset.done $0x0  }
0x9b: {  	[sflag:s18] =	ssyncadd.s32 $0xFFFFC000  }
0x9c: {  	_ =	swait.ge [sflag:s19], $0x4000  }
0x9d: {  	[sflag:s19] =	ssyncset.done $0x0  }
0x9e: {  	[sflag:s19] =	ssyncadd.s32 $0xFFFFC000  }
0x9f: {  	[tilespmem:s14], [sflag:$0x1] =	stream.indirect.gather [hbm4b:s4+s13], $0x80, s24, s13, $0xb8;
	[tilespmem:$0x1D000] =	vst v63  }
0xa0: {  	_ = 	snop  }
0xa1: {  	[tilespmem:s15], [sflag:$0x2] =	stream.indirect.gather [hbm4b:s4+s13], $0x80, s25, s13, $0xb8;
	[tilespmem:$0x1D000] =	vst v63  }
0xa2: {  	_ =	swait.ge [sflag:s16], $0x4000  }
0xa3: {  	[sflag:s16] =	ssyncset.done $0x0  }
0xa4: {  	[sflag:s16] =	ssyncadd.s32 $0xFFFFC000  }
0xa5: {  	[spmem:s2] =	stream.indirect.scatter.add.f32 [tilespmem:s14], [sflag:$0x3], $0x80, s26, s13, $0xb8;
	[tilespmem:$0x1D000] =	vst v63  }
0xa6: {  	_ =	swait.ge [sflag:s17], $0x4000  }
0xa7: {  	[sflag:s17] =	ssyncset.done $0x0  }
0xa8: {  	[sflag:s17] =	ssyncadd.s32 $0xFFFFC000  }
0xa9: {  	[spmem:s2] =	stream.indirect.scatter.add.f32 [tilespmem:s15], [sflag:$0x4], $0x80, s28, s13, $0xb8;
	[tilespmem:$0x1D000] =	vst v63  }
0xaa: {  	_ =	swait.ge [sflag:s18], $0x4000  }
0xab: {  	[sflag:s18] =	ssyncset.done $0x0  }
0xac: {  	[sflag:s18] =	ssyncadd.s32 $0xFFFFC000  }
0xad: {  	_ =	swait.ge [sflag:s19], $0x4000  }
0xae: {  	[sflag:s19] =	ssyncset.done $0x0  }
0xaf: {  	[sflag:s19] =	ssyncadd.s32 $0xFFFFC000  }
0xb0: {  	[tilespmem:s14], [sflag:$0x1] =	stream.indirect.gather [hbm4b:s4+s13], $0x80, s29, s13, $0xb8;
	[tilespmem:$0x1D000] =	vst v63  }
0xb1: {  	_ = 	snop  }
0xb2: {  	[tilespmem:s15], [sflag:$0x2] =	stream.indirect.gather [hbm4b:s4+s13], $0x80, s30, s13, $0xb8;
	[tilespmem:$0x1D000] =	vst v63  }
0xb3: {  	_ =	swait.ge [sflag:s16], $0x4000  }
0xb4: {  	[sflag:s16] =	ssyncset.done $0x0  }
0xb5: {  	[sflag:s16] =	ssyncadd.s32 $0xFFFFC000  }
0xb6: {  	[spmem:s2] =	stream.indirect.scatter.add.f32 [tilespmem:s14], [sflag:$0x3], $0x80, s31, s13, $0xb8;
	[tilespmem:$0x1D000] =	vst v63  }
0xb7: {  	_ =	swait.ge [sflag:s17], $0x4000  }
0xb8: {  	s5 =	simm.s32 $0x100;
	[sflag:s17] =	ssyncset.done $0x0  }
0xb9: {  	s7 =	simm.s32 $0x200;
	s8 =	rddreg [dreg:$0x4];
	[sflag:s17] =	ssyncadd.s32 $0xFFFFC000  }
.LBB2_2:
0xba: {  	[spmem:s2] =	stream.indirect.scatter.add.f32 [tilespmem:s15], [sflag:$0x4], $0x80, s1, s13, $0xb8;
	[tilespmem:$0x1D000] =	vst v63  }
0xbb: {  	s8 =	sadd.s32 s5, s8  }
0xbc: {  	[tilespmem:s11], [sflag:$0x5] =	stream.linear.gather [hbm4b:s8+s3], $0x800, $0x38;
	[tilespmem:$0x1D000] =	vst v63  }
0xbd: {  	_ =	swait.ge [sflag:s10], $0x800  }
0xbe: {  	s8 =	rddreg [dreg:$0x3];
	[sflag:s10] =	ssyncset.done $0x0  }
0xbf: {  	[sflag:s10] =	ssyncadd.s32 $0xFFFFF800;
	s8 =	sadd.s32 s5, s8  }
0xc0: {  	[tilespmem:s12], [sflag:$0x5] =	stream.linear.gather [hbm4b:s8+s3], $0x800, $0x38;
	[tilespmem:$0x1D000] =	vst v63  }
0xc1: {  	_ =	swait.ge [sflag:s10], $0x800  }
0xc2: {  	s6 =	smov.u32 s7;
	p1 =	seq.s32 s5, $0x0;
	[sflag:s10] =	ssyncset.done $0x0  }
0xc3: {  	s5 =	smov.u32 s6;
	s6 =	simm.s32 @!p1 $0x3;
	[sflag:s10] =	ssyncadd.s32 $0xFFFFF800  }
0xc4: {  	_ =	swait.ge @!p1 [sflag:s6], $0x4000  }
0xc5: {  	[sflag:s6] =	ssyncset.done @!p1 $0x0  }
0xc6: {  	[sflag:s6] =	ssyncadd.s32 @!p1 $0xFFFFC000;
	s6 =	simm.s32 @!p1 $0x4  }
0xc7: {  	_ =	swait.ge @!p1 [sflag:s6], $0x4000  }
0xc8: {  	[sflag:s6] =	ssyncset.done @!p1 $0x0  }
0xc9: {  	[sflag:s6] =	ssyncadd.s32 @!p1 $0xFFFFC000  }
0xca: {  	[tilespmem:s14], [sflag:$0x1] =	stream.indirect.gather [hbm4b:s4+s13], $0x80, s11, s13, $0xb8;
	[tilespmem:$0x1D000] =	vst v63  }
0xcb: {  	s8 =	rddreg [dreg:$0x5]  }
0xcc: {  	[tilespmem:s15], [sflag:$0x2] =	stream.indirect.gather [hbm4b:s4+s13], $0x80, s8, s13, $0xb8;
	[tilespmem:$0x1D000] =	vst v63  }
0xcd: {  	_ =	swait.ge [sflag:s16], $0x4000  }
0xce: {  	[sflag:s16] =	ssyncset.done $0x0  }
0xcf: {  	[sflag:s16] =	ssyncadd.s32 $0xFFFFC000  }
0xd0: {  	[spmem:s2] =	stream.indirect.scatter.add.f32 [tilespmem:s14], [sflag:$0x3], $0x80, s12, s13, $0xb8;
	[tilespmem:$0x1D000] =	vst v63  }
0xd1: {  	_ =	swait.ge [sflag:s17], $0x4000  }
0xd2: {  	[sflag:s17] =	ssyncset.done $0x0  }
0xd3: {  	s8 =	rddreg [dreg:$0x6];
	[sflag:s17] =	ssyncadd.s32 $0xFFFFC000  }
0xd4: {  	[spmem:s2] =	stream.indirect.scatter.add.f32 [tilespmem:s15], [sflag:$0x4], $0x80, s8, s13, $0xb8;
	[tilespmem:$0x1D000] =	vst v63  }
0xd5: {  	_ =	swait.ge [sflag:s18], $0x4000  }
0xd6: {  	[sflag:s18] =	ssyncset.done $0x0  }
0xd7: {  	[sflag:s18] =	ssyncadd.s32 $0xFFFFC000  }
0xd8: {  	_ =	swait.ge [sflag:s19], $0x4000  }
0xd9: {  	[sflag:s19] =	ssyncset.done $0x0  }
0xda: {  	s6 =	rddreg [dreg:$0x7];
	[sflag:s19] =	ssyncadd.s32 $0xFFFFC000  }
0xdb: {  	[tilespmem:s14], [sflag:$0x1] =	stream.indirect.gather [hbm4b:s4+s13], $0x80, s6, s13, $0xb8;
	[tilespmem:$0x1D000] =	vst v63  }
0xdc: {  	s8 =	rddreg [dreg:$0x8]  }
0xdd: {  	[tilespmem:s15], [sflag:$0x2] =	stream.indirect.gather [hbm4b:s4+s13], $0x80, s8, s13, $0xb8;
	[tilespmem:$0x1D000] =	vst v63  }
0xde: {  	_ =	swait.ge [sflag:s16], $0x4000  }
0xdf: {  	[sflag:s16] =	ssyncset.done $0x0  }
0xe0: {  	s8 =	rddreg [dreg:$0x9];
	[sflag:s16] =	ssyncadd.s32 $0xFFFFC000  }
0xe1: {  	[spmem:s2] =	stream.indirect.scatter.add.f32 [tilespmem:s14], [sflag:$0x3], $0x80, s8, s13, $0xb8;
	[tilespmem:$0x1D000] =	vst v63  }
0xe2: {  	_ =	swait.ge [sflag:s17], $0x4000  }
0xe3: {  	[sflag:s17] =	ssyncset.done $0x0  }
0xe4: {  	s8 =	rddreg [dreg:$0xa];
	[sflag:s17] =	ssyncadd.s32 $0xFFFFC000  }
0xe5: {  	[spmem:s2] =	stream.indirect.scatter.add.f32 [tilespmem:s15], [sflag:$0x4], $0x80, s8, s13, $0xb8;
	[tilespmem:$0x1D000] =	vst v63  }
0xe6: {  	_ =	swait.ge [sflag:s18], $0x4000  }
0xe7: {  	[sflag:s18] =	ssyncset.done $0x0  }
0xe8: {  	[sflag:s18] =	ssyncadd.s32 $0xFFFFC000  }
0xe9: {  	_ =	swait.ge [sflag:s19], $0x4000  }
0xea: {  	[sflag:s19] =	ssyncset.done $0x0  }
0xeb: {  	s6 =	rddreg [dreg:$0xb];
	[sflag:s19] =	ssyncadd.s32 $0xFFFFC000  }
0xec: {  	[tilespmem:s14], [sflag:$0x1] =	stream.indirect.gather [hbm4b:s4+s13], $0x80, s6, s13, $0xb8;
	[tilespmem:$0x1D000] =	vst v63  }
0xed: {  	s8 =	rddreg [dreg:$0xc]  }
0xee: {  	[tilespmem:s15], [sflag:$0x2] =	stream.indirect.gather [hbm4b:s4+s13], $0x80, s8, s13, $0xb8;
	[tilespmem:$0x1D000] =	vst v63  }
0xef: {  	_ =	swait.ge [sflag:s16], $0x4000  }
0xf0: {  	[sflag:s16] =	ssyncset.done $0x0  }
0xf1: {  	s8 =	rddreg [dreg:$0xd];
	[sflag:s16] =	ssyncadd.s32 $0xFFFFC000  }
0xf2: {  	[spmem:s2] =	stream.indirect.scatter.add.f32 [tilespmem:s14], [sflag:$0x3], $0x80, s8, s13, $0xb8;
	[tilespmem:$0x1D000] =	vst v63  }
0xf3: {  	_ =	swait.ge [sflag:s17], $0x4000  }
0xf4: {  	[sflag:s17] =	ssyncset.done $0x0  }
0xf5: {  	s8 =	rddreg [dreg:$0xe];
	[sflag:s17] =	ssyncadd.s32 $0xFFFFC000  }
0xf6: {  	[spmem:s2] =	stream.indirect.scatter.add.f32 [tilespmem:s15], [sflag:$0x4], $0x80, s8, s13, $0xb8;
	[tilespmem:$0x1D000] =	vst v63  }
0xf7: {  	_ =	swait.ge [sflag:s18], $0x4000  }
0xf8: {  	[sflag:s18] =	ssyncset.done $0x0  }
0xf9: {  	[sflag:s18] =	ssyncadd.s32 $0xFFFFC000  }
0xfa: {  	_ =	swait.ge [sflag:s19], $0x4000  }
0xfb: {  	[sflag:s19] =	ssyncset.done $0x0  }
0xfc: {  	s6 =	rddreg [dreg:$0xf];
	[sflag:s19] =	ssyncadd.s32 $0xFFFFC000  }
0xfd: {  	[tilespmem:s14], [sflag:$0x1] =	stream.indirect.gather [hbm4b:s4+s13], $0x80, s6, s13, $0xb8;
	[tilespmem:$0x1D000] =	vst v63  }
0xfe: {  	s8 =	rddreg [dreg:$0x10]  }
0xff: {  	[tilespmem:s15], [sflag:$0x2] =	stream.indirect.gather [hbm4b:s4+s13], $0x80, s8, s13, $0xb8;
	[tilespmem:$0x1D000] =	vst v63  }
0x100: {  	_ =	swait.ge [sflag:s16], $0x4000  }
0x101: {  	[sflag:s16] =	ssyncset.done $0x0  }
0x102: {  	s8 =	rddreg [dreg:$0x11];
	[sflag:s16] =	ssyncadd.s32 $0xFFFFC000  }
0x103: {  	[spmem:s2] =	stream.indirect.scatter.add.f32 [tilespmem:s14], [sflag:$0x3], $0x80, s8, s13, $0xb8;
	[tilespmem:$0x1D000] =	vst v63  }
0x104: {  	_ =	swait.ge [sflag:s17], $0x4000  }
0x105: {  	[sflag:s17] =	ssyncset.done $0x0  }
0x106: {  	s8 =	rddreg [dreg:$0x12];
	[sflag:s17] =	ssyncadd.s32 $0xFFFFC000  }
0x107: {  	[spmem:s2] =	stream.indirect.scatter.add.f32 [tilespmem:s15], [sflag:$0x4], $0x80, s8, s13, $0xb8;
	[tilespmem:$0x1D000] =	vst v63  }
0x108: {  	_ =	swait.ge [sflag:s18], $0x4000  }
0x109: {  	[sflag:s18] =	ssyncset.done $0x0  }
0x10a: {  	[sflag:s18] =	ssyncadd.s32 $0xFFFFC000  }
0x10b: {  	_ =	swait.ge [sflag:s19], $0x4000  }
0x10c: {  	[sflag:s19] =	ssyncset.done $0x0  }
0x10d: {  	s6 =	rddreg [dreg:$0x13];
	[sflag:s19] =	ssyncadd.s32 $0xFFFFC000  }
0x10e: {  	[tilespmem:s14], [sflag:$0x1] =	stream.indirect.gather [hbm4b:s4+s13], $0x80, s6, s13, $0xb8;
	[tilespmem:$0x1D000] =	vst v63  }
0x10f: {  	s8 =	rddreg [dreg:$0x14]  }
0x110: {  	[tilespmem:s15], [sflag:$0x2] =	stream.indirect.gather [hbm4b:s4+s13], $0x80, s8, s13, $0xb8;
	[tilespmem:$0x1D000] =	vst v63  }
0x111: {  	_ =	swait.ge [sflag:s16], $0x4000  }
0x112: {  	[sflag:s16] =	ssyncset.done $0x0  }
0x113: {  	s8 =	rddreg [dreg:$0x15];
	[sflag:s16] =	ssyncadd.s32 $0xFFFFC000  }
0x114: {  	[spmem:s2] =	stream.indirect.scatter.add.f32 [tilespmem:s14], [sflag:$0x3], $0x80, s8, s13, $0xb8;
	[tilespmem:$0x1D000] =	vst v63  }
0x115: {  	_ =	swait.ge [sflag:s17], $0x4000  }
0x116: {  	[sflag:s17] =	ssyncset.done $0x0  }
0x117: {  	s8 =	rddreg [dreg:$0x16];
	[sflag:s17] =	ssyncadd.s32 $0xFFFFC000  }
0x118: {  	[spmem:s2] =	stream.indirect.scatter.add.f32 [tilespmem:s15], [sflag:$0x4], $0x80, s8, s13, $0xb8;
	[tilespmem:$0x1D000] =	vst v63  }
0x119: {  	_ =	swait.ge [sflag:s18], $0x4000  }
0x11a: {  	[sflag:s18] =	ssyncset.done $0x0  }
0x11b: {  	[sflag:s18] =	ssyncadd.s32 $0xFFFFC000  }
0x11c: {  	_ =	swait.ge [sflag:s19], $0x4000  }
0x11d: {  	[sflag:s19] =	ssyncset.done $0x0  }
0x11e: {  	[sflag:s19] =	ssyncadd.s32 $0xFFFFC000  }
0x11f: {  	[tilespmem:s14], [sflag:$0x1] =	stream.indirect.gather [hbm4b:s4+s13], $0x80, s20, s13, $0xb8;
	[tilespmem:$0x1D000] =	vst v63  }
0x120: {  	_ = 	snop  }
0x121: {  	[tilespmem:s15], [sflag:$0x2] =	stream.indirect.gather [hbm4b:s4+s13], $0x80, s21, s13, $0xb8;
	[tilespmem:$0x1D000] =	vst v63  }
0x122: {  	_ =	swait.ge [sflag:s16], $0x4000  }
0x123: {  	[sflag:s16] =	ssyncset.done $0x0  }
0x124: {  	[sflag:s16] =	ssyncadd.s32 $0xFFFFC000  }
0x125: {  	[spmem:s2] =	stream.indirect.scatter.add.f32 [tilespmem:s14], [sflag:$0x3], $0x80, s22, s13, $0xb8;
	[tilespmem:$0x1D000] =	vst v63  }
0x126: {  	_ =	swait.ge [sflag:s17], $0x4000  }
0x127: {  	[sflag:s17] =	ssyncset.done $0x0  }
0x128: {  	[sflag:s17] =	ssyncadd.s32 $0xFFFFC000  }
0x129: {  	[spmem:s2] =	stream.indirect.scatter.add.f32 [tilespmem:s15], [sflag:$0x4], $0x80, s23, s13, $0xb8;
	[tilespmem:$0x1D000] =	vst v63  }
0x12a: {  	_ =	swait.ge [sflag:s18], $0x4000  }
0x12b: {  	[sflag:s18] =	ssyncset.done $0x0  }
0x12c: {  	[sflag:s18] =	ssyncadd.s32 $0xFFFFC000  }
0x12d: {  	_ =	swait.ge [sflag:s19], $0x4000  }
0x12e: {  	[sflag:s19] =	ssyncset.done $0x0  }
0x12f: {  	[sflag:s19] =	ssyncadd.s32 $0xFFFFC000  }
0x130: {  	[tilespmem:s14], [sflag:$0x1] =	stream.indirect.gather [hbm4b:s4+s13], $0x80, s24, s13, $0xb8;
	[tilespmem:$0x1D000] =	vst v63  }
0x131: {  	_ = 	snop  }
0x132: {  	[tilespmem:s15], [sflag:$0x2] =	stream.indirect.gather [hbm4b:s4+s13], $0x80, s25, s13, $0xb8;
	[tilespmem:$0x1D000] =	vst v63  }
0x133: {  	_ =	swait.ge [sflag:s16], $0x4000  }
0x134: {  	[sflag:s16] =	ssyncset.done $0x0  }
0x135: {  	[sflag:s16] =	ssyncadd.s32 $0xFFFFC000  }
0x136: {  	[spmem:s2] =	stream.indirect.scatter.add.f32 [tilespmem:s14], [sflag:$0x3], $0x80, s26, s13, $0xb8;
	[tilespmem:$0x1D000] =	vst v63  }
0x137: {  	_ =	swait.ge [sflag:s17], $0x4000  }
0x138: {  	[sflag:s17] =	ssyncset.done $0x0  }
0x139: {  	[sflag:s17] =	ssyncadd.s32 $0xFFFFC000  }
0x13a: {  	[spmem:s2] =	stream.indirect.scatter.add.f32 [tilespmem:s15], [sflag:$0x4], $0x80, s28, s13, $0xb8;
	[tilespmem:$0x1D000] =	vst v63  }
0x13b: {  	_ =	swait.ge [sflag:s18], $0x4000  }
0x13c: {  	[sflag:s18] =	ssyncset.done $0x0  }
0x13d: {  	[sflag:s18] =	ssyncadd.s32 $0xFFFFC000  }
0x13e: {  	_ =	swait.ge [sflag:s19], $0x4000  }
0x13f: {  	[sflag:s19] =	ssyncset.done $0x0  }
0x140: {  	[sflag:s19] =	ssyncadd.s32 $0xFFFFC000  }
0x141: {  	[tilespmem:s14], [sflag:$0x1] =	stream.indirect.gather [hbm4b:s4+s13], $0x80, s29, s13, $0xb8;
	[tilespmem:$0x1D000] =	vst v63  }
0x142: {  	_ = 	snop  }
0x143: {  	[tilespmem:s15], [sflag:$0x2] =	stream.indirect.gather [hbm4b:s4+s13], $0x80, s30, s13, $0xb8;
	[tilespmem:$0x1D000] =	vst v63  }
0x144: {  	s7 =	sadd.s32 $0x100, s7;
	_ =	swait.ge [sflag:s16], $0x4000  }
0x145: {  	p0 =	sne.s32 s7, $0xA00;
	[sflag:s16] =	ssyncset.done $0x0  }
.Ltmp0:
0x146: {  	[sflag:s16] =	ssyncadd.s32 $0xFFFFC000;
	(pc) =	sbr.rel @p0 .LBB2_2-.Ltmp0, $4  }
0x147: {  	[spmem:s2] =	stream.indirect.scatter.add.f32 [tilespmem:s14], [sflag:$0x3], $0x80, s31, s13, $0xb8;
	[tilespmem:$0x1D000] =	vst v63  }
0x148: {  	_ =	swait.ge [sflag:s17], $0x4000  }
0x149: {  	[sflag:s17] =	ssyncset.done $0x0  }
0x14a: {  	s8 =	rddreg [dreg:$0x4];
	[sflag:s17] =	ssyncadd.s32 $0xFFFFC000  }
0x14b: {  	[spmem:s2] =	stream.indirect.scatter.add.f32 [tilespmem:s15], [sflag:$0x4], $0x80, s1, s13, $0xb8;
	[tilespmem:$0x1D000] =	vst v63  }
0x14c: {  	s6 =	sadd.s32 s5, s8  }
0x14d: {  	[tilespmem:s11], [sflag:$0x5] =	stream.linear.gather [hbm4b:s6+s3], $0x800, $0x38;
	[tilespmem:$0x1D000] =	vst v63  }
0x14e: {  	_ =	swait.ge [sflag:s10], $0x800  }
0x14f: {  	s8 =	rddreg [dreg:$0x3];
	[sflag:s10] =	ssyncset.done $0x0  }
0x150: {  	[sflag:s10] =	ssyncadd.s32 $0xFFFFF800;
	s6 =	sadd.s32 s5, s8  }
0x151: {  	[tilespmem:s12], [sflag:$0x5] =	stream.linear.gather [hbm4b:s6+s3], $0x800, $0x38;
	[tilespmem:$0x1D000] =	vst v63  }
0x152: {  	_ =	swait.ge [sflag:s10], $0x800  }
0x153: {  	p0 =	seq.s32 s5, $0x0;
	[sflag:s10] =	ssyncset.done $0x0  }
0x154: {  	s5 =	simm.s32 @!p0 $0x3;
	[sflag:s10] =	ssyncadd.s32 $0xFFFFF800  }
0x155: {  	_ =	swait.ge @!p0 [sflag:s5], $0x4000  }
0x156: {  	[sflag:s5] =	ssyncset.done @!p0 $0x0  }
0x157: {  	[sflag:s5] =	ssyncadd.s32 @!p0 $0xFFFFC000;
	s5 =	simm.s32 @!p0 $0x4  }
0x158: {  	_ =	swait.ge @!p0 [sflag:s5], $0x4000  }
0x159: {  	[sflag:s5] =	ssyncset.done @!p0 $0x0  }
0x15a: {  	[sflag:s5] =	ssyncadd.s32 @!p0 $0xFFFFC000  }
0x15b: {  	[tilespmem:s14], [sflag:$0x1] =	stream.indirect.gather [hbm4b:s4+s13], $0x80, s11, s13, $0xb8;
	[tilespmem:$0x1D000] =	vst v63  }
0x15c: {  	s7 =	rddreg [dreg:$0x5]  }
0x15d: {  	[tilespmem:s15], [sflag:$0x2] =	stream.indirect.gather [hbm4b:s4+s13], $0x80, s7, s13, $0xb8;
	[tilespmem:$0x1D000] =	vst v63  }
0x15e: {  	_ =	swait.ge [sflag:s16], $0x4000  }
0x15f: {  	[sflag:s16] =	ssyncset.done $0x0  }
0x160: {  	[sflag:s16] =	ssyncadd.s32 $0xFFFFC000  }
0x161: {  	[spmem:s2] =	stream.indirect.scatter.add.f32 [tilespmem:s14], [sflag:$0x3], $0x80, s12, s13, $0xb8;
	[tilespmem:$0x1D000] =	vst v63  }
0x162: {  	_ =	swait.ge [sflag:s17], $0x4000  }
0x163: {  	[sflag:s17] =	ssyncset.done $0x0  }
0x164: {  	s8 =	rddreg [dreg:$0x6];
	[sflag:s17] =	ssyncadd.s32 $0xFFFFC000  }
0x165: {  	[spmem:s2] =	stream.indirect.scatter.add.f32 [tilespmem:s15], [sflag:$0x4], $0x80, s8, s13, $0xb8;
	[tilespmem:$0x1D000] =	vst v63  }
0x166: {  	_ =	swait.ge [sflag:s18], $0x4000  }
0x167: {  	[sflag:s18] =	ssyncset.done $0x0  }
0x168: {  	[sflag:s18] =	ssyncadd.s32 $0xFFFFC000  }
0x169: {  	_ =	swait.ge [sflag:s19], $0x4000  }
0x16a: {  	[sflag:s19] =	ssyncset.done $0x0  }
0x16b: {  	s6 =	rddreg [dreg:$0x7];
	[sflag:s19] =	ssyncadd.s32 $0xFFFFC000  }
0x16c: {  	[tilespmem:s14], [sflag:$0x1] =	stream.indirect.gather [hbm4b:s4+s13], $0x80, s6, s13, $0xb8;
	[tilespmem:$0x1D000] =	vst v63  }
0x16d: {  	s7 =	rddreg [dreg:$0x8]  }
0x16e: {  	[tilespmem:s15], [sflag:$0x2] =	stream.indirect.gather [hbm4b:s4+s13], $0x80, s7, s13, $0xb8;
	[tilespmem:$0x1D000] =	vst v63  }
0x16f: {  	_ =	swait.ge [sflag:s16], $0x4000  }
0x170: {  	[sflag:s16] =	ssyncset.done $0x0  }
0x171: {  	s8 =	rddreg [dreg:$0x9];
	[sflag:s16] =	ssyncadd.s32 $0xFFFFC000  }
0x172: {  	[spmem:s2] =	stream.indirect.scatter.add.f32 [tilespmem:s14], [sflag:$0x3], $0x80, s8, s13, $0xb8;
	[tilespmem:$0x1D000] =	vst v63  }
0x173: {  	_ =	swait.ge [sflag:s17], $0x4000  }
0x174: {  	[sflag:s17] =	ssyncset.done $0x0  }
0x175: {  	s6 =	rddreg [dreg:$0xa];
	[sflag:s17] =	ssyncadd.s32 $0xFFFFC000  }
0x176: {  	[spmem:s2] =	stream.indirect.scatter.add.f32 [tilespmem:s15], [sflag:$0x4], $0x80, s6, s13, $0xb8;
	[tilespmem:$0x1D000] =	vst v63  }
0x177: {  	_ =	swait.ge [sflag:s18], $0x4000  }
0x178: {  	[sflag:s18] =	ssyncset.done $0x0  }
0x179: {  	[sflag:s18] =	ssyncadd.s32 $0xFFFFC000  }
0x17a: {  	_ =	swait.ge [sflag:s19], $0x4000  }
0x17b: {  	[sflag:s19] =	ssyncset.done $0x0  }
0x17c: {  	s7 =	rddreg [dreg:$0xb];
	[sflag:s19] =	ssyncadd.s32 $0xFFFFC000  }
0x17d: {  	[tilespmem:s14], [sflag:$0x1] =	stream.indirect.gather [hbm4b:s4+s13], $0x80, s7, s13, $0xb8;
	[tilespmem:$0x1D000] =	vst v63  }
0x17e: {  	s8 =	rddreg [dreg:$0xc]  }
0x17f: {  	[tilespmem:s15], [sflag:$0x2] =	stream.indirect.gather [hbm4b:s4+s13], $0x80, s8, s13, $0xb8;
	[tilespmem:$0x1D000] =	vst v63  }
0x180: {  	_ =	swait.ge [sflag:s16], $0x4000  }
0x181: {  	[sflag:s16] =	ssyncset.done $0x0  }
0x182: {  	s7 =	rddreg [dreg:$0xd];
	[sflag:s16] =	ssyncadd.s32 $0xFFFFC000  }
0x183: {  	[spmem:s2] =	stream.indirect.scatter.add.f32 [tilespmem:s14], [sflag:$0x3], $0x80, s7, s13, $0xb8;
	[tilespmem:$0x1D000] =	vst v63  }
0x184: {  	_ =	swait.ge [sflag:s17], $0x4000  }
0x185: {  	[sflag:s17] =	ssyncset.done $0x0  }
0x186: {  	s8 =	rddreg [dreg:$0xe];
	[sflag:s17] =	ssyncadd.s32 $0xFFFFC000  }
0x187: {  	[spmem:s2] =	stream.indirect.scatter.add.f32 [tilespmem:s15], [sflag:$0x4], $0x80, s8, s13, $0xb8;
	[tilespmem:$0x1D000] =	vst v63  }
0x188: {  	_ =	swait.ge [sflag:s18], $0x4000  }
0x189: {  	[sflag:s18] =	ssyncset.done $0x0  }
0x18a: {  	[sflag:s18] =	ssyncadd.s32 $0xFFFFC000  }
0x18b: {  	_ =	swait.ge [sflag:s19], $0x4000  }
0x18c: {  	[sflag:s19] =	ssyncset.done $0x0  }
0x18d: {  	s6 =	rddreg [dreg:$0xf];
	[sflag:s19] =	ssyncadd.s32 $0xFFFFC000  }
0x18e: {  	[tilespmem:s14], [sflag:$0x1] =	stream.indirect.gather [hbm4b:s4+s13], $0x80, s6, s13, $0xb8;
	[tilespmem:$0x1D000] =	vst v63  }
0x18f: {  	s7 =	rddreg [dreg:$0x10]  }
0x190: {  	[tilespmem:s15], [sflag:$0x2] =	stream.indirect.gather [hbm4b:s4+s13], $0x80, s7, s13, $0xb8;
	[tilespmem:$0x1D000] =	vst v63  }
0x191: {  	_ =	swait.ge [sflag:s16], $0x4000  }
0x192: {  	[sflag:s16] =	ssyncset.done $0x0  }
0x193: {  	s8 =	rddreg [dreg:$0x11];
	[sflag:s16] =	ssyncadd.s32 $0xFFFFC000  }
0x194: {  	[spmem:s2] =	stream.indirect.scatter.add.f32 [tilespmem:s14], [sflag:$0x3], $0x80, s8, s13, $0xb8;
	[tilespmem:$0x1D000] =	vst v63  }
0x195: {  	_ =	swait.ge [sflag:s17], $0x4000  }
0x196: {  	[sflag:s17] =	ssyncset.done $0x0  }
0x197: {  	s6 =	rddreg [dreg:$0x12];
	[sflag:s17] =	ssyncadd.s32 $0xFFFFC000  }
0x198: {  	[spmem:s2] =	stream.indirect.scatter.add.f32 [tilespmem:s15], [sflag:$0x4], $0x80, s6, s13, $0xb8;
	[tilespmem:$0x1D000] =	vst v63  }
0x199: {  	_ =	swait.ge [sflag:s18], $0x4000  }
0x19a: {  	[sflag:s18] =	ssyncset.done $0x0  }
0x19b: {  	[sflag:s18] =	ssyncadd.s32 $0xFFFFC000  }
0x19c: {  	_ =	swait.ge [sflag:s19], $0x4000  }
0x19d: {  	[sflag:s19] =	ssyncset.done $0x0  }
0x19e: {  	s7 =	rddreg [dreg:$0x13];
	[sflag:s19] =	ssyncadd.s32 $0xFFFFC000  }
0x19f: {  	[tilespmem:s14], [sflag:$0x1] =	stream.indirect.gather [hbm4b:s4+s13], $0x80, s7, s13, $0xb8;
	[tilespmem:$0x1D000] =	vst v63  }
0x1a0: {  	s8 =	rddreg [dreg:$0x14]  }
0x1a1: {  	[tilespmem:s15], [sflag:$0x2] =	stream.indirect.gather [hbm4b:s4+s13], $0x80, s8, s13, $0xb8;
	[tilespmem:$0x1D000] =	vst v63  }
0x1a2: {  	_ =	swait.ge [sflag:s16], $0x4000  }
0x1a3: {  	[sflag:s16] =	ssyncset.done $0x0  }
0x1a4: {  	s6 =	rddreg [dreg:$0x15];
	[sflag:s16] =	ssyncadd.s32 $0xFFFFC000  }
0x1a5: {  	[spmem:s2] =	stream.indirect.scatter.add.f32 [tilespmem:s14], [sflag:$0x3], $0x80, s6, s13, $0xb8;
	[tilespmem:$0x1D000] =	vst v63  }
0x1a6: {  	_ =	swait.ge [sflag:s17], $0x4000  }
0x1a7: {  	[sflag:s17] =	ssyncset.done $0x0  }
0x1a8: {  	s7 =	rddreg [dreg:$0x16];
	[sflag:s17] =	ssyncadd.s32 $0xFFFFC000  }
0x1a9: {  	[spmem:s2] =	stream.indirect.scatter.add.f32 [tilespmem:s15], [sflag:$0x4], $0x80, s7, s13, $0xb8;
	[tilespmem:$0x1D000] =	vst v63  }
0x1aa: {  	_ =	swait.ge [sflag:s18], $0x4000  }
0x1ab: {  	[sflag:s18] =	ssyncset.done $0x0  }
0x1ac: {  	[sflag:s18] =	ssyncadd.s32 $0xFFFFC000  }
0x1ad: {  	_ =	swait.ge [sflag:s19], $0x4000  }
0x1ae: {  	[sflag:s19] =	ssyncset.done $0x0  }
0x1af: {  	[sflag:s19] =	ssyncadd.s32 $0xFFFFC000  }
0x1b0: {  	[tilespmem:s14], [sflag:$0x1] =	stream.indirect.gather [hbm4b:s4+s13], $0x80, s20, s13, $0xb8;
	[tilespmem:$0x1D000] =	vst v63  }
0x1b1: {  	_ = 	snop  }
0x1b2: {  	[tilespmem:s15], [sflag:$0x2] =	stream.indirect.gather [hbm4b:s4+s13], $0x80, s21, s13, $0xb8;
	[tilespmem:$0x1D000] =	vst v63  }
0x1b3: {  	_ =	swait.ge [sflag:s16], $0x4000  }
0x1b4: {  	[sflag:s16] =	ssyncset.done $0x0  }
0x1b5: {  	[sflag:s16] =	ssyncadd.s32 $0xFFFFC000  }
0x1b6: {  	[spmem:s2] =	stream.indirect.scatter.add.f32 [tilespmem:s14], [sflag:$0x3], $0x80, s22, s13, $0xb8;
	[tilespmem:$0x1D000] =	vst v63  }
0x1b7: {  	_ =	swait.ge [sflag:s17], $0x4000  }
0x1b8: {  	[sflag:s17] =	ssyncset.done $0x0  }
0x1b9: {  	[sflag:s17] =	ssyncadd.s32 $0xFFFFC000  }
0x1ba: {  	[spmem:s2] =	stream.indirect.scatter.add.f32 [tilespmem:s15], [sflag:$0x4], $0x80, s23, s13, $0xb8;
	[tilespmem:$0x1D000] =	vst v63  }
0x1bb: {  	_ =	swait.ge [sflag:s18], $0x4000  }
0x1bc: {  	[sflag:s18] =	ssyncset.done $0x0  }
0x1bd: {  	[sflag:s18] =	ssyncadd.s32 $0xFFFFC000  }
0x1be: {  	_ =	swait.ge [sflag:s19], $0x4000  }
0x1bf: {  	[sflag:s19] =	ssyncset.done $0x0  }
0x1c0: {  	[sflag:s19] =	ssyncadd.s32 $0xFFFFC000  }
0x1c1: {  	[tilespmem:s14], [sflag:$0x1] =	stream.indirect.gather [hbm4b:s4+s13], $0x80, s24, s13, $0xb8;
	[tilespmem:$0x1D000] =	vst v63  }
0x1c2: {  	_ = 	snop  }
0x1c3: {  	[tilespmem:s15], [sflag:$0x2] =	stream.indirect.gather [hbm4b:s4+s13], $0x80, s25, s13, $0xb8;
	[tilespmem:$0x1D000] =	vst v63  }
0x1c4: {  	_ =	swait.ge [sflag:s16], $0x4000  }
0x1c5: {  	[sflag:s16] =	ssyncset.done $0x0  }
0x1c6: {  	[sflag:s16] =	ssyncadd.s32 $0xFFFFC000  }
0x1c7: {  	[spmem:s2] =	stream.indirect.scatter.add.f32 [tilespmem:s14], [sflag:$0x3], $0x80, s26, s13, $0xb8;
	[tilespmem:$0x1D000] =	vst v63  }
0x1c8: {  	_ =	swait.ge [sflag:s17], $0x4000  }
0x1c9: {  	[sflag:s17] =	ssyncset.done $0x0  }
0x1ca: {  	[sflag:s17] =	ssyncadd.s32 $0xFFFFC000  }
0x1cb: {  	[spmem:s2] =	stream.indirect.scatter.add.f32 [tilespmem:s15], [sflag:$0x4], $0x80, s28, s13, $0xb8;
	[tilespmem:$0x1D000] =	vst v63  }
0x1cc: {  	_ =	swait.ge [sflag:s18], $0x4000  }
0x1cd: {  	[sflag:s18] =	ssyncset.done $0x0  }
0x1ce: {  	[sflag:s18] =	ssyncadd.s32 $0xFFFFC000  }
0x1cf: {  	_ =	swait.ge [sflag:s19], $0x4000  }
0x1d0: {  	[sflag:s19] =	ssyncset.done $0x0  }
0x1d1: {  	[sflag:s19] =	ssyncadd.s32 $0xFFFFC000  }
0x1d2: {  	[tilespmem:s14], [sflag:$0x1] =	stream.indirect.gather [hbm4b:s4+s13], $0x80, s29, s13, $0xb8;
	[tilespmem:$0x1D000] =	vst v63  }
0x1d3: {  	_ = 	snop  }
0x1d4: {  	[tilespmem:s15], [sflag:$0x2] =	stream.indirect.gather [hbm4b:s4+s13], $0x80, s30, s13, $0xb8;
	[tilespmem:$0x1D000] =	vst v63  }
0x1d5: {  	_ =	swait.ge [sflag:s16], $0x4000  }
0x1d6: {  	[sflag:s16] =	ssyncset.done $0x0  }
0x1d7: {  	[sflag:s16] =	ssyncadd.s32 $0xFFFFC000  }
0x1d8: {  	[spmem:s2] =	stream.indirect.scatter.add.f32 [tilespmem:s14], [sflag:$0x3], $0x80, s31, s13, $0xb8;
	[tilespmem:$0x1D000] =	vst v63  }
0x1d9: {  	_ =	swait.ge [sflag:s17], $0x4000  }
0x1da: {  	[sflag:s17] =	ssyncset.done $0x0  }
0x1db: {  	[sflag:s17] =	ssyncadd.s32 $0xFFFFC000  }
0x1dc: {  	[spmem:s2] =	stream.indirect.scatter.add.f32 [tilespmem:s15], [sflag:$0x4], $0x80, s1, s13, $0xb8;
	[tilespmem:$0x1D000] =	vst v63  }
0x1dd: {  	_ =	swait.ge [sflag:s18], $0x4000  }
0x1de: {  	[sflag:s18] =	ssyncset.done $0x0  }
0x1df: {  	[sflag:s18] =	ssyncadd.s32 $0xFFFFC000  }
0x1e0: {  	_ =	swait.ge [sflag:s19], $0x4000  }
0x1e1: {  	[sflag:s19] =	ssyncset.done $0x0  }
0x1e2: {  	[sflag:s19] =	ssyncadd.s32 $0xFFFFC000  }
0x1e3: {  	[bflag:$0x0] =	sbarrier.arrive $0xFFFF  }
0x1e4: {  	s8 =	rddreg [dreg:$0x18]  }
0x1e5: {  	s7 =	rddreg [dreg:$0x1a]  }
0x1e6: {  	[hbm:s8], [sflag:s9] =	dma.local [spmem:s7], $0x2800  }
0x1e7: {  	_ =	swait.ge [sflag:s10], $0x2800  }
0x1e8: {  	s0 =	sadd.s32 $0x1, s0;
	s6 =	smov.u32 s9;
	s9 =	rddreg [dreg:$0x19]  }
0x1e9: {  	p0 =	sne.s32 s0, s9  }
.Ltmp1:
0x1ea: {  	_ = 	snop;
	(pc) =	sbr.rel @p0 .LBB2_1-.Ltmp1, $3  }
0x1eb: {  	_ =	sdelay $0x1  }
0x1ec: {  	[sflag:s10] =	ssyncset.done $0x0  }
0x1ed: {  	[sflag:s10] =	ssyncadd.s32 $0xFFFFD800  }
0x1ee: {  	_ =	sfence.sel $0x180000  }
0x1ef: {  	[bflag:$0x0] =	sbarrier.arrive $0xFFFF  }
0x1f0: {  	_ =	strace $0x9000004A  }
0x1f1: {  	s0 =	stileid.u32;
	[bflag:$0x2] =	sbarrier.arrive $0xFFFF  }
0x1f2: {  	p0 =	sne.s32 s0, $0x0;
	s0 =	rddreg [dreg:$0x2]  }
0x1f3: {  	s0 =	sadd.s32 @!p0 $0x100000, s0  }
0x1f4: {  	[sflag:s0] =	ssyncadd.tile.s32 @!p0 $0x1;
	_ =	shalt  }
.Lfunc_end2:
_tile_overlayer_lowered:
.L_overlay_start_2:
0x1f5: {  	(tag) =	ssettag $0x2  }
0x1f6: {  	s0 =	rddreg [dreg:$0x0];
	s2 =	stileid.u32  }
0x1f7: {  	s1 =	rddreg [dreg:$0x1];
	p0 =	sne.s32 s2, $0x0  }
0x1f8: {  	s3 =	rddreg [dreg:$0x2];
	[bflag:$0x3] =	sbarrier.arrive $0xFFFF;
	s2 =	simm.s32 @!p0 $0x1C05  }
0x1f9: {  	[timem:s3], [sflag:s2] =	dma.local @!p0 [hbm:s0], s1  }
0x1fa: {  	s0 =	simm.s32 @!p0 $0x5  }
0x1fb: {  	_ =	swait.ge @!p0 [sflag:s0], s1  }
0x1fc: {  	s1 =	ssub.s32 @!p0 $0x0, s1;
	[sflag:s0] =	ssyncset.done @!p0 $0x0  }
0x1fd: {  	[sflag:s0] =	ssyncadd.s32 @!p0 s1  }
0x1fe: {  	[bflag:$0x3] =	sbarrier.arrive $0xFFFF  }
0x1ff: {  	_ =	shalt  }

// kernel: kernel.16.cloned.1.call-start
scs
__scs_entry_jumppad:
0x0: {  	(pc) =	sbr.rel $0x88, $3  }
0x1: {  	(tag) =	ssettag $0x0;
	lr =	simm.s32 $0x1  }
0x2: {  	[smem:$0x3F96] =	sst lr;
	_ =	strace $0xD0000000  }
0x3: {  	_ = 	snop  }
0x4: {  	_ = 	snop  }
0x5: {  	_ = 	snop  }
0x6: {  	_ = 	snop  }
0x7: {  	_ = 	snop  }
__scs_overlays_trampoline_lowered:
0x8: {  	[smem:$0x3FA5] =	sst s0  }
0x9: {  	[smem:$0x3FA6] =	sst s1  }
0xa: {  	[smem:$0x3FA7] =	sst s2  }
0xb: {  	[smem:$0x3FA8] =	sst s3  }
0xc: {  	[smem:$0x3FA9] =	sst s4  }
0xd: {  	[smem:$0x3FAA] =	sst s5  }
0xe: {  	[smem:$0x3FAB] =	sst s6  }
0xf: {  	[smem:$0x3FAC] =	sst s7  }
0x10: {  	[smem:$0x3FAD] =	sst s8  }
0x11: {  	[smem:$0x3FAE] =	sst s9;
	s0 =	simm.s32 @!p0 $0x0  }
0x12: {  	s1 =	sld [smem:$0x3F94];
	s0 =	simm.s32 @p0 $0x1  }
0x13: {  	[smem:$0x3FAF] =	sst s0;
	s0 =	simm.s32 @!p1 $0x0  }
0x14: {  	s2 =	sld [smem:$0x3F93];
	s0 =	simm.s32 @p1 $0x1  }
0x15: {  	[smem:$0x3FB0] =	sst s0;
	s0 =	simm.s32 @!p2 $0x0  }
0x16: {  	s3 =	sld [smem:$0x3FDB];
	s0 =	simm.s32 @p2 $0x1  }
0x17: {  	s4 =	simm.s32 $0x1BF5;
	[smem:$0x3FB2] =	sst s0  }
0x18: {  	s0 =	sld [smem:$0x3F95];
	_ =	swait.ge [sflag:s4], $0x0  }
0x19: {  	s7 =	sld [smem:$0x3F96]  }
0x1a: {  	s8 =	sadd.s32 $0xFFFFE003, lr  }
0x1b: {  	s9 =	sadd.s32 $0xFFFFFEF7, lr;
	s5 =	simm.s32 $0xFFFFFFFF;
	p2 =	slt.u32 s8, $0xFFFFF086  }
0x1c: {  	p1 =	slt.u32 s9, $0xF7A;
	s5 =	simm.s32 @!p2 $0x0  }
0x1d: {  	s5 =	simm.s32 @p1 $0x1;
	p0 =	seq.s32 s7, s2  }
0x1e: {  	s7 =	smul.u32 @!p0 $0xF7A, s2;
	p2 =	seq.s32 @!p0 s5, $0x0  }
0x1f: {  	s9 =	smul.u32 $0xF7A, s1;
	s8 =	simm.s32 @!p0 $0x1BF5;
	p2 =	por !p2, p0  }
0x20: {  	[sflag:s8] =	ssyncset.s32 @!p0 $0xFFFFF086;
	s6 =	sadd.s32 @!p0 s3, s7;
	s7 =	simm.s32 @!p0 $0x108  }
0x21: {  	s3 =	sadd.s32 s3, s9;
	s6 =	sadd.s32 @!p0 $0x88, s6;
	s7 =	simm.s32 @p2 $0x1082  }
0x22: {  	[simem:s7], [sflag:s8] =	dma.local @!p0 [hbm:s6], $0xF7A  }
0x23: {  	s9 =	sor.u32 $0xD0000000, s2;
	s6 =	simm.s32 $0x108;
	_ =	swait.ge @!p0 [sflag:s8], $0x0  }
0x24: {  	s3 =	sadd.s32 $0x88, s3;
	s6 =	simm.s32 @!p1 $0x1082;
	[sflag:s4] =	ssyncset.s32 $0xFFFFF086  }
0x25: {  	[simem:s6], [sflag:s4] =	dma.local [hbm:s3], $0xF7A  }
0x26: {  	[smem:$0x3F96] =	sst s1;
	(tag) =	ssettag s2;
	_ =	strace s9  }
0x27: {  	s1 =	sld [smem:$0x3FA6]  }
0x28: {  	s2 =	sld [smem:$0x3FA7]  }
0x29: {  	s4 =	sld [smem:$0x3FA9]  }
0x2a: {  	p0 =	seq.s32 s5, $0x0;
	s5 =	sld [smem:$0x3FAA]  }
0x2b: {  	s6 =	sld [smem:$0x3FAB]  }
0x2c: {  	s7 =	sld [smem:$0x3FAC]  }
0x2d: {  	s3 =	simm.s32 $0x108;
	s8 =	sld [smem:$0x3FAD]  }
0x2e: {  	s3 =	simm.s32 @!p0 $0x1082;
	s9 =	sld [smem:$0x3FAE]  }
0x2f: {  	lr =	sadd.s32 s0, s3;
	s0 =	sld [smem:$0x3FA5]  }
0x30: {  	s3 =	sld [smem:$0x3FA8]  }
0x31: {  	[smem:$0x3FB1] =	sst s10  }
0x32: {  	s10 =	sld [smem:$0x3FAF];
	_ =	sdelay $0x3  }
0x33: {  	p0 =	seq.s32 s10, $0x1;
	s10 =	sld [smem:$0x3FB1];
	_ =	sdelay $0x3  }
0x34: {  	[smem:$0x3FB1] =	sst s10  }
0x35: {  	s10 =	sld [smem:$0x3FB0];
	_ =	sdelay $0x3  }
0x36: {  	p1 =	seq.s32 s10, $0x1;
	s10 =	sld [smem:$0x3FB1];
	_ =	sdelay $0x3  }
0x37: {  	[smem:$0x3FB1] =	sst s10  }
0x38: {  	s10 =	sld [smem:$0x3FB2]  }
0x39: {  	_ = 	snop;
	(pc) =	sbr.ind lr, $3  }
0x3a: {  	_ = 	snop  }
0x3b: {  	_ = 	snop  }
0x3c: {  	p2 =	seq.s32 s10, $0x1;
	s10 =	sld [smem:$0x3FB1]  }
0x3d: {  	_ =	shalt  }
0x3e: {  	_ =	shalt  }
0x3f: {  	_ =	shalt  }
0x40: {  	_ =	shalt  }
0x41: {  	_ =	shalt  }
0x42: {  	_ =	shalt  }
0x43: {  	_ =	shalt  }
0x44: {  	_ =	shalt  }
0x45: {  	_ =	shalt  }
0x46: {  	_ =	shalt  }
0x47: {  	_ =	shalt  }
0x48: {  	_ =	shalt  }
0x49: {  	_ =	shalt  }
0x4a: {  	_ =	shalt  }
0x4b: {  	_ =	shalt  }
0x4c: {  	_ =	shalt  }
0x4d: {  	_ =	shalt  }
0x4e: {  	_ =	shalt  }
0x4f: {  	_ =	shalt  }
0x50: {  	_ =	shalt  }
0x51: {  	_ =	shalt  }
0x52: {  	_ =	shalt  }
0x53: {  	_ =	shalt  }
0x54: {  	_ =	shalt  }
0x55: {  	_ =	shalt  }
0x56: {  	_ =	shalt  }
0x57: {  	_ =	shalt  }
0x58: {  	_ =	shalt  }
0x59: {  	_ =	shalt  }
0x5a: {  	_ =	shalt  }
0x5b: {  	_ =	shalt  }
0x5c: {  	_ =	shalt  }
0x5d: {  	_ =	shalt  }
0x5e: {  	_ =	shalt  }
0x5f: {  	_ =	shalt  }
0x60: {  	_ =	shalt  }
0x61: {  	_ =	shalt  }
0x62: {  	_ =	shalt  }
0x63: {  	_ =	shalt  }
0x64: {  	_ =	shalt  }
0x65: {  	_ =	shalt  }
0x66: {  	_ =	shalt  }
0x67: {  	_ =	shalt  }
0x68: {  	_ =	shalt  }
0x69: {  	_ =	shalt  }
0x6a: {  	_ =	shalt  }
0x6b: {  	_ =	shalt  }
0x6c: {  	_ =	shalt  }
0x6d: {  	_ =	shalt  }
0x6e: {  	_ =	shalt  }
0x6f: {  	_ =	shalt  }
0x70: {  	_ =	shalt  }
0x71: {  	_ =	shalt  }
0x72: {  	_ =	shalt  }
0x73: {  	_ =	shalt  }
0x74: {  	_ =	shalt  }
0x75: {  	_ =	shalt  }
0x76: {  	_ =	shalt  }
0x77: {  	_ =	shalt  }
0x78: {  	_ =	shalt  }
0x79: {  	_ =	shalt  }
0x7a: {  	_ =	shalt  }
0x7b: {  	_ =	shalt  }
0x7c: {  	_ =	shalt  }
0x7d: {  	_ =	shalt  }
0x7e: {  	_ =	shalt  }
0x7f: {  	_ =	shalt  }
0x80: {  	_ =	shalt  }
0x81: {  	_ =	shalt  }
0x82: {  	_ =	shalt  }
0x83: {  	_ =	shalt  }
0x84: {  	_ =	shalt  }
0x85: {  	_ =	shalt  }
0x86: {  	_ =	shalt  }
0x87: {  	_ =	shalt  }
.Lfunc_end0:
.L_simem_size_0:
called_computation.2_lowered:
.L_overlay_start_0:
0x88: {  	s2 =	sld [smem:$0x3FD9]  }
0x89: {  	s3 =	sld [smem:$0x3FFE];
	_ =	sdelay $0x1  }
0x8a: {  	s1 =	srdreg.scid  }
0x8b: {  	s0 =	sand.u32 $0x1, s1  }
0x8c: {  	s16 =	sshll.u32 s0, $0xA;
	s2 =	sadd.s32 s3, s2  }
0x8d: {  	s2 =	sadd.s32 s2, s16  }
0x8e: {  	[smem:$0x3FBD] =	sst s2  }
0x8f: {  	_ = 	snop  }
0x90: {  	(tm) =	ssettm $0x1  }
0x91: {  	s17 =	sld [smem:$0x3FFB];
	_ =	sdelay $0x3  }
0x92: {  	_ =	strace s17  }
0x93: {  	s2 =	sld [smem:$0x3FFC];
	_ =	sdelay $0x3  }
0x94: {  	_ =	strace s2  }
0x95: {  	s2 =	sld [smem:$0x3FFD];
	_ =	sdelay $0x3  }
0x96: {  	_ =	strace s2  }
0x97: {  	_ =	strace $0x8FFFFFFF  }
0x98: {  	s18 =	sld [smem:$0x3FDB];
	_ =	sdelay $0x1  }
0x99: {  	s19 =	simm.s32 $_scs_section_size  }
0x9a: {  	s4 =	simm.s32 $_size__tile_overlayer_lowered;
	s5 =	simm.s32 $_tile_overlayer_lowered  }
0x9b: {  	s22 =	simm.s32 $0x1BFF;
	s21 =	sshll.u32 s5, $0x1;
	s2 =	sadd.s32 s19, s18  }
0x9c: {  	s6 =	simm.s32 $0x0;
	s20 =	sshll.u32 s4, $0x1;
	s4 =	sadd.s32 s21, s2  }
0x9d: {  	[timem:s6], [sflag:s22] =	dma.local [hbm:s4], s20  }
0x9e: {  	_ =	swait.ge [sflag:s22], s20  }
0x9f: {  	s3 =	ssub.s32 $0x0, s20;
	[sflag:s22] =	ssyncset.done $0x0  }
0xa0: {  	[sflag:s22] =	ssyncadd.s32 s3;
	_ =	sdelay $0x1  }
0xa1: {  	s23 =	simm.s32 $0x1B8B  }
0xa2: {  	_ =	swait.ge [sflag:s23], $0x1  }
0xa3: {  	[sflag:s23] =	ssyncset.done $0x0  }
0xa4: {  	s25 =	simm.s32 $0x1B8E;
	s24 =	sld [smem:$0x3FFE];
	[sflag:s23] =	ssyncadd.s32 $0xFFFFFFFF  }
0xa5: {  	s26 =	simm.s32 $execute0_lowered;
	[smem:$0x3FD2] =	sst s25  }
0xa6: {  	s4 =	sshll.u32 s26, $0x1;
	_ =	strace $0x8000004C;
	[dreg:$0x1] =	wrdreg $0xFFFFFFFF  }
0xa7: {  	s28 =	simm.s32 $_size_execute0_lowered;
	s2 =	sadd.s32 s2, s4;
	[dreg:$0x0] =	wrdreg $0x0  }
0xa8: {  	s4 =	sshll.u32 s28, $0x1;
	[dreg:$0x2] =	wrdreg s2  }
0xa9: {  	[dreg:$0x3] =	wrdreg s4  }
0xaa: {  	[dreg:$0x4] =	wrdreg $0xC0  }
0xab: {  	_ =	task [dreg:s6], $0x5FFFF  }
0xac: {  	[dreg:$0x1] =	wrdreg $0xFFFFFFFF  }
0xad: {  	[dreg:$0x0] =	wrdreg $0x60  }
0xae: {  	[dreg:$0x2] =	wrdreg s24  }
0xaf: {  	[dreg:$0x3] =	wrdreg $0x0  }
0xb0: {  	[dreg:$0x4] =	wrdreg $0x9  }
0xb1: {  	_ =	task.clear_ibuf [dreg:s6], $0x5FFFF;
	_ =	strace $0x9000004C  }
0xb2: {  	s29 =	simm.s32 $0x9;
	_ =	strace $0x8000004E  }
0xb3: {  	_ =	swait.ge [sflag:s29], $0x1  }
0xb4: {  	[sflag:s29] =	ssyncadd.s32 $0xFFFFFFFF  }
0xb5: {  	_ =	strace $0x9000004E  }
0xb6: {  	_ =	sfence  }
0xb7: {  	s30 =	sld [smem:$0x0];
	_ =	sdelay $0x2  }
0xb8: {  	s31 =	sshll.u32 s1, $0xD;
	s1 =	sshrl.u32 s1, $0x2  }
0xb9: {  	s3 =	sand.u32 $0x4000, s31;
	s1 =	sadd.s32 s1, s30  }
0xba: {  	s0 =	sor.u32 s3, s0;
	s1 =	sshll.u32 s1, $0x11  }
0xbb: {  	s0 =	sor.u32 s1, s0  }
0xbc: {  	s0 =	sadd.s32 $0x8F2B, s0  }
0xbd: {  	[sflag:s0] =	ssyncadd.remote.s32 $0x1  }
0xbe: {  	_ =	sfence.sel $0xFFFF  }
0xbf: {  	[dreg:$0x0] =	wrdreg $0xFFFFFFFF;
	(pc) =	sbr.abs _section_cstart, $3  }
0xc0: {  	[dreg:$0x1] =	wrdreg $0xFFFFFFFF  }
0xc1: {  	_ =	task.clear_ibuf [dreg:s6], $0x2FFFF;
	_ =	strace $0x9FFFFFFF  }
0xc2: {  	(tm) =	ssettm $0x7FFFFFFF  }
0xc3: {  	_ =	shalt  }
tec
execute0_lowered:
.L_overlay_start_1:
0x0: {  	(tag) =	ssettag $0x1  }
0x1: {  	s0 =	srdreg.scid;
	s5 =	rddreg [dreg:$0x0]  }
0x2: {  	s8 =	stileid.u32;
	s2 =	rddreg [dreg:$0x1]  }
0x3: {  	s3 =	simm.s32 $0x0;
	s26 =	simm.s32 $0x14080;
	s11 =	simm.s32 $0x14180  }
0x4: {  	s13 =	simm.s32 $0x14900;
	s14 =	simm.s32 $0x14980;
	s15 =	simm.s32 $0x14200  }
0x5: {  	s16 =	simm.s32 $0x14280;
	[smem:$0x7FF] =	sst s3;
	s9 =	sadd.s32 $0x3400, s5  }
0x6: {  	s17 =	simm.s32 $0x14A00;
	_ =	strace $0x8000004D;
	[dreg:$0x17] =	wrdreg s9  }
0x7: {  	s18 =	simm.s32 $0x14A80;
	s19 =	simm.s32 $0x14300;
	[dreg:$0x5] =	wrdreg s26  }
0x8: {  	s20 =	simm.s32 $0x14380;
	s21 =	simm.s32 $0x14B00;
	[dreg:$0x8] =	wrdreg s11  }
0x9: {  	s22 =	simm.s32 $0x14B80;
	s28 =	simm.s32 $0x14E80;
	[dreg:$0x9] =	wrdreg s13  }
0xa: {  	s29 =	simm.s32 $0x14700;
	s1 =	smul.u32 $0x5000, s8;
	[dreg:$0xa] =	wrdreg s14  }
0xb: {  	s30 =	simm.s32 $0x14780;
	s6 =	smul.u32 $0xA00, s8;
	[dreg:$0xb] =	wrdreg s15  }
0xc: {  	s31 =	simm.s32 $0x14F00;
	s23 =	smul.u32 $0x14000, s8;
	[dreg:$0xc] =	wrdreg s16  }
0xd: {  	s0 =	sand.u32 $0x1, s0;
	s25 =	smul.u32 $0x50000, s8;
	[dreg:$0xd] =	wrdreg s17  }
0xe: {  	s12 =	sshll.u32 s8, $0x6;
	s4 =	smul.u32 $0x50000, s0;
	[dreg:$0xe] =	wrdreg s18  }
0xf: {  	s7 =	smul.u32 $0x140000, s0;
	s0 =	ssub.s32 $0x2, s0;
	[dreg:$0xf] =	wrdreg s19  }
0x10: {  	s9 =	simm.s32 $0x14100;
	s11 =	simm.s32 $0x14000;
	[dreg:$0x10] =	wrdreg s20  }
0x11: {  	s13 =	simm.s32 $0x80;
	s14 =	simm.s32 $0x15000;
	[dreg:$0x11] =	wrdreg s21  }
0x12: {  	s15 =	simm.s32 $0x19000;
	[dreg:$0x12] =	wrdreg s22;
	s16 =	simm.s32 $0x1  }
0x13: {  	s17 =	simm.s32 $0x2;
	s18 =	simm.s32 $0x3;
	s26 =	simm.s32 $0x14C80  }
0x14: {  	s19 =	simm.s32 $0x4;
	s20 =	simm.s32 $0x14500;
	s21 =	simm.s32 $0x14580  }
0x15: {  	s22 =	simm.s32 $0x14D00;
	s6 =	sadd.s32 s6, s5;
	[dreg:$0x7] =	wrdreg s9  }
0x16: {  	s24 =	sshrl.u32 s0, $0x1;
	[dreg:$0x16] =	wrdreg s26;
	s26 =	simm.s32 $0x14E00  }
0x17: {  	s1 =	sadd.s32 s1, s4;
	s7 =	sadd.s32 s23, s7;
	s4 =	sadd.s32 $0x35400, s5  }
0x18: {  	s6 =	sadd.s32 $0xD400, s6;
	s0 =	ssub.s32 s0, s24;
	s23 =	simm.s32 $0x14400  }
0x19: {  	s24 =	simm.s32 $0x14480;
	s1 =	sshrl.u32 s1, $0x3;
	[dreg:$0x3] =	wrdreg s6  }
0x1a: {  	s7 =	sshrl.u32 s7, $0x3;
	s6 =	sshrl.u32 s25, $0x2;
	[dreg:$0x13] =	wrdreg s23  }
0x1b: {  	s0 =	smax.u32 s0, $0x1;
	[dreg:$0x14] =	wrdreg s24;
	s25 =	simm.s32 $0x14C00  }
0x1c: {  	s23 =	simm.s32 $0x14D80;
	s24 =	simm.s32 $0x14600;
	s1 =	sadd.s32 s1, s5  }
0x1d: {  	s5 =	sadd.s32 s7, s5;
	s7 =	simm.s32 $0x14880;
	[dreg:$0x19] =	wrdreg s0  }
0x1e: {  	s10 =	sadd.s32 s6, s2;
	s6 =	sor.u32 $0x1C05, s12;
	[dreg:$0x15] =	wrdreg s25  }
0x1f: {  	s12 =	simm.s32 $0x14800;
	s1 =	sadd.s32 $0x21400, s1;
	[dreg:$0x6] =	wrdreg s7  }
0x20: {  	s25 =	simm.s32 $0x14680;
	s5 =	sadd.s32 $0xD5400, s5;
	[dreg:$0x4] =	wrdreg s1  }
0x21: {  	s0 =	simm.s32 $0x0;
	s7 =	sshrl.u32 s10, $0x3;
	[dreg:$0x18] =	wrdreg s5  }
0x22: {  	s10 =	simm.s32 $0x5;
	s1 =	simm.s32 $0x14F80;
	[dreg:$0x1a] =	wrdreg s7  }
.LBB2_1:
0x23: {  	s5 =	rddreg [dreg:$0x17]  }
0x24: {  	[spmem:s7], [sflag:s6] =	dma.local [hbm:s5], $0x2800  }
0x25: {  	_ =	swait.ge [sflag:s10], $0x2800  }
0x26: {  	[sflag:s10] =	ssyncset.done $0x0  }
0x27: {  	[sflag:s10] =	ssyncadd.s32 $0xFFFFD800  }
0x28: {  	[bflag:$0x0] =	sbarrier.arrive $0xFFFF  }
0x29: {  	s9 =	smov.u32 s6;
	s6 =	rddreg [dreg:$0x4]  }
0x2a: {  	s5 =	sadd.s32 $0x0, s6  }
0x2b: {  	[tilespmem:s11], [sflag:$0x5] =	stream.linear.gather [hbm4b:s5+s3], $0x800, $0x38;
	[tilespmem:$0x1D000] =	vst v63  }
0x2c: {  	_ =	swait.ge [sflag:s10], $0x800  }
0x2d: {  	s7 =	rddreg [dreg:$0x3];
	[sflag:s10] =	ssyncset.done $0x0  }
0x2e: {  	[sflag:s10] =	ssyncadd.s32 $0xFFFFF800;
	s5 =	sadd.s32 $0x0, s7  }
0x2f: {  	[tilespmem:s12], [sflag:$0x5] =	stream.linear.gather [hbm4b:s5+s3], $0x800, $0x38;
	[tilespmem:$0x1D000] =	vst v63  }
0x30: {  	_ =	swait.ge [sflag:s10], $0x800  }
0x31: {  	p0 =	por $0x1, $0x1;
	[sflag:s10] =	ssyncset.done $0x0  }
0x32: {  	s5 =	simm.s32 @!p0 $0x3;
	[sflag:s10] =	ssyncadd.s32 $0xFFFFF800  }
0x33: {  	_ =	swait.ge @!p0 [sflag:s5], $0x4000  }
0x34: {  	[sflag:s5] =	ssyncset.done @!p0 $0x0  }
0x35: {  	[sflag:s5] =	ssyncadd.s32 @!p0 $0xFFFFC000;
	s5 =	simm.s32 @!p0 $0x4  }
0x36: {  	_ =	swait.ge @!p0 [sflag:s5], $0x4000  }
0x37: {  	[sflag:s5] =	ssyncset.done @!p0 $0x0  }
0x38: {  	[sflag:s5] =	ssyncadd.s32 @!p0 $0xFFFFC000  }
0x39: {  	[tilespmem:s14], [sflag:$0x1] =	stream.indirect.gather [hbm4b:s4+s13], $0x80, s11, s13, $0xb8;
	[tilespmem:$0x1D000] =	vst v63  }
0x3a: {  	s8 =	rddreg [dreg:$0x5]  }
0x3b: {  	[tilespmem:s15], [sflag:$0x2] =	stream.indirect.gather [hbm4b:s4+s13], $0x80, s8, s13, $0xb8;
	[tilespmem:$0x1D000] =	vst v63  }
0x3c: {  	_ =	swait.ge [sflag:s16], $0x4000  }
0x3d: {  	[sflag:s16] =	ssyncset.done $0x0  }
0x3e: {  	[sflag:s16] =	ssyncadd.s32 $0xFFFFC000  }
0x3f: {  	[spmem:s2] =	stream.indirect.scatter.add.f32 [tilespmem:s14], [sflag:$0x3], $0x80, s12, s13, $0xb8;
	[tilespmem:$0x1D000] =	vst v63  }
0x40: {  	_ =	swait.ge [sflag:s17], $0x4000  }
0x41: {  	[sflag:s17] =	ssyncset.done $0x0  }
0x42: {  	s6 =	rddreg [dreg:$0x6];
	[sflag:s17] =	ssyncadd.s32 $0xFFFFC000  }
0x43: {  	[spmem:s2] =	stream.indirect.scatter.add.f32 [tilespmem:s15], [sflag:$0x4], $0x80, s6, s13, $0xb8;
	[tilespmem:$0x1D000] =	vst v63  }
0x44: {  	_ =	swait.ge [sflag:s18], $0x4000  }
0x45: {  	[sflag:s18] =	ssyncset.done $0x0  }
0x46: {  	[sflag:s18] =	ssyncadd.s32 $0xFFFFC000  }
0x47: {  	_ =	swait.ge [sflag:s19], $0x4000  }
0x48: {  	[sflag:s19] =	ssyncset.done $0x0  }
0x49: {  	s7 =	rddreg [dreg:$0x7];
	[sflag:s19] =	ssyncadd.s32 $0xFFFFC000  }
0x4a: {  	[tilespmem:s14], [sflag:$0x1] =	stream.indirect.gather [hbm4b:s4+s13], $0x80, s7, s13, $0xb8;
	[tilespmem:$0x1D000] =	vst v63  }
0x4b: {  	s8 =	rddreg [dreg:$0x8]  }
0x4c: {  	[tilespmem:s15], [sflag:$0x2] =	stream.indirect.gather [hbm4b:s4+s13], $0x80, s8, s13, $0xb8;
	[tilespmem:$0x1D000] =	vst v63  }
0x4d: {  	_ =	swait.ge [sflag:s16], $0x4000  }
0x4e: {  	[sflag:s16] =	ssyncset.done $0x0  }
0x4f: {  	s6 =	rddreg [dreg:$0x9];
	[sflag:s16] =	ssyncadd.s32 $0xFFFFC000  }
0x50: {  	[spmem:s2] =	stream.indirect.scatter.add.f32 [tilespmem:s14], [sflag:$0x3], $0x80, s6, s13, $0xb8;
	[tilespmem:$0x1D000] =	vst v63  }
0x51: {  	_ =	swait.ge [sflag:s17], $0x4000  }
0x52: {  	[sflag:s17] =	ssyncset.done $0x0  }
0x53: {  	s7 =	rddreg [dreg:$0xa];
	[sflag:s17] =	ssyncadd.s32 $0xFFFFC000  }
0x54: {  	[spmem:s2] =	stream.indirect.scatter.add.f32 [tilespmem:s15], [sflag:$0x4], $0x80, s7, s13, $0xb8;
	[tilespmem:$0x1D000] =	vst v63  }
0x55: {  	_ =	swait.ge [sflag:s18], $0x4000  }
0x56: {  	[sflag:s18] =	ssyncset.done $0x0  }
0x57: {  	[sflag:s18] =	ssyncadd.s32 $0xFFFFC000  }
0x58: {  	_ =	swait.ge [sflag:s19], $0x4000  }
0x59: {  	[sflag:s19] =	ssyncset.done $0x0  }
0x5a: {  	s8 =	rddreg [dreg:$0xb];
	[sflag:s19] =	ssyncadd.s32 $0xFFFFC000  }
0x5b: {  	[tilespmem:s14], [sflag:$0x1] =	stream.indirect.gather [hbm4b:s4+s13], $0x80, s8, s13, $0xb8;
	[tilespmem:$0x1D000] =	vst v63  }
0x5c: {  	s6 =	rddreg [dreg:$0xc]  }
0x5d: {  	[tilespmem:s15], [sflag:$0x2] =	stream.indirect.gather [hbm4b:s4+s13], $0x80, s6, s13, $0xb8;
	[tilespmem:$0x1D000] =	vst v63  }
0x5e: {  	_ =	swait.ge [sflag:s16], $0x4000  }
0x5f: {  	[sflag:s16] =	ssyncset.done $0x0  }
0x60: {  	s8 =	rddreg [dreg:$0xd];
	[sflag:s16] =	ssyncadd.s32 $0xFFFFC000  }
0x61: {  	[spmem:s2] =	stream.indirect.scatter.add.f32 [tilespmem:s14], [sflag:$0x3], $0x80, s8, s13, $0xb8;
	[tilespmem:$0x1D000] =	vst v63  }
0x62: {  	_ =	swait.ge [sflag:s17], $0x4000  }
0x63: {  	[sflag:s17] =	ssyncset.done $0x0  }
0x64: {  	s6 =	rddreg [dreg:$0xe];
	[sflag:s17] =	ssyncadd.s32 $0xFFFFC000  }
0x65: {  	[spmem:s2] =	stream.indirect.scatter.add.f32 [tilespmem:s15], [sflag:$0x4], $0x80, s6, s13, $0xb8;
	[tilespmem:$0x1D000] =	vst v63  }
0x66: {  	_ =	swait.ge [sflag:s18], $0x4000  }
0x67: {  	[sflag:s18] =	ssyncset.done $0x0  }
0x68: {  	[sflag:s18] =	ssyncadd.s32 $0xFFFFC000  }
0x69: {  	_ =	swait.ge [sflag:s19], $0x4000  }
0x6a: {  	[sflag:s19] =	ssyncset.done $0x0  }
0x6b: {  	s7 =	rddreg [dreg:$0xf];
	[sflag:s19] =	ssyncadd.s32 $0xFFFFC000  }
0x6c: {  	[tilespmem:s14], [sflag:$0x1] =	stream.indirect.gather [hbm4b:s4+s13], $0x80, s7, s13, $0xb8;
	[tilespmem:$0x1D000] =	vst v63  }
0x6d: {  	s8 =	rddreg [dreg:$0x10]  }
0x6e: {  	[tilespmem:s15], [sflag:$0x2] =	stream.indirect.gather [hbm4b:s4+s13], $0x80, s8, s13, $0xb8;
	[tilespmem:$0x1D000] =	vst v63  }
0x6f: {  	_ =	swait.ge [sflag:s16], $0x4000  }
0x70: {  	[sflag:s16] =	ssyncset.done $0x0  }
0x71: {  	s6 =	rddreg [dreg:$0x11];
	[sflag:s16] =	ssyncadd.s32 $0xFFFFC000  }
0x72: {  	[spmem:s2] =	stream.indirect.scatter.add.f32 [tilespmem:s14], [sflag:$0x3], $0x80, s6, s13, $0xb8;
	[tilespmem:$0x1D000] =	vst v63  }
0x73: {  	_ =	swait.ge [sflag:s17], $0x4000  }
0x74: {  	[sflag:s17] =	ssyncset.done $0x0  }
0x75: {  	s7 =	rddreg [dreg:$0x12];
	[sflag:s17] =	ssyncadd.s32 $0xFFFFC000  }
0x76: {  	[spmem:s2] =	stream.indirect.scatter.add.f32 [tilespmem:s15], [sflag:$0x4], $0x80, s7, s13, $0xb8;
	[tilespmem:$0x1D000] =	vst v63  }
0x77: {  	_ =	swait.ge [sflag:s18], $0x4000  }
0x78: {  	[sflag:s18] =	ssyncset.done $0x0  }
0x79: {  	[sflag:s18] =	ssyncadd.s32 $0xFFFFC000  }
0x7a: {  	_ =	swait.ge [sflag:s19], $0x4000  }
0x7b: {  	[sflag:s19] =	ssyncset.done $0x0  }
0x7c: {  	s8 =	rddreg [dreg:$0x13];
	[sflag:s19] =	ssyncadd.s32 $0xFFFFC000  }
0x7d: {  	[tilespmem:s14], [sflag:$0x1] =	stream.indirect.gather [hbm4b:s4+s13], $0x80, s8, s13, $0xb8;
	[tilespmem:$0x1D000] =	vst v63  }
0x7e: {  	s6 =	rddreg [dreg:$0x14]  }
0x7f: {  	[tilespmem:s15], [sflag:$0x2] =	stream.indirect.gather [hbm4b:s4+s13], $0x80, s6, s13, $0xb8;
	[tilespmem:$0x1D000] =	vst v63  }
0x80: {  	_ =	swait.ge [sflag:s16], $0x4000  }
0x81: {  	[sflag:s16] =	ssyncset.done $0x0  }
0x82: {  	s7 =	rddreg [dreg:$0x15];
	[sflag:s16] =	ssyncadd.s32 $0xFFFFC000  }
0x83: {  	[spmem:s2] =	stream.indirect.scatter.add.f32 [tilespmem:s14], [sflag:$0x3], $0x80, s7, s13, $0xb8;
	[tilespmem:$0x1D000] =	vst v63  }
0x84: {  	_ =	swait.ge [sflag:s17], $0x4000  }
0x85: {  	[sflag:s17] =	ssyncset.done $0x0  }
0x86: {  	s8 =	rddreg [dreg:$0x16];
	[sflag:s17] =	ssyncadd.s32 $0xFFFFC000  }
0x87: {  	[spmem:s2] =	stream.indirect.scatter.add.f32 [tilespmem:s15], [sflag:$0x4], $0x80, s8, s13, $0xb8;
	[tilespmem:$0x1D000] =	vst v63  }
0x88: {  	_ =	swait.ge [sflag:s18], $0x4000  }
0x89: {  	[sflag:s18] =	ssyncset.done $0x0  }
0x8a: {  	[sflag:s18] =	ssyncadd.s32 $0xFFFFC000  }
0x8b: {  	_ =	swait.ge [sflag:s19], $0x4000  }
0x8c: {  	[sflag:s19] =	ssyncset.done $0x0  }
0x8d: {  	[sflag:s19] =	ssyncadd.s32 $0xFFFFC000  }
0x8e: {  	[tilespmem:s14], [sflag:$0x1] =	stream.indirect.gather [hbm4b:s4+s13], $0x80, s20, s13, $0xb8;
	[tilespmem:$0x1D000] =	vst v63  }
0x8f: {  	_ = 	snop  }
0x90: {  	[tilespmem:s15], [sflag:$0x2] =	stream.indirect.gather [hbm4b:s4+s13], $0x80, s21, s13, $0xb8;
	[tilespmem:$0x1D000] =	vst v63  }
0x91: {  	_ =	swait.ge [sflag:s16], $0x4000  }
0x92: {  	[sflag:s16] =	ssyncset.done $0x0  }
0x93: {  	[sflag:s16] =	ssyncadd.s32 $0xFFFFC000  }
0x94: {  	[spmem:s2] =	stream.indirect.scatter.add.f32 [tilespmem:s14], [sflag:$0x3], $0x80, s22, s13, $0xb8;
	[tilespmem:$0x1D000] =	vst v63  }
0x95: {  	_ =	swait.ge [sflag:s17], $0x4000  }
0x96: {  	[sflag:s17] =	ssyncset.done $0x0  }
0x97: {  	[sflag:s17] =	ssyncadd.s32 $0xFFFFC000  }
0x98: {  	[spmem:s2] =	stream.indirect.scatter.add.f32 [tilespmem:s15], [sflag:$0x4], $0x80, s23, s13, $0xb8;
	[tilespmem:$0x1D000] =	vst v63  }
0x99: {  	_ =	swait.ge [sflag:s18], $0x4000  }
0x9a: {  	[sflag:s18] =	ssyncset.done $0x0  }
0x9b: {  	[sflag:s18] =	ssyncadd.s32 $0xFFFFC000  }
0x9c: {  	_ =	swait.ge [sflag:s19], $0x4000  }
0x9d: {  	[sflag:s19] =	ssyncset.done $0x0  }
0x9e: {  	[sflag:s19] =	ssyncadd.s32 $0xFFFFC000  }
0x9f: {  	[tilespmem:s14], [sflag:$0x1] =	stream.indirect.gather [hbm4b:s4+s13], $0x80, s24, s13, $0xb8;
	[tilespmem:$0x1D000] =	vst v63  }
0xa0: {  	_ = 	snop  }
0xa1: {  	[tilespmem:s15], [sflag:$0x2] =	stream.indirect.gather [hbm4b:s4+s13], $0x80, s25, s13, $0xb8;
	[tilespmem:$0x1D000] =	vst v63  }
0xa2: {  	_ =	swait.ge [sflag:s16], $0x4000  }
0xa3: {  	[sflag:s16] =	ssyncset.done $0x0  }
0xa4: {  	[sflag:s16] =	ssyncadd.s32 $0xFFFFC000  }
0xa5: {  	[spmem:s2] =	stream.indirect.scatter.add.f32 [tilespmem:s14], [sflag:$0x3], $0x80, s26, s13, $0xb8;
	[tilespmem:$0x1D000] =	vst v63  }
0xa6: {  	_ =	swait.ge [sflag:s17], $0x4000  }
0xa7: {  	[sflag:s17] =	ssyncset.done $0x0  }
0xa8: {  	[sflag:s17] =	ssyncadd.s32 $0xFFFFC000  }
0xa9: {  	[spmem:s2] =	stream.indirect.scatter.add.f32 [tilespmem:s15], [sflag:$0x4], $0x80, s28, s13, $0xb8;
	[tilespmem:$0x1D000] =	vst v63  }
0xaa: {  	_ =	swait.ge [sflag:s18], $0x4000  }
0xab: {  	[sflag:s18] =	ssyncset.done $0x0  }
0xac: {  	[sflag:s18] =	ssyncadd.s32 $0xFFFFC000  }
0xad: {  	_ =	swait.ge [sflag:s19], $0x4000  }
0xae: {  	[sflag:s19] =	ssyncset.done $0x0  }
0xaf: {  	[sflag:s19] =	ssyncadd.s32 $0xFFFFC000  }
0xb0: {  	[tilespmem:s14], [sflag:$0x1] =	stream.indirect.gather [hbm4b:s4+s13], $0x80, s29, s13, $0xb8;
	[tilespmem:$0x1D000] =	vst v63  }
0xb1: {  	_ = 	snop  }
0xb2: {  	[tilespmem:s15], [sflag:$0x2] =	stream.indirect.gather [hbm4b:s4+s13], $0x80, s30, s13, $0xb8;
	[tilespmem:$0x1D000] =	vst v63  }
0xb3: {  	_ =	swait.ge [sflag:s16], $0x4000  }
0xb4: {  	[sflag:s16] =	ssyncset.done $0x0  }
0xb5: {  	[sflag:s16] =	ssyncadd.s32 $0xFFFFC000  }
0xb6: {  	[spmem:s2] =	stream.indirect.scatter.add.f32 [tilespmem:s14], [sflag:$0x3], $0x80, s31, s13, $0xb8;
	[tilespmem:$0x1D000] =	vst v63  }
0xb7: {  	_ =	swait.ge [sflag:s17], $0x4000  }
0xb8: {  	s5 =	simm.s32 $0x100;
	[sflag:s17] =	ssyncset.done $0x0  }
0xb9: {  	s7 =	simm.s32 $0x200;
	s8 =	rddreg [dreg:$0x4];
	[sflag:s17] =	ssyncadd.s32 $0xFFFFC000  }
.LBB2_2:
0xba: {  	[spmem:s2] =	stream.indirect.scatter.add.f32 [tilespmem:s15], [sflag:$0x4], $0x80, s1, s13, $0xb8;
	[tilespmem:$0x1D000] =	vst v63  }
0xbb: {  	s8 =	sadd.s32 s5, s8  }
0xbc: {  	[tilespmem:s11], [sflag:$0x5] =	stream.linear.gather [hbm4b:s8+s3], $0x800, $0x38;
	[tilespmem:$0x1D000] =	vst v63  }
0xbd: {  	_ =	swait.ge [sflag:s10], $0x800  }
0xbe: {  	s8 =	rddreg [dreg:$0x3];
	[sflag:s10] =	ssyncset.done $0x0  }
0xbf: {  	[sflag:s10] =	ssyncadd.s32 $0xFFFFF800;
	s8 =	sadd.s32 s5, s8  }
0xc0: {  	[tilespmem:s12], [sflag:$0x5] =	stream.linear.gather [hbm4b:s8+s3], $0x800, $0x38;
	[tilespmem:$0x1D000] =	vst v63  }
0xc1: {  	_ =	swait.ge [sflag:s10], $0x800  }
0xc2: {  	s6 =	smov.u32 s7;
	p1 =	seq.s32 s5, $0x0;
	[sflag:s10] =	ssyncset.done $0x0  }
0xc3: {  	s5 =	smov.u32 s6;
	s6 =	simm.s32 @!p1 $0x3;
	[sflag:s10] =	ssyncadd.s32 $0xFFFFF800  }
0xc4: {  	_ =	swait.ge @!p1 [sflag:s6], $0x4000  }
0xc5: {  	[sflag:s6] =	ssyncset.done @!p1 $0x0  }
0xc6: {  	[sflag:s6] =	ssyncadd.s32 @!p1 $0xFFFFC000;
	s6 =	simm.s32 @!p1 $0x4  }
0xc7: {  	_ =	swait.ge @!p1 [sflag:s6], $0x4000  }
0xc8: {  	[sflag:s6] =	ssyncset.done @!p1 $0x0  }
0xc9: {  	[sflag:s6] =	ssyncadd.s32 @!p1 $0xFFFFC000  }
0xca: {  	[tilespmem:s14], [sflag:$0x1] =	stream.indirect.gather [hbm4b:s4+s13], $0x80, s11, s13, $0xb8;
	[tilespmem:$0x1D000] =	vst v63  }
0xcb: {  	s8 =	rddreg [dreg:$0x5]  }
0xcc: {  	[tilespmem:s15], [sflag:$0x2] =	stream.indirect.gather [hbm4b:s4+s13], $0x80, s8, s13, $0xb8;
	[tilespmem:$0x1D000] =	vst v63  }
0xcd: {  	_ =	swait.ge [sflag:s16], $0x4000  }
0xce: {  	[sflag:s16] =	ssyncset.done $0x0  }
0xcf: {  	[sflag:s16] =	ssyncadd.s32 $0xFFFFC000  }
0xd0: {  	[spmem:s2] =	stream.indirect.scatter.add.f32 [tilespmem:s14], [sflag:$0x3], $0x80, s12, s13, $0xb8;
	[tilespmem:$0x1D000] =	vst v63  }
0xd1: {  	_ =	swait.ge [sflag:s17], $0x4000  }
0xd2: {  	[sflag:s17] =	ssyncset.done $0x0  }
0xd3: {  	s8 =	rddreg [dreg:$0x6];
	[sflag:s17] =	ssyncadd.s32 $0xFFFFC000  }
0xd4: {  	[spmem:s2] =	stream.indirect.scatter.add.f32 [tilespmem:s15], [sflag:$0x4], $0x80, s8, s13, $0xb8;
	[tilespmem:$0x1D000] =	vst v63  }
0xd5: {  	_ =	swait.ge [sflag:s18], $0x4000  }
0xd6: {  	[sflag:s18] =	ssyncset.done $0x0  }
0xd7: {  	[sflag:s18] =	ssyncadd.s32 $0xFFFFC000  }
0xd8: {  	_ =	swait.ge [sflag:s19], $0x4000  }
0xd9: {  	[sflag:s19] =	ssyncset.done $0x0  }
0xda: {  	s6 =	rddreg [dreg:$0x7];
	[sflag:s19] =	ssyncadd.s32 $0xFFFFC000  }
0xdb: {  	[tilespmem:s14], [sflag:$0x1] =	stream.indirect.gather [hbm4b:s4+s13], $0x80, s6, s13, $0xb8;
	[tilespmem:$0x1D000] =	vst v63  }
0xdc: {  	s8 =	rddreg [dreg:$0x8]  }
0xdd: {  	[tilespmem:s15], [sflag:$0x2] =	stream.indirect.gather [hbm4b:s4+s13], $0x80, s8, s13, $0xb8;
	[tilespmem:$0x1D000] =	vst v63  }
0xde: {  	_ =	swait.ge [sflag:s16], $0x4000  }
0xdf: {  	[sflag:s16] =	ssyncset.done $0x0  }
0xe0: {  	s8 =	rddreg [dreg:$0x9];
	[sflag:s16] =	ssyncadd.s32 $0xFFFFC000  }
0xe1: {  	[spmem:s2] =	stream.indirect.scatter.add.f32 [tilespmem:s14], [sflag:$0x3], $0x80, s8, s13, $0xb8;
	[tilespmem:$0x1D000] =	vst v63  }
0xe2: {  	_ =	swait.ge [sflag:s17], $0x4000  }
0xe3: {  	[sflag:s17] =	ssyncset.done $0x0  }
0xe4: {  	s8 =	rddreg [dreg:$0xa];
	[sflag:s17] =	ssyncadd.s32 $0xFFFFC000  }
0xe5: {  	[spmem:s2] =	stream.indirect.scatter.add.f32 [tilespmem:s15], [sflag:$0x4], $0x80, s8, s13, $0xb8;
	[tilespmem:$0x1D000] =	vst v63  }
0xe6: {  	_ =	swait.ge [sflag:s18], $0x4000  }
0xe7: {  	[sflag:s18] =	ssyncset.done $0x0  }
0xe8: {  	[sflag:s18] =	ssyncadd.s32 $0xFFFFC000  }
0xe9: {  	_ =	swait.ge [sflag:s19], $0x4000  }
0xea: {  	[sflag:s19] =	ssyncset.done $0x0  }
0xeb: {  	s6 =	rddreg [dreg:$0xb];
	[sflag:s19] =	ssyncadd.s32 $0xFFFFC000  }
0xec: {  	[tilespmem:s14], [sflag:$0x1] =	stream.indirect.gather [hbm4b:s4+s13], $0x80, s6, s13, $0xb8;
	[tilespmem:$0x1D000] =	vst v63  }
0xed: {  	s8 =	rddreg [dreg:$0xc]  }
0xee: {  	[tilespmem:s15], [sflag:$0x2] =	stream.indirect.gather [hbm4b:s4+s13], $0x80, s8, s13, $0xb8;
	[tilespmem:$0x1D000] =	vst v63  }
0xef: {  	_ =	swait.ge [sflag:s16], $0x4000  }
0xf0: {  	[sflag:s16] =	ssyncset.done $0x0  }
0xf1: {  	s8 =	rddreg [dreg:$0xd];
	[sflag:s16] =	ssyncadd.s32 $0xFFFFC000  }
0xf2: {  	[spmem:s2] =	stream.indirect.scatter.add.f32 [tilespmem:s14], [sflag:$0x3], $0x80, s8, s13, $0xb8;
	[tilespmem:$0x1D000] =	vst v63  }
0xf3: {  	_ =	swait.ge [sflag:s17], $0x4000  }
0xf4: {  	[sflag:s17] =	ssyncset.done $0x0  }
0xf5: {  	s8 =	rddreg [dreg:$0xe];
	[sflag:s17] =	ssyncadd.s32 $0xFFFFC000  }
0xf6: {  	[spmem:s2] =	stream.indirect.scatter.add.f32 [tilespmem:s15], [sflag:$0x4], $0x80, s8, s13, $0xb8;
	[tilespmem:$0x1D000] =	vst v63  }
0xf7: {  	_ =	swait.ge [sflag:s18], $0x4000  }
0xf8: {  	[sflag:s18] =	ssyncset.done $0x0  }
0xf9: {  	[sflag:s18] =	ssyncadd.s32 $0xFFFFC000  }
0xfa: {  	_ =	swait.ge [sflag:s19], $0x4000  }
0xfb: {  	[sflag:s19] =	ssyncset.done $0x0  }
0xfc: {  	s6 =	rddreg [dreg:$0xf];
	[sflag:s19] =	ssyncadd.s32 $0xFFFFC000  }
0xfd: {  	[tilespmem:s14], [sflag:$0x1] =	stream.indirect.gather [hbm4b:s4+s13], $0x80, s6, s13, $0xb8;
	[tilespmem:$0x1D000] =	vst v63  }
0xfe: {  	s8 =	rddreg [dreg:$0x10]  }
0xff: {  	[tilespmem:s15], [sflag:$0x2] =	stream.indirect.gather [hbm4b:s4+s13], $0x80, s8, s13, $0xb8;
	[tilespmem:$0x1D000] =	vst v63  }
0x100: {  	_ =	swait.ge [sflag:s16], $0x4000  }
0x101: {  	[sflag:s16] =	ssyncset.done $0x0  }
0x102: {  	s8 =	rddreg [dreg:$0x11];
	[sflag:s16] =	ssyncadd.s32 $0xFFFFC000  }
0x103: {  	[spmem:s2] =	stream.indirect.scatter.add.f32 [tilespmem:s14], [sflag:$0x3], $0x80, s8, s13, $0xb8;
	[tilespmem:$0x1D000] =	vst v63  }
0x104: {  	_ =	swait.ge [sflag:s17], $0x4000  }
0x105: {  	[sflag:s17] =	ssyncset.done $0x0  }
0x106: {  	s8 =	rddreg [dreg:$0x12];
	[sflag:s17] =	ssyncadd.s32 $0xFFFFC000  }
0x107: {  	[spmem:s2] =	stream.indirect.scatter.add.f32 [tilespmem:s15], [sflag:$0x4], $0x80, s8, s13, $0xb8;
	[tilespmem:$0x1D000] =	vst v63  }
0x108: {  	_ =	swait.ge [sflag:s18], $0x4000  }
0x109: {  	[sflag:s18] =	ssyncset.done $0x0  }
0x10a: {  	[sflag:s18] =	ssyncadd.s32 $0xFFFFC000  }
0x10b: {  	_ =	swait.ge [sflag:s19], $0x4000  }
0x10c: {  	[sflag:s19] =	ssyncset.done $0x0  }
0x10d: {  	s6 =	rddreg [dreg:$0x13];
	[sflag:s19] =	ssyncadd.s32 $0xFFFFC000  }
0x10e: {  	[tilespmem:s14], [sflag:$0x1] =	stream.indirect.gather [hbm4b:s4+s13], $0x80, s6, s13, $0xb8;
	[tilespmem:$0x1D000] =	vst v63  }
0x10f: {  	s8 =	rddreg [dreg:$0x14]  }
0x110: {  	[tilespmem:s15], [sflag:$0x2] =	stream.indirect.gather [hbm4b:s4+s13], $0x80, s8, s13, $0xb8;
	[tilespmem:$0x1D000] =	vst v63  }
0x111: {  	_ =	swait.ge [sflag:s16], $0x4000  }
0x112: {  	[sflag:s16] =	ssyncset.done $0x0  }
0x113: {  	s8 =	rddreg [dreg:$0x15];
	[sflag:s16] =	ssyncadd.s32 $0xFFFFC000  }
0x114: {  	[spmem:s2] =	stream.indirect.scatter.add.f32 [tilespmem:s14], [sflag:$0x3], $0x80, s8, s13, $0xb8;
	[tilespmem:$0x1D000] =	vst v63  }
0x115: {  	_ =	swait.ge [sflag:s17], $0x4000  }
0x116: {  	[sflag:s17] =	ssyncset.done $0x0  }
0x117: {  	s8 =	rddreg [dreg:$0x16];
	[sflag:s17] =	ssyncadd.s32 $0xFFFFC000  }
0x118: {  	[spmem:s2] =	stream.indirect.scatter.add.f32 [tilespmem:s15], [sflag:$0x4], $0x80, s8, s13, $0xb8;
	[tilespmem:$0x1D000] =	vst v63  }
0x119: {  	_ =	swait.ge [sflag:s18], $0x4000  }
0x11a: {  	[sflag:s18] =	ssyncset.done $0x0  }
0x11b: {  	[sflag:s18] =	ssyncadd.s32 $0xFFFFC000  }
0x11c: {  	_ =	swait.ge [sflag:s19], $0x4000  }
0x11d: {  	[sflag:s19] =	ssyncset.done $0x0  }
0x11e: {  	[sflag:s19] =	ssyncadd.s32 $0xFFFFC000  }
0x11f: {  	[tilespmem:s14], [sflag:$0x1] =	stream.indirect.gather [hbm4b:s4+s13], $0x80, s20, s13, $0xb8;
	[tilespmem:$0x1D000] =	vst v63  }
0x120: {  	_ = 	snop  }
0x121: {  	[tilespmem:s15], [sflag:$0x2] =	stream.indirect.gather [hbm4b:s4+s13], $0x80, s21, s13, $0xb8;
	[tilespmem:$0x1D000] =	vst v63  }
0x122: {  	_ =	swait.ge [sflag:s16], $0x4000  }
0x123: {  	[sflag:s16] =	ssyncset.done $0x0  }
0x124: {  	[sflag:s16] =	ssyncadd.s32 $0xFFFFC000  }
0x125: {  	[spmem:s2] =	stream.indirect.scatter.add.f32 [tilespmem:s14], [sflag:$0x3], $0x80, s22, s13, $0xb8;
	[tilespmem:$0x1D000] =	vst v63  }
0x126: {  	_ =	swait.ge [sflag:s17], $0x4000  }
0x127: {  	[sflag:s17] =	ssyncset.done $0x0  }
0x128: {  	[sflag:s17] =	ssyncadd.s32 $0xFFFFC000  }
0x129: {  	[spmem:s2] =	stream.indirect.scatter.add.f32 [tilespmem:s15], [sflag:$0x4], $0x80, s23, s13, $0xb8;
	[tilespmem:$0x1D000] =	vst v63  }
0x12a: {  	_ =	swait.ge [sflag:s18], $0x4000  }
0x12b: {  	[sflag:s18] =	ssyncset.done $0x0  }
0x12c: {  	[sflag:s18] =	ssyncadd.s32 $0xFFFFC000  }
0x12d: {  	_ =	swait.ge [sflag:s19], $0x4000  }
0x12e: {  	[sflag:s19] =	ssyncset.done $0x0  }
0x12f: {  	[sflag:s19] =	ssyncadd.s32 $0xFFFFC000  }
0x130: {  	[tilespmem:s14], [sflag:$0x1] =	stream.indirect.gather [hbm4b:s4+s13], $0x80, s24, s13, $0xb8;
	[tilespmem:$0x1D000] =	vst v63  }
0x131: {  	_ = 	snop  }
0x132: {  	[tilespmem:s15], [sflag:$0x2] =	stream.indirect.gather [hbm4b:s4+s13], $0x80, s25, s13, $0xb8;
	[tilespmem:$0x1D000] =	vst v63  }
0x133: {  	_ =	swait.ge [sflag:s16], $0x4000  }
0x134: {  	[sflag:s16] =	ssyncset.done $0x0  }
0x135: {  	[sflag:s16] =	ssyncadd.s32 $0xFFFFC000  }
0x136: {  	[spmem:s2] =	stream.indirect.scatter.add.f32 [tilespmem:s14], [sflag:$0x3], $0x80, s26, s13, $0xb8;
	[tilespmem:$0x1D000] =	vst v63  }
0x137: {  	_ =	swait.ge [sflag:s17], $0x4000  }
0x138: {  	[sflag:s17] =	ssyncset.done $0x0  }
0x139: {  	[sflag:s17] =	ssyncadd.s32 $0xFFFFC000  }
0x13a: {  	[spmem:s2] =	stream.indirect.scatter.add.f32 [tilespmem:s15], [sflag:$0x4], $0x80, s28, s13, $0xb8;
	[tilespmem:$0x1D000] =	vst v63  }
0x13b: {  	_ =	swait.ge [sflag:s18], $0x4000  }
0x13c: {  	[sflag:s18] =	ssyncset.done $0x0  }
0x13d: {  	[sflag:s18] =	ssyncadd.s32 $0xFFFFC000  }
0x13e: {  	_ =	swait.ge [sflag:s19], $0x4000  }
0x13f: {  	[sflag:s19] =	ssyncset.done $0x0  }
0x140: {  	[sflag:s19] =	ssyncadd.s32 $0xFFFFC000  }
0x141: {  	[tilespmem:s14], [sflag:$0x1] =	stream.indirect.gather [hbm4b:s4+s13], $0x80, s29, s13, $0xb8;
	[tilespmem:$0x1D000] =	vst v63  }
0x142: {  	_ = 	snop  }
0x143: {  	[tilespmem:s15], [sflag:$0x2] =	stream.indirect.gather [hbm4b:s4+s13], $0x80, s30, s13, $0xb8;
	[tilespmem:$0x1D000] =	vst v63  }
0x144: {  	s7 =	sadd.s32 $0x100, s7;
	_ =	swait.ge [sflag:s16], $0x4000  }
0x145: {  	p0 =	sne.s32 s7, $0xA00;
	[sflag:s16] =	ssyncset.done $0x0  }
.Ltmp0:
0x146: {  	[sflag:s16] =	ssyncadd.s32 $0xFFFFC000;
	(pc) =	sbr.rel @p0 .LBB2_2-.Ltmp0, $4  }
0x147: {  	[spmem:s2] =	stream.indirect.scatter.add.f32 [tilespmem:s14], [sflag:$0x3], $0x80, s31, s13, $0xb8;
	[tilespmem:$0x1D000] =	vst v63  }
0x148: {  	_ =	swait.ge [sflag:s17], $0x4000  }
0x149: {  	[sflag:s17] =	ssyncset.done $0x0  }
0x14a: {  	s8 =	rddreg [dreg:$0x4];
	[sflag:s17] =	ssyncadd.s32 $0xFFFFC000  }
0x14b: {  	[spmem:s2] =	stream.indirect.scatter.add.f32 [tilespmem:s15], [sflag:$0x4], $0x80, s1, s13, $0xb8;
	[tilespmem:$0x1D000] =	vst v63  }
0x14c: {  	s6 =	sadd.s32 s5, s8  }
0x14d: {  	[tilespmem:s11], [sflag:$0x5] =	stream.linear.gather [hbm4b:s6+s3], $0x800, $0x38;
	[tilespmem:$0x1D000] =	vst v63  }
0x14e: {  	_ =	swait.ge [sflag:s10], $0x800  }
0x14f: {  	s8 =	rddreg [dreg:$0x3];
	[sflag:s10] =	ssyncset.done $0x0  }
0x150: {  	[sflag:s10] =	ssyncadd.s32 $0xFFFFF800;
	s6 =	sadd.s32 s5, s8  }
0x151: {  	[tilespmem:s12], [sflag:$0x5] =	stream.linear.gather [hbm4b:s6+s3], $0x800, $0x38;
	[tilespmem:$0x1D000] =	vst v63  }
0x152: {  	_ =	swait.ge [sflag:s10], $0x800  }
0x153: {  	p0 =	seq.s32 s5, $0x0;
	[sflag:s10] =	ssyncset.done $0x0  }
0x154: {  	s5 =	simm.s32 @!p0 $0x3;
	[sflag:s10] =	ssyncadd.s32 $0xFFFFF800  }
0x155: {  	_ =	swait.ge @!p0 [sflag:s5], $0x4000  }
0x156: {  	[sflag:s5] =	ssyncset.done @!p0 $0x0  }
0x157: {  	[sflag:s5] =	ssyncadd.s32 @!p0 $0xFFFFC000;
	s5 =	simm.s32 @!p0 $0x4  }
0x158: {  	_ =	swait.ge @!p0 [sflag:s5], $0x4000  }
0x159: {  	[sflag:s5] =	ssyncset.done @!p0 $0x0  }
0x15a: {  	[sflag:s5] =	ssyncadd.s32 @!p0 $0xFFFFC000  }
0x15b: {  	[tilespmem:s14], [sflag:$0x1] =	stream.indirect.gather [hbm4b:s4+s13], $0x80, s11, s13, $0xb8;
	[tilespmem:$0x1D000] =	vst v63  }
0x15c: {  	s7 =	rddreg [dreg:$0x5]  }
0x15d: {  	[tilespmem:s15], [sflag:$0x2] =	stream.indirect.gather [hbm4b:s4+s13], $0x80, s7, s13, $0xb8;
	[tilespmem:$0x1D000] =	vst v63  }
0x15e: {  	_ =	swait.ge [sflag:s16], $0x4000  }
0x15f: {  	[sflag:s16] =	ssyncset.done $0x0  }
0x160: {  	[sflag:s16] =	ssyncadd.s32 $0xFFFFC000  }
0x161: {  	[spmem:s2] =	stream.indirect.scatter.add.f32 [tilespmem:s14], [sflag:$0x3], $0x80, s12, s13, $0xb8;
	[tilespmem:$0x1D000] =	vst v63  }
0x162: {  	_ =	swait.ge [sflag:s17], $0x4000  }
0x163: {  	[sflag:s17] =	ssyncset.done $0x0  }
0x164: {  	s8 =	rddreg [dreg:$0x6];
	[sflag:s17] =	ssyncadd.s32 $0xFFFFC000  }
0x165: {  	[spmem:s2] =	stream.indirect.scatter.add.f32 [tilespmem:s15], [sflag:$0x4], $0x80, s8, s13, $0xb8;
	[tilespmem:$0x1D000] =	vst v63  }
0x166: {  	_ =	swait.ge [sflag:s18], $0x4000  }
0x167: {  	[sflag:s18] =	ssyncset.done $0x0  }
0x168: {  	[sflag:s18] =	ssyncadd.s32 $0xFFFFC000  }
0x169: {  	_ =	swait.ge [sflag:s19], $0x4000  }
0x16a: {  	[sflag:s19] =	ssyncset.done $0x0  }
0x16b: {  	s6 =	rddreg [dreg:$0x7];
	[sflag:s19] =	ssyncadd.s32 $0xFFFFC000  }
0x16c: {  	[tilespmem:s14], [sflag:$0x1] =	stream.indirect.gather [hbm4b:s4+s13], $0x80, s6, s13, $0xb8;
	[tilespmem:$0x1D000] =	vst v63  }
0x16d: {  	s7 =	rddreg [dreg:$0x8]  }
0x16e: {  	[tilespmem:s15], [sflag:$0x2] =	stream.indirect.gather [hbm4b:s4+s13], $0x80, s7, s13, $0xb8;
	[tilespmem:$0x1D000] =	vst v63  }
0x16f: {  	_ =	swait.ge [sflag:s16], $0x4000  }
0x170: {  	[sflag:s16] =	ssyncset.done $0x0  }
0x171: {  	s8 =	rddreg [dreg:$0x9];
	[sflag:s16] =	ssyncadd.s32 $0xFFFFC000  }
0x172: {  	[spmem:s2] =	stream.indirect.scatter.add.f32 [tilespmem:s14], [sflag:$0x3], $0x80, s8, s13, $0xb8;
	[tilespmem:$0x1D000] =	vst v63  }
0x173: {  	_ =	swait.ge [sflag:s17], $0x4000  }
0x174: {  	[sflag:s17] =	ssyncset.done $0x0  }
0x175: {  	s6 =	rddreg [dreg:$0xa];
	[sflag:s17] =	ssyncadd.s32 $0xFFFFC000  }
0x176: {  	[spmem:s2] =	stream.indirect.scatter.add.f32 [tilespmem:s15], [sflag:$0x4], $0x80, s6, s13, $0xb8;
	[tilespmem:$0x1D000] =	vst v63  }
0x177: {  	_ =	swait.ge [sflag:s18], $0x4000  }
0x178: {  	[sflag:s18] =	ssyncset.done $0x0  }
0x179: {  	[sflag:s18] =	ssyncadd.s32 $0xFFFFC000  }
0x17a: {  	_ =	swait.ge [sflag:s19], $0x4000  }
0x17b: {  	[sflag:s19] =	ssyncset.done $0x0  }
0x17c: {  	s7 =	rddreg [dreg:$0xb];
	[sflag:s19] =	ssyncadd.s32 $0xFFFFC000  }
0x17d: {  	[tilespmem:s14], [sflag:$0x1] =	stream.indirect.gather [hbm4b:s4+s13], $0x80, s7, s13, $0xb8;
	[tilespmem:$0x1D000] =	vst v63  }
0x17e: {  	s8 =	rddreg [dreg:$0xc]  }
0x17f: {  	[tilespmem:s15], [sflag:$0x2] =	stream.indirect.gather [hbm4b:s4+s13], $0x80, s8, s13, $0xb8;
	[tilespmem:$0x1D000] =	vst v63  }
0x180: {  	_ =	swait.ge [sflag:s16], $0x4000  }
0x181: {  	[sflag:s16] =	ssyncset.done $0x0  }
0x182: {  	s7 =	rddreg [dreg:$0xd];
	[sflag:s16] =	ssyncadd.s32 $0xFFFFC000  }
0x183: {  	[spmem:s2] =	stream.indirect.scatter.add.f32 [tilespmem:s14], [sflag:$0x3], $0x80, s7, s13, $0xb8;
	[tilespmem:$0x1D000] =	vst v63  }
0x184: {  	_ =	swait.ge [sflag:s17], $0x4000  }
0x185: {  	[sflag:s17] =	ssyncset.done $0x0  }
0x186: {  	s8 =	rddreg [dreg:$0xe];
	[sflag:s17] =	ssyncadd.s32 $0xFFFFC000  }
0x187: {  	[spmem:s2] =	stream.indirect.scatter.add.f32 [tilespmem:s15], [sflag:$0x4], $0x80, s8, s13, $0xb8;
	[tilespmem:$0x1D000] =	vst v63  }
0x188: {  	_ =	swait.ge [sflag:s18], $0x4000  }
0x189: {  	[sflag:s18] =	ssyncset.done $0x0  }
0x18a: {  	[sflag:s18] =	ssyncadd.s32 $0xFFFFC000  }
0x18b: {  	_ =	swait.ge [sflag:s19], $0x4000  }
0x18c: {  	[sflag:s19] =	ssyncset.done $0x0  }
0x18d: {  	s6 =	rddreg [dreg:$0xf];
	[sflag:s19] =	ssyncadd.s32 $0xFFFFC000  }
0x18e: {  	[tilespmem:s14], [sflag:$0x1] =	stream.indirect.gather [hbm4b:s4+s13], $0x80, s6, s13, $0xb8;
	[tilespmem:$0x1D000] =	vst v63  }
0x18f: {  	s7 =	rddreg [dreg:$0x10]  }
0x190: {  	[tilespmem:s15], [sflag:$0x2] =	stream.indirect.gather [hbm4b:s4+s13], $0x80, s7, s13, $0xb8;
	[tilespmem:$0x1D000] =	vst v63  }
0x191: {  	_ =	swait.ge [sflag:s16], $0x4000  }
0x192: {  	[sflag:s16] =	ssyncset.done $0x0  }
0x193: {  	s8 =	rddreg [dreg:$0x11];
	[sflag:s16] =	ssyncadd.s32 $0xFFFFC000  }
0x194: {  	[spmem:s2] =	stream.indirect.scatter.add.f32 [tilespmem:s14], [sflag:$0x3], $0x80, s8, s13, $0xb8;
	[tilespmem:$0x1D000] =	vst v63  }
0x195: {  	_ =	swait.ge [sflag:s17], $0x4000  }
0x196: {  	[sflag:s17] =	ssyncset.done $0x0  }
0x197: {  	s6 =	rddreg [dreg:$0x12];
	[sflag:s17] =	ssyncadd.s32 $0xFFFFC000  }
0x198: {  	[spmem:s2] =	stream.indirect.scatter.add.f32 [tilespmem:s15], [sflag:$0x4], $0x80, s6, s13, $0xb8;
	[tilespmem:$0x1D000] =	vst v63  }
0x199: {  	_ =	swait.ge [sflag:s18], $0x4000  }
0x19a: {  	[sflag:s18] =	ssyncset.done $0x0  }
0x19b: {  	[sflag:s18] =	ssyncadd.s32 $0xFFFFC000  }
0x19c: {  	_ =	swait.ge [sflag:s19], $0x4000  }
0x19d: {  	[sflag:s19] =	ssyncset.done $0x0  }
0x19e: {  	s7 =	rddreg [dreg:$0x13];
	[sflag:s19] =	ssyncadd.s32 $0xFFFFC000  }
0x19f: {  	[tilespmem:s14], [sflag:$0x1] =	stream.indirect.gather [hbm4b:s4+s13], $0x80, s7, s13, $0xb8;
	[tilespmem:$0x1D000] =	vst v63  }
0x1a0: {  	s8 =	rddreg [dreg:$0x14]  }
0x1a1: {  	[tilespmem:s15], [sflag:$0x2] =	stream.indirect.gather [hbm4b:s4+s13], $0x80, s8, s13, $0xb8;
	[tilespmem:$0x1D000] =	vst v63  }
0x1a2: {  	_ =	swait.ge [sflag:s16], $0x4000  }
0x1a3: {  	[sflag:s16] =	ssyncset.done $0x0  }
0x1a4: {  	s6 =	rddreg [dreg:$0x15];
	[sflag:s16] =	ssyncadd.s32 $0xFFFFC000  }
0x1a5: {  	[spmem:s2] =	stream.indirect.scatter.add.f32 [tilespmem:s14], [sflag:$0x3], $0x80, s6, s13, $0xb8;
	[tilespmem:$0x1D000] =	vst v63  }
0x1a6: {  	_ =	swait.ge [sflag:s17], $0x4000  }
0x1a7: {  	[sflag:s17] =	ssyncset.done $0x0  }
0x1a8: {  	s7 =	rddreg [dreg:$0x16];
	[sflag:s17] =	ssyncadd.s32 $0xFFFFC000  }
0x1a9: {  	[spmem:s2] =	stream.indirect.scatter.add.f32 [tilespmem:s15], [sflag:$0x4], $0x80, s7, s13, $0xb8;
	[tilespmem:$0x1D000] =	vst v63  }
0x1aa: {  	_ =	swait.ge [sflag:s18], $0x4000  }
0x1ab: {  	[sflag:s18] =	ssyncset.done $0x0  }
0x1ac: {  	[sflag:s18] =	ssyncadd.s32 $0xFFFFC000  }
0x1ad: {  	_ =	swait.ge [sflag:s19], $0x4000  }
0x1ae: {  	[sflag:s19] =	ssyncset.done $0x0  }
0x1af: {  	[sflag:s19] =	ssyncadd.s32 $0xFFFFC000  }
0x1b0: {  	[tilespmem:s14], [sflag:$0x1] =	stream.indirect.gather [hbm4b:s4+s13], $0x80, s20, s13, $0xb8;
	[tilespmem:$0x1D000] =	vst v63  }
0x1b1: {  	_ = 	snop  }
0x1b2: {  	[tilespmem:s15], [sflag:$0x2] =	stream.indirect.gather [hbm4b:s4+s13], $0x80, s21, s13, $0xb8;
	[tilespmem:$0x1D000] =	vst v63  }
0x1b3: {  	_ =	swait.ge [sflag:s16], $0x4000  }
0x1b4: {  	[sflag:s16] =	ssyncset.done $0x0  }
0x1b5: {  	[sflag:s16] =	ssyncadd.s32 $0xFFFFC000  }
0x1b6: {  	[spmem:s2] =	stream.indirect.scatter.add.f32 [tilespmem:s14], [sflag:$0x3], $0x80, s22, s13, $0xb8;
	[tilespmem:$0x1D000] =	vst v63  }
0x1b7: {  	_ =	swait.ge [sflag:s17], $0x4000  }
0x1b8: {  	[sflag:s17] =	ssyncset.done $0x0  }
0x1b9: {  	[sflag:s17] =	ssyncadd.s32 $0xFFFFC000  }
0x1ba: {  	[spmem:s2] =	stream.indirect.scatter.add.f32 [tilespmem:s15], [sflag:$0x4], $0x80, s23, s13, $0xb8;
	[tilespmem:$0x1D000] =	vst v63  }
0x1bb: {  	_ =	swait.ge [sflag:s18], $0x4000  }
0x1bc: {  	[sflag:s18] =	ssyncset.done $0x0  }
0x1bd: {  	[sflag:s18] =	ssyncadd.s32 $0xFFFFC000  }
0x1be: {  	_ =	swait.ge [sflag:s19], $0x4000  }
0x1bf: {  	[sflag:s19] =	ssyncset.done $0x0  }
0x1c0: {  	[sflag:s19] =	ssyncadd.s32 $0xFFFFC000  }
0x1c1: {  	[tilespmem:s14], [sflag:$0x1] =	stream.indirect.gather [hbm4b:s4+s13], $0x80, s24, s13, $0xb8;
	[tilespmem:$0x1D000] =	vst v63  }
0x1c2: {  	_ = 	snop  }
0x1c3: {  	[tilespmem:s15], [sflag:$0x2] =	stream.indirect.gather [hbm4b:s4+s13], $0x80, s25, s13, $0xb8;
	[tilespmem:$0x1D000] =	vst v63  }
0x1c4: {  	_ =	swait.ge [sflag:s16], $0x4000  }
0x1c5: {  	[sflag:s16] =	ssyncset.done $0x0  }
0x1c6: {  	[sflag:s16] =	ssyncadd.s32 $0xFFFFC000  }
0x1c7: {  	[spmem:s2] =	stream.indirect.scatter.add.f32 [tilespmem:s14], [sflag:$0x3], $0x80, s26, s13, $0xb8;
	[tilespmem:$0x1D000] =	vst v63  }
0x1c8: {  	_ =	swait.ge [sflag:s17], $0x4000  }
0x1c9: {  	[sflag:s17] =	ssyncset.done $0x0  }
0x1ca: {  	[sflag:s17] =	ssyncadd.s32 $0xFFFFC000  }
0x1cb: {  	[spmem:s2] =	stream.indirect.scatter.add.f32 [tilespmem:s15], [sflag:$0x4], $0x80, s28, s13, $0xb8;
	[tilespmem:$0x1D000] =	vst v63  }
0x1cc: {  	_ =	swait.ge [sflag:s18], $0x4000  }
0x1cd: {  	[sflag:s18] =	ssyncset.done $0x0  }
0x1ce: {  	[sflag:s18] =	ssyncadd.s32 $0xFFFFC000  }
0x1cf: {  	_ =	swait.ge [sflag:s19], $0x4000  }
0x1d0: {  	[sflag:s19] =	ssyncset.done $0x0  }
0x1d1: {  	[sflag:s19] =	ssyncadd.s32 $0xFFFFC000  }
0x1d2: {  	[tilespmem:s14], [sflag:$0x1] =	stream.indirect.gather [hbm4b:s4+s13], $0x80, s29, s13, $0xb8;
	[tilespmem:$0x1D000] =	vst v63  }
0x1d3: {  	_ = 	snop  }
0x1d4: {  	[tilespmem:s15], [sflag:$0x2] =	stream.indirect.gather [hbm4b:s4+s13], $0x80, s30, s13, $0xb8;
	[tilespmem:$0x1D000] =	vst v63  }
0x1d5: {  	_ =	swait.ge [sflag:s16], $0x4000  }
0x1d6: {  	[sflag:s16] =	ssyncset.done $0x0  }
0x1d7: {  	[sflag:s16] =	ssyncadd.s32 $0xFFFFC000  }
0x1d8: {  	[spmem:s2] =	stream.indirect.scatter.add.f32 [tilespmem:s14], [sflag:$0x3], $0x80, s31, s13, $0xb8;
	[tilespmem:$0x1D000] =	vst v63  }
0x1d9: {  	_ =	swait.ge [sflag:s17], $0x4000  }
0x1da: {  	[sflag:s17] =	ssyncset.done $0x0  }
0x1db: {  	[sflag:s17] =	ssyncadd.s32 $0xFFFFC000  }
0x1dc: {  	[spmem:s2] =	stream.indirect.scatter.add.f32 [tilespmem:s15], [sflag:$0x4], $0x80, s1, s13, $0xb8;
	[tilespmem:$0x1D000] =	vst v63  }
0x1dd: {  	_ =	swait.ge [sflag:s18], $0x4000  }
0x1de: {  	[sflag:s18] =	ssyncset.done $0x0  }
0x1df: {  	[sflag:s18] =	ssyncadd.s32 $0xFFFFC000  }
0x1e0: {  	_ =	swait.ge [sflag:s19], $0x4000  }
0x1e1: {  	[sflag:s19] =	ssyncset.done $0x0  }
0x1e2: {  	[sflag:s19] =	ssyncadd.s32 $0xFFFFC000  }
0x1e3: {  	[bflag:$0x0] =	sbarrier.arrive $0xFFFF  }
0x1e4: {  	s8 =	rddreg [dreg:$0x18]  }
0x1e5: {  	s7 =	rddreg [dreg:$0x1a]  }
0x1e6: {  	[hbm:s8], [sflag:s9] =	dma.local [spmem:s7], $0x2800  }
0x1e7: {  	_ =	swait.ge [sflag:s10], $0x2800  }
0x1e8: {  	s0 =	sadd.s32 $0x1, s0;
	s6 =	smov.u32 s9;
	s9 =	rddreg [dreg:$0x19]  }
0x1e9: {  	p0 =	sne.s32 s0, s9  }
.Ltmp1:
0x1ea: {  	_ = 	snop;
	(pc) =	sbr.rel @p0 .LBB2_1-.Ltmp1, $3  }
0x1eb: {  	_ =	sdelay $0x1  }
0x1ec: {  	[sflag:s10] =	ssyncset.done $0x0  }
0x1ed: {  	[sflag:s10] =	ssyncadd.s32 $0xFFFFD800  }
0x1ee: {  	_ =	sfence.sel $0x180000  }
0x1ef: {  	[bflag:$0x0] =	sbarrier.arrive $0xFFFF  }
0x1f0: {  	_ =	strace $0x9000004D  }
0x1f1: {  	s0 =	stileid.u32;
	[bflag:$0x2] =	sbarrier.arrive $0xFFFF  }
0x1f2: {  	p0 =	sne.s32 s0, $0x0;
	s0 =	rddreg [dreg:$0x2]  }
0x1f3: {  	s0 =	sadd.s32 @!p0 $0x100000, s0  }
0x1f4: {  	[sflag:s0] =	ssyncadd.tile.s32 @!p0 $0x1;
	_ =	shalt  }
.Lfunc_end2:
_tile_overlayer_lowered:
.L_overlay_start_2:
0x1f5: {  	(tag) =	ssettag $0x2  }
0x1f6: {  	s0 =	rddreg [dreg:$0x0];
	s2 =	stileid.u32  }
0x1f7: {  	s1 =	rddreg [dreg:$0x1];
	p0 =	sne.s32 s2, $0x0  }
0x1f8: {  	s3 =	rddreg [dreg:$0x2];
	[bflag:$0x3] =	sbarrier.arrive $0xFFFF;
	s2 =	simm.s32 @!p0 $0x1C05  }
0x1f9: {  	[timem:s3], [sflag:s2] =	dma.local @!p0 [hbm:s0], s1  }
0x1fa: {  	s0 =	simm.s32 @!p0 $0x5  }
0x1fb: {  	_ =	swait.ge @!p0 [sflag:s0], s1  }
0x1fc: {  	s1 =	ssub.s32 @!p0 $0x0, s1;
	[sflag:s0] =	ssyncset.done @!p0 $0x0  }
0x1fd: {  	[sflag:s0] =	ssyncadd.s32 @!p0 s1  }
0x1fe: {  	[bflag:$0x3] =	sbarrier.arrive $0xFFFF  }
0x1ff: {  	_ =	shalt  }

// kernel: kernel.19.cloned.1.call-start
scs
__scs_entry_jumppad:
0x0: {  	(pc) =	sbr.rel $0x88, $3  }
0x1: {  	(tag) =	ssettag $0x0;
	lr =	simm.s32 $0x1  }
0x2: {  	[smem:$0x3F96] =	sst lr;
	_ =	strace $0xD0000000  }
0x3: {  	_ = 	snop  }
0x4: {  	_ = 	snop  }
0x5: {  	_ = 	snop  }
0x6: {  	_ = 	snop  }
0x7: {  	_ = 	snop  }
__scs_overlays_trampoline_lowered:
0x8: {  	[smem:$0x3FA5] =	sst s0  }
0x9: {  	[smem:$0x3FA6] =	sst s1  }
0xa: {  	[smem:$0x3FA7] =	sst s2  }
0xb: {  	[smem:$0x3FA8] =	sst s3  }
0xc: {  	[smem:$0x3FA9] =	sst s4  }
0xd: {  	[smem:$0x3FAA] =	sst s5  }
0xe: {  	[smem:$0x3FAB] =	sst s6  }
0xf: {  	[smem:$0x3FAC] =	sst s7  }
0x10: {  	[smem:$0x3FAD] =	sst s8  }
0x11: {  	[smem:$0x3FAE] =	sst s9;
	s0 =	simm.s32 @!p0 $0x0  }
0x12: {  	s1 =	sld [smem:$0x3F94];
	s0 =	simm.s32 @p0 $0x1  }
0x13: {  	[smem:$0x3FAF] =	sst s0;
	s0 =	simm.s32 @!p1 $0x0  }
0x14: {  	s2 =	sld [smem:$0x3F93];
	s0 =	simm.s32 @p1 $0x1  }
0x15: {  	[smem:$0x3FB0] =	sst s0;
	s0 =	simm.s32 @!p2 $0x0  }
0x16: {  	s3 =	sld [smem:$0x3FDB];
	s0 =	simm.s32 @p2 $0x1  }
0x17: {  	s4 =	simm.s32 $0x1BF5;
	[smem:$0x3FB2] =	sst s0  }
0x18: {  	s0 =	sld [smem:$0x3F95];
	_ =	swait.ge [sflag:s4], $0x0  }
0x19: {  	s7 =	sld [smem:$0x3F96]  }
0x1a: {  	s8 =	sadd.s32 $0xFFFFE003, lr  }
0x1b: {  	s9 =	sadd.s32 $0xFFFFFEF7, lr;
	s5 =	simm.s32 $0xFFFFFFFF;
	p2 =	slt.u32 s8, $0xFFFFF086  }
0x1c: {  	p1 =	slt.u32 s9, $0xF7A;
	s5 =	simm.s32 @!p2 $0x0  }
0x1d: {  	s5 =	simm.s32 @p1 $0x1;
	p0 =	seq.s32 s7, s2  }
0x1e: {  	s7 =	smul.u32 @!p0 $0xF7A, s2;
	p2 =	seq.s32 @!p0 s5, $0x0  }
0x1f: {  	s9 =	smul.u32 $0xF7A, s1;
	s8 =	simm.s32 @!p0 $0x1BF5;
	p2 =	por !p2, p0  }
0x20: {  	[sflag:s8] =	ssyncset.s32 @!p0 $0xFFFFF086;
	s6 =	sadd.s32 @!p0 s3, s7;
	s7 =	simm.s32 @!p0 $0x108  }
0x21: {  	s3 =	sadd.s32 s3, s9;
	s6 =	sadd.s32 @!p0 $0x88, s6;
	s7 =	simm.s32 @p2 $0x1082  }
0x22: {  	[simem:s7], [sflag:s8] =	dma.local @!p0 [hbm:s6], $0xF7A  }
0x23: {  	s9 =	sor.u32 $0xD0000000, s2;
	s6 =	simm.s32 $0x108;
	_ =	swait.ge @!p0 [sflag:s8], $0x0  }
0x24: {  	s3 =	sadd.s32 $0x88, s3;
	s6 =	simm.s32 @!p1 $0x1082;
	[sflag:s4] =	ssyncset.s32 $0xFFFFF086  }
0x25: {  	[simem:s6], [sflag:s4] =	dma.local [hbm:s3], $0xF7A  }
0x26: {  	[smem:$0x3F96] =	sst s1;
	(tag) =	ssettag s2;
	_ =	strace s9  }
0x27: {  	s1 =	sld [smem:$0x3FA6]  }
0x28: {  	s2 =	sld [smem:$0x3FA7]  }
0x29: {  	s4 =	sld [smem:$0x3FA9]  }
0x2a: {  	p0 =	seq.s32 s5, $0x0;
	s5 =	sld [smem:$0x3FAA]  }
0x2b: {  	s6 =	sld [smem:$0x3FAB]  }
0x2c: {  	s7 =	sld [smem:$0x3FAC]  }
0x2d: {  	s3 =	simm.s32 $0x108;
	s8 =	sld [smem:$0x3FAD]  }
0x2e: {  	s3 =	simm.s32 @!p0 $0x1082;
	s9 =	sld [smem:$0x3FAE]  }
0x2f: {  	lr =	sadd.s32 s0, s3;
	s0 =	sld [smem:$0x3FA5]  }
0x30: {  	s3 =	sld [smem:$0x3FA8]  }
0x31: {  	[smem:$0x3FB1] =	sst s10  }
0x32: {  	s10 =	sld [smem:$0x3FAF];
	_ =	sdelay $0x3  }
0x33: {  	p0 =	seq.s32 s10, $0x1;
	s10 =	sld [smem:$0x3FB1];
	_ =	sdelay $0x3  }
0x34: {  	[smem:$0x3FB1] =	sst s10  }
0x35: {  	s10 =	sld [smem:$0x3FB0];
	_ =	sdelay $0x3  }
0x36: {  	p1 =	seq.s32 s10, $0x1;
	s10 =	sld [smem:$0x3FB1];
	_ =	sdelay $0x3  }
0x37: {  	[smem:$0x3FB1] =	sst s10  }
0x38: {  	s10 =	sld [smem:$0x3FB2]  }
0x39: {  	_ = 	snop;
	(pc) =	sbr.ind lr, $3  }
0x3a: {  	_ = 	snop  }
0x3b: {  	_ = 	snop  }
0x3c: {  	p2 =	seq.s32 s10, $0x1;
	s10 =	sld [smem:$0x3FB1]  }
0x3d: {  	_ =	shalt  }
0x3e: {  	_ =	shalt  }
0x3f: {  	_ =	shalt  }
0x40: {  	_ =	shalt  }
0x41: {  	_ =	shalt  }
0x42: {  	_ =	shalt  }
0x43: {  	_ =	shalt  }
0x44: {  	_ =	shalt  }
0x45: {  	_ =	shalt  }
0x46: {  	_ =	shalt  }
0x47: {  	_ =	shalt  }
0x48: {  	_ =	shalt  }
0x49: {  	_ =	shalt  }
0x4a: {  	_ =	shalt  }
0x4b: {  	_ =	shalt  }
0x4c: {  	_ =	shalt  }
0x4d: {  	_ =	shalt  }
0x4e: {  	_ =	shalt  }
0x4f: {  	_ =	shalt  }
0x50: {  	_ =	shalt  }
0x51: {  	_ =	shalt  }
0x52: {  	_ =	shalt  }
0x53: {  	_ =	shalt  }
0x54: {  	_ =	shalt  }
0x55: {  	_ =	shalt  }
0x56: {  	_ =	shalt  }
0x57: {  	_ =	shalt  }
0x58: {  	_ =	shalt  }
0x59: {  	_ =	shalt  }
0x5a: {  	_ =	shalt  }
0x5b: {  	_ =	shalt  }
0x5c: {  	_ =	shalt  }
0x5d: {  	_ =	shalt  }
0x5e: {  	_ =	shalt  }
0x5f: {  	_ =	shalt  }
0x60: {  	_ =	shalt  }
0x61: {  	_ =	shalt  }
0x62: {  	_ =	shalt  }
0x63: {  	_ =	shalt  }
0x64: {  	_ =	shalt  }
0x65: {  	_ =	shalt  }
0x66: {  	_ =	shalt  }
0x67: {  	_ =	shalt  }
0x68: {  	_ =	shalt  }
0x69: {  	_ =	shalt  }
0x6a: {  	_ =	shalt  }
0x6b: {  	_ =	shalt  }
0x6c: {  	_ =	shalt  }
0x6d: {  	_ =	shalt  }
0x6e: {  	_ =	shalt  }
0x6f: {  	_ =	shalt  }
0x70: {  	_ =	shalt  }
0x71: {  	_ =	shalt  }
0x72: {  	_ =	shalt  }
0x73: {  	_ =	shalt  }
0x74: {  	_ =	shalt  }
0x75: {  	_ =	shalt  }
0x76: {  	_ =	shalt  }
0x77: {  	_ =	shalt  }
0x78: {  	_ =	shalt  }
0x79: {  	_ =	shalt  }
0x7a: {  	_ =	shalt  }
0x7b: {  	_ =	shalt  }
0x7c: {  	_ =	shalt  }
0x7d: {  	_ =	shalt  }
0x7e: {  	_ =	shalt  }
0x7f: {  	_ =	shalt  }
0x80: {  	_ =	shalt  }
0x81: {  	_ =	shalt  }
0x82: {  	_ =	shalt  }
0x83: {  	_ =	shalt  }
0x84: {  	_ =	shalt  }
0x85: {  	_ =	shalt  }
0x86: {  	_ =	shalt  }
0x87: {  	_ =	shalt  }
.Lfunc_end0:
.L_simem_size_0:
called_computation.3_lowered:
.L_overlay_start_0:
0x88: {  	s2 =	sld [smem:$0x3FD9]  }
0x89: {  	s3 =	sld [smem:$0x3FFE];
	_ =	sdelay $0x1  }
0x8a: {  	s1 =	srdreg.scid  }
0x8b: {  	s0 =	sand.u32 $0x1, s1  }
0x8c: {  	s16 =	sshll.u32 s0, $0xA;
	s2 =	sadd.s32 s3, s2  }
0x8d: {  	s2 =	sadd.s32 s2, s16  }
0x8e: {  	[smem:$0x3FBD] =	sst s2  }
0x8f: {  	_ = 	snop  }
0x90: {  	(tm) =	ssettm $0x1  }
0x91: {  	s17 =	sld [smem:$0x3FFB];
	_ =	sdelay $0x3  }
0x92: {  	_ =	strace s17  }
0x93: {  	s2 =	sld [smem:$0x3FFC];
	_ =	sdelay $0x3  }
0x94: {  	_ =	strace s2  }
0x95: {  	s2 =	sld [smem:$0x3FFD];
	_ =	sdelay $0x3  }
0x96: {  	_ =	strace s2  }
0x97: {  	_ =	strace $0x8FFFFFFF  }
0x98: {  	s18 =	sld [smem:$0x3FDB];
	_ =	sdelay $0x1  }
0x99: {  	s19 =	simm.s32 $_scs_section_size  }
0x9a: {  	s4 =	simm.s32 $_size__tile_overlayer_lowered;
	s5 =	simm.s32 $_tile_overlayer_lowered  }
0x9b: {  	s22 =	simm.s32 $0x1BFF;
	s21 =	sshll.u32 s5, $0x1;
	s2 =	sadd.s32 s19, s18  }
0x9c: {  	s6 =	simm.s32 $0x0;
	s20 =	sshll.u32 s4, $0x1;
	s4 =	sadd.s32 s21, s2  }
0x9d: {  	[timem:s6], [sflag:s22] =	dma.local [hbm:s4], s20  }
0x9e: {  	_ =	swait.ge [sflag:s22], s20  }
0x9f: {  	s3 =	ssub.s32 $0x0, s20;
	[sflag:s22] =	ssyncset.done $0x0  }
0xa0: {  	[sflag:s22] =	ssyncadd.s32 s3;
	_ =	sdelay $0x1  }
0xa1: {  	s23 =	simm.s32 $0x1B8B  }
0xa2: {  	_ =	swait.ge [sflag:s23], $0x1  }
0xa3: {  	[sflag:s23] =	ssyncset.done $0x0  }
0xa4: {  	s25 =	simm.s32 $0x1B8E;
	s24 =	sld [smem:$0x3FFE];
	[sflag:s23] =	ssyncadd.s32 $0xFFFFFFFF  }
0xa5: {  	s26 =	simm.s32 $execute0_lowered;
	[smem:$0x3FD2] =	sst s25  }
0xa6: {  	s4 =	sshll.u32 s26, $0x1;
	_ =	strace $0x8000004F;
	[dreg:$0x1] =	wrdreg $0xFFFFFFFF  }
0xa7: {  	s28 =	simm.s32 $_size_execute0_lowered;
	s2 =	sadd.s32 s2, s4;
	[dreg:$0x0] =	wrdreg $0x0  }
0xa8: {  	s4 =	sshll.u32 s28, $0x1;
	[dreg:$0x2] =	wrdreg s2  }
0xa9: {  	[dreg:$0x3] =	wrdreg s4  }
0xaa: {  	[dreg:$0x4] =	wrdreg $0xC0  }
0xab: {  	_ =	task [dreg:s6], $0x5FFFF  }
0xac: {  	[dreg:$0x1] =	wrdreg $0xFFFFFFFF  }
0xad: {  	[dreg:$0x0] =	wrdreg $0x60  }
0xae: {  	[dreg:$0x2] =	wrdreg s24  }
0xaf: {  	[dreg:$0x3] =	wrdreg $0x0  }
0xb0: {  	[dreg:$0x4] =	wrdreg $0x9  }
0xb1: {  	_ =	task.clear_ibuf [dreg:s6], $0x5FFFF;
	_ =	strace $0x9000004F  }
0xb2: {  	s29 =	simm.s32 $0x9;
	_ =	strace $0x80000051  }
0xb3: {  	_ =	swait.ge [sflag:s29], $0x1  }
0xb4: {  	[sflag:s29] =	ssyncadd.s32 $0xFFFFFFFF  }
0xb5: {  	_ =	strace $0x90000051  }
0xb6: {  	_ =	sfence  }
0xb7: {  	s30 =	sld [smem:$0x0];
	_ =	sdelay $0x2  }
0xb8: {  	s31 =	sshll.u32 s1, $0xD;
	s1 =	sshrl.u32 s1, $0x2  }
0xb9: {  	s3 =	sand.u32 $0x4000, s31;
	s1 =	sadd.s32 s1, s30  }
0xba: {  	s0 =	sor.u32 s3, s0;
	s1 =	sshll.u32 s1, $0x11  }
0xbb: {  	s0 =	sor.u32 s1, s0  }
0xbc: {  	s0 =	sadd.s32 $0x8F2B, s0  }
0xbd: {  	[sflag:s0] =	ssyncadd.remote.s32 $0x1  }
0xbe: {  	_ =	sfence.sel $0xFFFF  }
0xbf: {  	[dreg:$0x0] =	wrdreg $0xFFFFFFFF;
	(pc) =	sbr.abs _section_cstart, $3  }
0xc0: {  	[dreg:$0x1] =	wrdreg $0xFFFFFFFF  }
0xc1: {  	_ =	task.clear_ibuf [dreg:s6], $0x2FFFF;
	_ =	strace $0x9FFFFFFF  }
0xc2: {  	(tm) =	ssettm $0x7FFFFFFF  }
0xc3: {  	_ =	shalt  }
tec
execute0_lowered:
.L_overlay_start_1:
0x0: {  	(tag) =	ssettag $0x1  }
0x1: {  	s0 =	srdreg.scid;
	s5 =	rddreg [dreg:$0x0]  }
0x2: {  	s8 =	stileid.u32;
	s2 =	rddreg [dreg:$0x1]  }
0x3: {  	s3 =	simm.s32 $0x0;
	s26 =	simm.s32 $0x14080;
	s11 =	simm.s32 $0x14180  }
0x4: {  	s13 =	simm.s32 $0x14900;
	s14 =	simm.s32 $0x14980;
	s15 =	simm.s32 $0x14200  }
0x5: {  	s16 =	simm.s32 $0x14280;
	[smem:$0x7FF] =	sst s3;
	s9 =	sadd.s32 $0x3400, s5  }
0x6: {  	s17 =	simm.s32 $0x14A00;
	_ =	strace $0x80000050;
	[dreg:$0x17] =	wrdreg s9  }
0x7: {  	s18 =	simm.s32 $0x14A80;
	s19 =	simm.s32 $0x14300;
	[dreg:$0x5] =	wrdreg s26  }
0x8: {  	s20 =	simm.s32 $0x14380;
	s21 =	simm.s32 $0x14B00;
	[dreg:$0x8] =	wrdreg s11  }
0x9: {  	s22 =	simm.s32 $0x14B80;
	s28 =	simm.s32 $0x14E80;
	[dreg:$0x9] =	wrdreg s13  }
0xa: {  	s29 =	simm.s32 $0x14700;
	s1 =	smul.u32 $0x5000, s8;
	[dreg:$0xa] =	wrdreg s14  }
0xb: {  	s30 =	simm.s32 $0x14780;
	s6 =	smul.u32 $0xA00, s8;
	[dreg:$0xb] =	wrdreg s15  }
0xc: {  	s31 =	simm.s32 $0x14F00;
	s23 =	smul.u32 $0x14000, s8;
	[dreg:$0xc] =	wrdreg s16  }
0xd: {  	s0 =	sand.u32 $0x1, s0;
	s25 =	smul.u32 $0x50000, s8;
	[dreg:$0xd] =	wrdreg s17  }
0xe: {  	s12 =	sshll.u32 s8, $0x6;
	s4 =	smul.u32 $0x50000, s0;
	[dreg:$0xe] =	wrdreg s18  }
0xf: {  	s7 =	smul.u32 $0x140000, s0;
	s0 =	ssub.s32 $0x2, s0;
	[dreg:$0xf] =	wrdreg s19  }
0x10: {  	s9 =	simm.s32 $0x14100;
	s11 =	simm.s32 $0x14000;
	[dreg:$0x10] =	wrdreg s20  }
0x11: {  	s13 =	simm.s32 $0x80;
	s14 =	simm.s32 $0x15000;
	[dreg:$0x11] =	wrdreg s21  }
0x12: {  	s15 =	simm.s32 $0x19000;
	[dreg:$0x12] =	wrdreg s22;
	s16 =	simm.s32 $0x1  }
0x13: {  	s17 =	simm.s32 $0x2;
	s18 =	simm.s32 $0x3;
	s26 =	simm.s32 $0x14C80  }
0x14: {  	s19 =	simm.s32 $0x4;
	s20 =	simm.s32 $0x14500;
	s21 =	simm.s32 $0x14580  }
0x15: {  	s22 =	simm.s32 $0x14D00;
	s6 =	sadd.s32 s6, s5;
	[dreg:$0x7] =	wrdreg s9  }
0x16: {  	s24 =	sshrl.u32 s0, $0x1;
	[dreg:$0x16] =	wrdreg s26;
	s26 =	simm.s32 $0x14E00  }
0x17: {  	s1 =	sadd.s32 s1, s4;
	s7 =	sadd.s32 s23, s7;
	s4 =	sadd.s32 $0x35400, s5  }
0x18: {  	s6 =	sadd.s32 $0xD400, s6;
	s0 =	ssub.s32 s0, s24;
	s23 =	simm.s32 $0x14400  }
0x19: {  	s24 =	simm.s32 $0x14480;
	s1 =	sshrl.u32 s1, $0x3;
	[dreg:$0x3] =	wrdreg s6  }
0x1a: {  	s7 =	sshrl.u32 s7, $0x3;
	s6 =	sshrl.u32 s25, $0x2;
	[dreg:$0x13] =	wrdreg s23  }
0x1b: {  	s0 =	smax.u32 s0, $0x1;
	[dreg:$0x14] =	wrdreg s24;
	s25 =	simm.s32 $0x14C00  }
0x1c: {  	s23 =	simm.s32 $0x14D80;
	s24 =	simm.s32 $0x14600;
	s1 =	sadd.s32 s1, s5  }
0x1d: {  	s5 =	sadd.s32 s7, s5;
	s7 =	simm.s32 $0x14880;
	[dreg:$0x19] =	wrdreg s0  }
0x1e: {  	s10 =	sadd.s32 s6, s2;
	s6 =	sor.u32 $0x1C05, s12;
	[dreg:$0x15] =	wrdreg s25  }
0x1f: {  	s12 =	simm.s32 $0x14800;
	s1 =	sadd.s32 $0x21400, s1;
	[dreg:$0x6] =	wrdreg s7  }
0x20: {  	s25 =	simm.s32 $0x14680;
	s5 =	sadd.s32 $0xD5400, s5;
	[dreg:$0x4] =	wrdreg s1  }
0x21: {  	s0 =	simm.s32 $0x0;
	s7 =	sshrl.u32 s10, $0x3;
	[dreg:$0x18] =	wrdreg s5  }
0x22: {  	s10 =	simm.s32 $0x5;
	s1 =	simm.s32 $0x14F80;
	[dreg:$0x1a] =	wrdreg s7  }
.LBB2_1:
0x23: {  	s5 =	rddreg [dreg:$0x17]  }
0x24: {  	[spmem:s7], [sflag:s6] =	dma.local [hbm:s5], $0x2800  }
0x25: {  	_ =	swait.ge [sflag:s10], $0x2800  }
0x26: {  	[sflag:s10] =	ssyncset.done $0x0  }
0x27: {  	[sflag:s10] =	ssyncadd.s32 $0xFFFFD800  }
0x28: {  	[bflag:$0x0] =	sbarrier.arrive $0xFFFF  }
0x29: {  	s9 =	smov.u32 s6;
	s6 =	rddreg [dreg:$0x4]  }
0x2a: {  	s5 =	sadd.s32 $0x0, s6  }
0x2b: {  	[tilespmem:s11], [sflag:$0x5] =	stream.linear.gather [hbm4b:s5+s3], $0x800, $0x38;
	[tilespmem:$0x1D000] =	vst v63  }
0x2c: {  	_ =	swait.ge [sflag:s10], $0x800  }
0x2d: {  	s7 =	rddreg [dreg:$0x3];
	[sflag:s10] =	ssyncset.done $0x0  }
0x2e: {  	[sflag:s10] =	ssyncadd.s32 $0xFFFFF800;
	s5 =	sadd.s32 $0x0, s7  }
0x2f: {  	[tilespmem:s12], [sflag:$0x5] =	stream.linear.gather [hbm4b:s5+s3], $0x800, $0x38;
	[tilespmem:$0x1D000] =	vst v63  }
0x30: {  	_ =	swait.ge [sflag:s10], $0x800  }
0x31: {  	p0 =	por $0x1, $0x1;
	[sflag:s10] =	ssyncset.done $0x0  }
0x32: {  	s5 =	simm.s32 @!p0 $0x3;
	[sflag:s10] =	ssyncadd.s32 $0xFFFFF800  }
0x33: {  	_ =	swait.ge @!p0 [sflag:s5], $0x4000  }
0x34: {  	[sflag:s5] =	ssyncset.done @!p0 $0x0  }
0x35: {  	[sflag:s5] =	ssyncadd.s32 @!p0 $0xFFFFC000;
	s5 =	simm.s32 @!p0 $0x4  }
0x36: {  	_ =	swait.ge @!p0 [sflag:s5], $0x4000  }
0x37: {  	[sflag:s5] =	ssyncset.done @!p0 $0x0  }
0x38: {  	[sflag:s5] =	ssyncadd.s32 @!p0 $0xFFFFC000  }
0x39: {  	[tilespmem:s14], [sflag:$0x1] =	stream.indirect.gather [hbm4b:s4+s13], $0x80, s11, s13, $0xb8;
	[tilespmem:$0x1D000] =	vst v63  }
0x3a: {  	s8 =	rddreg [dreg:$0x5]  }
0x3b: {  	[tilespmem:s15], [sflag:$0x2] =	stream.indirect.gather [hbm4b:s4+s13], $0x80, s8, s13, $0xb8;
	[tilespmem:$0x1D000] =	vst v63  }
0x3c: {  	_ =	swait.ge [sflag:s16], $0x4000  }
0x3d: {  	[sflag:s16] =	ssyncset.done $0x0  }
0x3e: {  	[sflag:s16] =	ssyncadd.s32 $0xFFFFC000  }
0x3f: {  	[spmem:s2] =	stream.indirect.scatter.add.f32 [tilespmem:s14], [sflag:$0x3], $0x80, s12, s13, $0xb8;
	[tilespmem:$0x1D000] =	vst v63  }
0x40: {  	_ =	swait.ge [sflag:s17], $0x4000  }
0x41: {  	[sflag:s17] =	ssyncset.done $0x0  }
0x42: {  	s6 =	rddreg [dreg:$0x6];
	[sflag:s17] =	ssyncadd.s32 $0xFFFFC000  }
0x43: {  	[spmem:s2] =	stream.indirect.scatter.add.f32 [tilespmem:s15], [sflag:$0x4], $0x80, s6, s13, $0xb8;
	[tilespmem:$0x1D000] =	vst v63  }
0x44: {  	_ =	swait.ge [sflag:s18], $0x4000  }
0x45: {  	[sflag:s18] =	ssyncset.done $0x0  }
0x46: {  	[sflag:s18] =	ssyncadd.s32 $0xFFFFC000  }
0x47: {  	_ =	swait.ge [sflag:s19], $0x4000  }
0x48: {  	[sflag:s19] =	ssyncset.done $0x0  }
0x49: {  	s7 =	rddreg [dreg:$0x7];
	[sflag:s19] =	ssyncadd.s32 $0xFFFFC000  }
0x4a: {  	[tilespmem:s14], [sflag:$0x1] =	stream.indirect.gather [hbm4b:s4+s13], $0x80, s7, s13, $0xb8;
	[tilespmem:$0x1D000] =	vst v63  }
0x4b: {  	s8 =	rddreg [dreg:$0x8]  }
0x4c: {  	[tilespmem:s15], [sflag:$0x2] =	stream.indirect.gather [hbm4b:s4+s13], $0x80, s8, s13, $0xb8;
	[tilespmem:$0x1D000] =	vst v63  }
0x4d: {  	_ =	swait.ge [sflag:s16], $0x4000  }
0x4e: {  	[sflag:s16] =	ssyncset.done $0x0  }
0x4f: {  	s6 =	rddreg [dreg:$0x9];
	[sflag:s16] =	ssyncadd.s32 $0xFFFFC000  }
0x50: {  	[spmem:s2] =	stream.indirect.scatter.add.f32 [tilespmem:s14], [sflag:$0x3], $0x80, s6, s13, $0xb8;
	[tilespmem:$0x1D000] =	vst v63  }
0x51: {  	_ =	swait.ge [sflag:s17], $0x4000  }
0x52: {  	[sflag:s17] =	ssyncset.done $0x0  }
0x53: {  	s7 =	rddreg [dreg:$0xa];
	[sflag:s17] =	ssyncadd.s32 $0xFFFFC000  }
0x54: {  	[spmem:s2] =	stream.indirect.scatter.add.f32 [tilespmem:s15], [sflag:$0x4], $0x80, s7, s13, $0xb8;
	[tilespmem:$0x1D000] =	vst v63  }
0x55: {  	_ =	swait.ge [sflag:s18], $0x4000  }
0x56: {  	[sflag:s18] =	ssyncset.done $0x0  }
0x57: {  	[sflag:s18] =	ssyncadd.s32 $0xFFFFC000  }
0x58: {  	_ =	swait.ge [sflag:s19], $0x4000  }
0x59: {  	[sflag:s19] =	ssyncset.done $0x0  }
0x5a: {  	s8 =	rddreg [dreg:$0xb];
	[sflag:s19] =	ssyncadd.s32 $0xFFFFC000  }
0x5b: {  	[tilespmem:s14], [sflag:$0x1] =	stream.indirect.gather [hbm4b:s4+s13], $0x80, s8, s13, $0xb8;
	[tilespmem:$0x1D000] =	vst v63  }
0x5c: {  	s6 =	rddreg [dreg:$0xc]  }
0x5d: {  	[tilespmem:s15], [sflag:$0x2] =	stream.indirect.gather [hbm4b:s4+s13], $0x80, s6, s13, $0xb8;
	[tilespmem:$0x1D000] =	vst v63  }
0x5e: {  	_ =	swait.ge [sflag:s16], $0x4000  }
0x5f: {  	[sflag:s16] =	ssyncset.done $0x0  }
0x60: {  	s8 =	rddreg [dreg:$0xd];
	[sflag:s16] =	ssyncadd.s32 $0xFFFFC000  }
0x61: {  	[spmem:s2] =	stream.indirect.scatter.add.f32 [tilespmem:s14], [sflag:$0x3], $0x80, s8, s13, $0xb8;
	[tilespmem:$0x1D000] =	vst v63  }
0x62: {  	_ =	swait.ge [sflag:s17], $0x4000  }
0x63: {  	[sflag:s17] =	ssyncset.done $0x0  }
0x64: {  	s6 =	rddreg [dreg:$0xe];
	[sflag:s17] =	ssyncadd.s32 $0xFFFFC000  }
0x65: {  	[spmem:s2] =	stream.indirect.scatter.add.f32 [tilespmem:s15], [sflag:$0x4], $0x80, s6, s13, $0xb8;
	[tilespmem:$0x1D000] =	vst v63  }
0x66: {  	_ =	swait.ge [sflag:s18], $0x4000  }
0x67: {  	[sflag:s18] =	ssyncset.done $0x0  }
0x68: {  	[sflag:s18] =	ssyncadd.s32 $0xFFFFC000  }
0x69: {  	_ =	swait.ge [sflag:s19], $0x4000  }
0x6a: {  	[sflag:s19] =	ssyncset.done $0x0  }
0x6b: {  	s7 =	rddreg [dreg:$0xf];
	[sflag:s19] =	ssyncadd.s32 $0xFFFFC000  }
0x6c: {  	[tilespmem:s14], [sflag:$0x1] =	stream.indirect.gather [hbm4b:s4+s13], $0x80, s7, s13, $0xb8;
	[tilespmem:$0x1D000] =	vst v63  }
0x6d: {  	s8 =	rddreg [dreg:$0x10]  }
0x6e: {  	[tilespmem:s15], [sflag:$0x2] =	stream.indirect.gather [hbm4b:s4+s13], $0x80, s8, s13, $0xb8;
	[tilespmem:$0x1D000] =	vst v63  }
0x6f: {  	_ =	swait.ge [sflag:s16], $0x4000  }
0x70: {  	[sflag:s16] =	ssyncset.done $0x0  }
0x71: {  	s6 =	rddreg [dreg:$0x11];
	[sflag:s16] =	ssyncadd.s32 $0xFFFFC000  }
0x72: {  	[spmem:s2] =	stream.indirect.scatter.add.f32 [tilespmem:s14], [sflag:$0x3], $0x80, s6, s13, $0xb8;
	[tilespmem:$0x1D000] =	vst v63  }
0x73: {  	_ =	swait.ge [sflag:s17], $0x4000  }
0x74: {  	[sflag:s17] =	ssyncset.done $0x0  }
0x75: {  	s7 =	rddreg [dreg:$0x12];
	[sflag:s17] =	ssyncadd.s32 $0xFFFFC000  }
0x76: {  	[spmem:s2] =	stream.indirect.scatter.add.f32 [tilespmem:s15], [sflag:$0x4], $0x80, s7, s13, $0xb8;
	[tilespmem:$0x1D000] =	vst v63  }
0x77: {  	_ =	swait.ge [sflag:s18], $0x4000  }
0x78: {  	[sflag:s18] =	ssyncset.done $0x0  }
0x79: {  	[sflag:s18] =	ssyncadd.s32 $0xFFFFC000  }
0x7a: {  	_ =	swait.ge [sflag:s19], $0x4000  }
0x7b: {  	[sflag:s19] =	ssyncset.done $0x0  }
0x7c: {  	s8 =	rddreg [dreg:$0x13];
	[sflag:s19] =	ssyncadd.s32 $0xFFFFC000  }
0x7d: {  	[tilespmem:s14], [sflag:$0x1] =	stream.indirect.gather [hbm4b:s4+s13], $0x80, s8, s13, $0xb8;
	[tilespmem:$0x1D000] =	vst v63  }
0x7e: {  	s6 =	rddreg [dreg:$0x14]  }
0x7f: {  	[tilespmem:s15], [sflag:$0x2] =	stream.indirect.gather [hbm4b:s4+s13], $0x80, s6, s13, $0xb8;
	[tilespmem:$0x1D000] =	vst v63  }
0x80: {  	_ =	swait.ge [sflag:s16], $0x4000  }
0x81: {  	[sflag:s16] =	ssyncset.done $0x0  }
0x82: {  	s7 =	rddreg [dreg:$0x15];
	[sflag:s16] =	ssyncadd.s32 $0xFFFFC000  }
0x83: {  	[spmem:s2] =	stream.indirect.scatter.add.f32 [tilespmem:s14], [sflag:$0x3], $0x80, s7, s13, $0xb8;
	[tilespmem:$0x1D000] =	vst v63  }
0x84: {  	_ =	swait.ge [sflag:s17], $0x4000  }
0x85: {  	[sflag:s17] =	ssyncset.done $0x0  }
0x86: {  	s8 =	rddreg [dreg:$0x16];
	[sflag:s17] =	ssyncadd.s32 $0xFFFFC000  }
0x87: {  	[spmem:s2] =	stream.indirect.scatter.add.f32 [tilespmem:s15], [sflag:$0x4], $0x80, s8, s13, $0xb8;
	[tilespmem:$0x1D000] =	vst v63  }
0x88: {  	_ =	swait.ge [sflag:s18], $0x4000  }
0x89: {  	[sflag:s18] =	ssyncset.done $0x0  }
0x8a: {  	[sflag:s18] =	ssyncadd.s32 $0xFFFFC000  }
0x8b: {  	_ =	swait.ge [sflag:s19], $0x4000  }
0x8c: {  	[sflag:s19] =	ssyncset.done $0x0  }
0x8d: {  	[sflag:s19] =	ssyncadd.s32 $0xFFFFC000  }
0x8e: {  	[tilespmem:s14], [sflag:$0x1] =	stream.indirect.gather [hbm4b:s4+s13], $0x80, s20, s13, $0xb8;
	[tilespmem:$0x1D000] =	vst v63  }
0x8f: {  	_ = 	snop  }
0x90: {  	[tilespmem:s15], [sflag:$0x2] =	stream.indirect.gather [hbm4b:s4+s13], $0x80, s21, s13, $0xb8;
	[tilespmem:$0x1D000] =	vst v63  }
0x91: {  	_ =	swait.ge [sflag:s16], $0x4000  }
0x92: {  	[sflag:s16] =	ssyncset.done $0x0  }
0x93: {  	[sflag:s16] =	ssyncadd.s32 $0xFFFFC000  }
0x94: {  	[spmem:s2] =	stream.indirect.scatter.add.f32 [tilespmem:s14], [sflag:$0x3], $0x80, s22, s13, $0xb8;
	[tilespmem:$0x1D000] =	vst v63  }
0x95: {  	_ =	swait.ge [sflag:s17], $0x4000  }
0x96: {  	[sflag:s17] =	ssyncset.done $0x0  }
0x97: {  	[sflag:s17] =	ssyncadd.s32 $0xFFFFC000  }
0x98: {  	[spmem:s2] =	stream.indirect.scatter.add.f32 [tilespmem:s15], [sflag:$0x4], $0x80, s23, s13, $0xb8;
	[tilespmem:$0x1D000] =	vst v63  }
0x99: {  	_ =	swait.ge [sflag:s18], $0x4000  }
0x9a: {  	[sflag:s18] =	ssyncset.done $0x0  }
0x9b: {  	[sflag:s18] =	ssyncadd.s32 $0xFFFFC000  }
0x9c: {  	_ =	swait.ge [sflag:s19], $0x4000  }
0x9d: {  	[sflag:s19] =	ssyncset.done $0x0  }
0x9e: {  	[sflag:s19] =	ssyncadd.s32 $0xFFFFC000  }
0x9f: {  	[tilespmem:s14], [sflag:$0x1] =	stream.indirect.gather [hbm4b:s4+s13], $0x80, s24, s13, $0xb8;
	[tilespmem:$0x1D000] =	vst v63  }
0xa0: {  	_ = 	snop  }
0xa1: {  	[tilespmem:s15], [sflag:$0x2] =	stream.indirect.gather [hbm4b:s4+s13], $0x80, s25, s13, $0xb8;
	[tilespmem:$0x1D000] =	vst v63  }
0xa2: {  	_ =	swait.ge [sflag:s16], $0x4000  }
0xa3: {  	[sflag:s16] =	ssyncset.done $0x0  }
0xa4: {  	[sflag:s16] =	ssyncadd.s32 $0xFFFFC000  }
0xa5: {  	[spmem:s2] =	stream.indirect.scatter.add.f32 [tilespmem:s14], [sflag:$0x3], $0x80, s26, s13, $0xb8;
	[tilespmem:$0x1D000] =	vst v63  }
0xa6: {  	_ =	swait.ge [sflag:s17], $0x4000  }
0xa7: {  	[sflag:s17] =	ssyncset.done $0x0  }
0xa8: {  	[sflag:s17] =	ssyncadd.s32 $0xFFFFC000  }
0xa9: {  	[spmem:s2] =	stream.indirect.scatter.add.f32 [tilespmem:s15], [sflag:$0x4], $0x80, s28, s13, $0xb8;
	[tilespmem:$0x1D000] =	vst v63  }
0xaa: {  	_ =	swait.ge [sflag:s18], $0x4000  }
0xab: {  	[sflag:s18] =	ssyncset.done $0x0  }
0xac: {  	[sflag:s18] =	ssyncadd.s32 $0xFFFFC000  }
0xad: {  	_ =	swait.ge [sflag:s19], $0x4000  }
0xae: {  	[sflag:s19] =	ssyncset.done $0x0  }
0xaf: {  	[sflag:s19] =	ssyncadd.s32 $0xFFFFC000  }
0xb0: {  	[tilespmem:s14], [sflag:$0x1] =	stream.indirect.gather [hbm4b:s4+s13], $0x80, s29, s13, $0xb8;
	[tilespmem:$0x1D000] =	vst v63  }
0xb1: {  	_ = 	snop  }
0xb2: {  	[tilespmem:s15], [sflag:$0x2] =	stream.indirect.gather [hbm4b:s4+s13], $0x80, s30, s13, $0xb8;
	[tilespmem:$0x1D000] =	vst v63  }
0xb3: {  	_ =	swait.ge [sflag:s16], $0x4000  }
0xb4: {  	[sflag:s16] =	ssyncset.done $0x0  }
0xb5: {  	[sflag:s16] =	ssyncadd.s32 $0xFFFFC000  }
0xb6: {  	[spmem:s2] =	stream.indirect.scatter.add.f32 [tilespmem:s14], [sflag:$0x3], $0x80, s31, s13, $0xb8;
	[tilespmem:$0x1D000] =	vst v63  }
0xb7: {  	_ =	swait.ge [sflag:s17], $0x4000  }
0xb8: {  	s5 =	simm.s32 $0x100;
	[sflag:s17] =	ssyncset.done $0x0  }
0xb9: {  	s7 =	simm.s32 $0x200;
	s8 =	rddreg [dreg:$0x4];
	[sflag:s17] =	ssyncadd.s32 $0xFFFFC000  }
.LBB2_2:
0xba: {  	[spmem:s2] =	stream.indirect.scatter.add.f32 [tilespmem:s15], [sflag:$0x4], $0x80, s1, s13, $0xb8;
	[tilespmem:$0x1D000] =	vst v63  }
0xbb: {  	s8 =	sadd.s32 s5, s8  }
0xbc: {  	[tilespmem:s11], [sflag:$0x5] =	stream.linear.gather [hbm4b:s8+s3], $0x800, $0x38;
	[tilespmem:$0x1D000] =	vst v63  }
0xbd: {  	_ =	swait.ge [sflag:s10], $0x800  }
0xbe: {  	s8 =	rddreg [dreg:$0x3];
	[sflag:s10] =	ssyncset.done $0x0  }
0xbf: {  	[sflag:s10] =	ssyncadd.s32 $0xFFFFF800;
	s8 =	sadd.s32 s5, s8  }
0xc0: {  	[tilespmem:s12], [sflag:$0x5] =	stream.linear.gather [hbm4b:s8+s3], $0x800, $0x38;
	[tilespmem:$0x1D000] =	vst v63  }
0xc1: {  	_ =	swait.ge [sflag:s10], $0x800  }
0xc2: {  	s6 =	smov.u32 s7;
	p1 =	seq.s32 s5, $0x0;
	[sflag:s10] =	ssyncset.done $0x0  }
0xc3: {  	s5 =	smov.u32 s6;
	s6 =	simm.s32 @!p1 $0x3;
	[sflag:s10] =	ssyncadd.s32 $0xFFFFF800  }
0xc4: {  	_ =	swait.ge @!p1 [sflag:s6], $0x4000  }
0xc5: {  	[sflag:s6] =	ssyncset.done @!p1 $0x0  }
0xc6: {  	[sflag:s6] =	ssyncadd.s32 @!p1 $0xFFFFC000;
	s6 =	simm.s32 @!p1 $0x4  }
0xc7: {  	_ =	swait.ge @!p1 [sflag:s6], $0x4000  }
0xc8: {  	[sflag:s6] =	ssyncset.done @!p1 $0x0  }
0xc9: {  	[sflag:s6] =	ssyncadd.s32 @!p1 $0xFFFFC000  }
0xca: {  	[tilespmem:s14], [sflag:$0x1] =	stream.indirect.gather [hbm4b:s4+s13], $0x80, s11, s13, $0xb8;
	[tilespmem:$0x1D000] =	vst v63  }
0xcb: {  	s8 =	rddreg [dreg:$0x5]  }
0xcc: {  	[tilespmem:s15], [sflag:$0x2] =	stream.indirect.gather [hbm4b:s4+s13], $0x80, s8, s13, $0xb8;
	[tilespmem:$0x1D000] =	vst v63  }
0xcd: {  	_ =	swait.ge [sflag:s16], $0x4000  }
0xce: {  	[sflag:s16] =	ssyncset.done $0x0  }
0xcf: {  	[sflag:s16] =	ssyncadd.s32 $0xFFFFC000  }
0xd0: {  	[spmem:s2] =	stream.indirect.scatter.add.f32 [tilespmem:s14], [sflag:$0x3], $0x80, s12, s13, $0xb8;
	[tilespmem:$0x1D000] =	vst v63  }
0xd1: {  	_ =	swait.ge [sflag:s17], $0x4000  }
0xd2: {  	[sflag:s17] =	ssyncset.done $0x0  }
0xd3: {  	s8 =	rddreg [dreg:$0x6];
	[sflag:s17] =	ssyncadd.s32 $0xFFFFC000  }
0xd4: {  	[spmem:s2] =	stream.indirect.scatter.add.f32 [tilespmem:s15], [sflag:$0x4], $0x80, s8, s13, $0xb8;
	[tilespmem:$0x1D000] =	vst v63  }
0xd5: {  	_ =	swait.ge [sflag:s18], $0x4000  }
0xd6: {  	[sflag:s18] =	ssyncset.done $0x0  }
0xd7: {  	[sflag:s18] =	ssyncadd.s32 $0xFFFFC000  }
0xd8: {  	_ =	swait.ge [sflag:s19], $0x4000  }
0xd9: {  	[sflag:s19] =	ssyncset.done $0x0  }
0xda: {  	s6 =	rddreg [dreg:$0x7];
	[sflag:s19] =	ssyncadd.s32 $0xFFFFC000  }
0xdb: {  	[tilespmem:s14], [sflag:$0x1] =	stream.indirect.gather [hbm4b:s4+s13], $0x80, s6, s13, $0xb8;
	[tilespmem:$0x1D000] =	vst v63  }
0xdc: {  	s8 =	rddreg [dreg:$0x8]  }
0xdd: {  	[tilespmem:s15], [sflag:$0x2] =	stream.indirect.gather [hbm4b:s4+s13], $0x80, s8, s13, $0xb8;
	[tilespmem:$0x1D000] =	vst v63  }
0xde: {  	_ =	swait.ge [sflag:s16], $0x4000  }
0xdf: {  	[sflag:s16] =	ssyncset.done $0x0  }
0xe0: {  	s8 =	rddreg [dreg:$0x9];
	[sflag:s16] =	ssyncadd.s32 $0xFFFFC000  }
0xe1: {  	[spmem:s2] =	stream.indirect.scatter.add.f32 [tilespmem:s14], [sflag:$0x3], $0x80, s8, s13, $0xb8;
	[tilespmem:$0x1D000] =	vst v63  }
0xe2: {  	_ =	swait.ge [sflag:s17], $0x4000  }
0xe3: {  	[sflag:s17] =	ssyncset.done $0x0  }
0xe4: {  	s8 =	rddreg [dreg:$0xa];
	[sflag:s17] =	ssyncadd.s32 $0xFFFFC000  }
0xe5: {  	[spmem:s2] =	stream.indirect.scatter.add.f32 [tilespmem:s15], [sflag:$0x4], $0x80, s8, s13, $0xb8;
	[tilespmem:$0x1D000] =	vst v63  }
0xe6: {  	_ =	swait.ge [sflag:s18], $0x4000  }
0xe7: {  	[sflag:s18] =	ssyncset.done $0x0  }
0xe8: {  	[sflag:s18] =	ssyncadd.s32 $0xFFFFC000  }
0xe9: {  	_ =	swait.ge [sflag:s19], $0x4000  }
0xea: {  	[sflag:s19] =	ssyncset.done $0x0  }
0xeb: {  	s6 =	rddreg [dreg:$0xb];
	[sflag:s19] =	ssyncadd.s32 $0xFFFFC000  }
0xec: {  	[tilespmem:s14], [sflag:$0x1] =	stream.indirect.gather [hbm4b:s4+s13], $0x80, s6, s13, $0xb8;
	[tilespmem:$0x1D000] =	vst v63  }
0xed: {  	s8 =	rddreg [dreg:$0xc]  }
0xee: {  	[tilespmem:s15], [sflag:$0x2] =	stream.indirect.gather [hbm4b:s4+s13], $0x80, s8, s13, $0xb8;
	[tilespmem:$0x1D000] =	vst v63  }
0xef: {  	_ =	swait.ge [sflag:s16], $0x4000  }
0xf0: {  	[sflag:s16] =	ssyncset.done $0x0  }
0xf1: {  	s8 =	rddreg [dreg:$0xd];
	[sflag:s16] =	ssyncadd.s32 $0xFFFFC000  }
0xf2: {  	[spmem:s2] =	stream.indirect.scatter.add.f32 [tilespmem:s14], [sflag:$0x3], $0x80, s8, s13, $0xb8;
	[tilespmem:$0x1D000] =	vst v63  }
0xf3: {  	_ =	swait.ge [sflag:s17], $0x4000  }
0xf4: {  	[sflag:s17] =	ssyncset.done $0x0  }
0xf5: {  	s8 =	rddreg [dreg:$0xe];
	[sflag:s17] =	ssyncadd.s32 $0xFFFFC000  }
0xf6: {  	[spmem:s2] =	stream.indirect.scatter.add.f32 [tilespmem:s15], [sflag:$0x4], $0x80, s8, s13, $0xb8;
	[tilespmem:$0x1D000] =	vst v63  }
0xf7: {  	_ =	swait.ge [sflag:s18], $0x4000  }
0xf8: {  	[sflag:s18] =	ssyncset.done $0x0  }
0xf9: {  	[sflag:s18] =	ssyncadd.s32 $0xFFFFC000  }
0xfa: {  	_ =	swait.ge [sflag:s19], $0x4000  }
0xfb: {  	[sflag:s19] =	ssyncset.done $0x0  }
0xfc: {  	s6 =	rddreg [dreg:$0xf];
	[sflag:s19] =	ssyncadd.s32 $0xFFFFC000  }
0xfd: {  	[tilespmem:s14], [sflag:$0x1] =	stream.indirect.gather [hbm4b:s4+s13], $0x80, s6, s13, $0xb8;
	[tilespmem:$0x1D000] =	vst v63  }
0xfe: {  	s8 =	rddreg [dreg:$0x10]  }
0xff: {  	[tilespmem:s15], [sflag:$0x2] =	stream.indirect.gather [hbm4b:s4+s13], $0x80, s8, s13, $0xb8;
	[tilespmem:$0x1D000] =	vst v63  }
0x100: {  	_ =	swait.ge [sflag:s16], $0x4000  }
0x101: {  	[sflag:s16] =	ssyncset.done $0x0  }
0x102: {  	s8 =	rddreg [dreg:$0x11];
	[sflag:s16] =	ssyncadd.s32 $0xFFFFC000  }
0x103: {  	[spmem:s2] =	stream.indirect.scatter.add.f32 [tilespmem:s14], [sflag:$0x3], $0x80, s8, s13, $0xb8;
	[tilespmem:$0x1D000] =	vst v63  }
0x104: {  	_ =	swait.ge [sflag:s17], $0x4000  }
0x105: {  	[sflag:s17] =	ssyncset.done $0x0  }
0x106: {  	s8 =	rddreg [dreg:$0x12];
	[sflag:s17] =	ssyncadd.s32 $0xFFFFC000  }
0x107: {  	[spmem:s2] =	stream.indirect.scatter.add.f32 [tilespmem:s15], [sflag:$0x4], $0x80, s8, s13, $0xb8;
	[tilespmem:$0x1D000] =	vst v63  }
0x108: {  	_ =	swait.ge [sflag:s18], $0x4000  }
0x109: {  	[sflag:s18] =	ssyncset.done $0x0  }
0x10a: {  	[sflag:s18] =	ssyncadd.s32 $0xFFFFC000  }
0x10b: {  	_ =	swait.ge [sflag:s19], $0x4000  }
0x10c: {  	[sflag:s19] =	ssyncset.done $0x0  }
0x10d: {  	s6 =	rddreg [dreg:$0x13];
	[sflag:s19] =	ssyncadd.s32 $0xFFFFC000  }
0x10e: {  	[tilespmem:s14], [sflag:$0x1] =	stream.indirect.gather [hbm4b:s4+s13], $0x80, s6, s13, $0xb8;
	[tilespmem:$0x1D000] =	vst v63  }
0x10f: {  	s8 =	rddreg [dreg:$0x14]  }
0x110: {  	[tilespmem:s15], [sflag:$0x2] =	stream.indirect.gather [hbm4b:s4+s13], $0x80, s8, s13, $0xb8;
	[tilespmem:$0x1D000] =	vst v63  }
0x111: {  	_ =	swait.ge [sflag:s16], $0x4000  }
0x112: {  	[sflag:s16] =	ssyncset.done $0x0  }
0x113: {  	s8 =	rddreg [dreg:$0x15];
	[sflag:s16] =	ssyncadd.s32 $0xFFFFC000  }
0x114: {  	[spmem:s2] =	stream.indirect.scatter.add.f32 [tilespmem:s14], [sflag:$0x3], $0x80, s8, s13, $0xb8;
	[tilespmem:$0x1D000] =	vst v63  }
0x115: {  	_ =	swait.ge [sflag:s17], $0x4000  }
0x116: {  	[sflag:s17] =	ssyncset.done $0x0  }
0x117: {  	s8 =	rddreg [dreg:$0x16];
	[sflag:s17] =	ssyncadd.s32 $0xFFFFC000  }
0x118: {  	[spmem:s2] =	stream.indirect.scatter.add.f32 [tilespmem:s15], [sflag:$0x4], $0x80, s8, s13, $0xb8;
	[tilespmem:$0x1D000] =	vst v63  }
0x119: {  	_ =	swait.ge [sflag:s18], $0x4000  }
0x11a: {  	[sflag:s18] =	ssyncset.done $0x0  }
0x11b: {  	[sflag:s18] =	ssyncadd.s32 $0xFFFFC000  }
0x11c: {  	_ =	swait.ge [sflag:s19], $0x4000  }
0x11d: {  	[sflag:s19] =	ssyncset.done $0x0  }
0x11e: {  	[sflag:s19] =	ssyncadd.s32 $0xFFFFC000  }
0x11f: {  	[tilespmem:s14], [sflag:$0x1] =	stream.indirect.gather [hbm4b:s4+s13], $0x80, s20, s13, $0xb8;
	[tilespmem:$0x1D000] =	vst v63  }
0x120: {  	_ = 	snop  }
0x121: {  	[tilespmem:s15], [sflag:$0x2] =	stream.indirect.gather [hbm4b:s4+s13], $0x80, s21, s13, $0xb8;
	[tilespmem:$0x1D000] =	vst v63  }
0x122: {  	_ =	swait.ge [sflag:s16], $0x4000  }
0x123: {  	[sflag:s16] =	ssyncset.done $0x0  }
0x124: {  	[sflag:s16] =	ssyncadd.s32 $0xFFFFC000  }
0x125: {  	[spmem:s2] =	stream.indirect.scatter.add.f32 [tilespmem:s14], [sflag:$0x3], $0x80, s22, s13, $0xb8;
	[tilespmem:$0x1D000] =	vst v63  }
0x126: {  	_ =	swait.ge [sflag:s17], $0x4000  }
0x127: {  	[sflag:s17] =	ssyncset.done $0x0  }
0x128: {  	[sflag:s17] =	ssyncadd.s32 $0xFFFFC000  }
0x129: {  	[spmem:s2] =	stream.indirect.scatter.add.f32 [tilespmem:s15], [sflag:$0x4], $0x80, s23, s13, $0xb8;
	[tilespmem:$0x1D000] =	vst v63  }
0x12a: {  	_ =	swait.ge [sflag:s18], $0x4000  }
0x12b: {  	[sflag:s18] =	ssyncset.done $0x0  }
0x12c: {  	[sflag:s18] =	ssyncadd.s32 $0xFFFFC000  }
0x12d: {  	_ =	swait.ge [sflag:s19], $0x4000  }
0x12e: {  	[sflag:s19] =	ssyncset.done $0x0  }
0x12f: {  	[sflag:s19] =	ssyncadd.s32 $0xFFFFC000  }
0x130: {  	[tilespmem:s14], [sflag:$0x1] =	stream.indirect.gather [hbm4b:s4+s13], $0x80, s24, s13, $0xb8;
	[tilespmem:$0x1D000] =	vst v63  }
0x131: {  	_ = 	snop  }
0x132: {  	[tilespmem:s15], [sflag:$0x2] =	stream.indirect.gather [hbm4b:s4+s13], $0x80, s25, s13, $0xb8;
	[tilespmem:$0x1D000] =	vst v63  }
0x133: {  	_ =	swait.ge [sflag:s16], $0x4000  }
0x134: {  	[sflag:s16] =	ssyncset.done $0x0  }
0x135: {  	[sflag:s16] =	ssyncadd.s32 $0xFFFFC000  }
0x136: {  	[spmem:s2] =	stream.indirect.scatter.add.f32 [tilespmem:s14], [sflag:$0x3], $0x80, s26, s13, $0xb8;
	[tilespmem:$0x1D000] =	vst v63  }
0x137: {  	_ =	swait.ge [sflag:s17], $0x4000  }
0x138: {  	[sflag:s17] =	ssyncset.done $0x0  }
0x139: {  	[sflag:s17] =	ssyncadd.s32 $0xFFFFC000  }
0x13a: {  	[spmem:s2] =	stream.indirect.scatter.add.f32 [tilespmem:s15], [sflag:$0x4], $0x80, s28, s13, $0xb8;
	[tilespmem:$0x1D000] =	vst v63  }
0x13b: {  	_ =	swait.ge [sflag:s18], $0x4000  }
0x13c: {  	[sflag:s18] =	ssyncset.done $0x0  }
0x13d: {  	[sflag:s18] =	ssyncadd.s32 $0xFFFFC000  }
0x13e: {  	_ =	swait.ge [sflag:s19], $0x4000  }
0x13f: {  	[sflag:s19] =	ssyncset.done $0x0  }
0x140: {  	[sflag:s19] =	ssyncadd.s32 $0xFFFFC000  }
0x141: {  	[tilespmem:s14], [sflag:$0x1] =	stream.indirect.gather [hbm4b:s4+s13], $0x80, s29, s13, $0xb8;
	[tilespmem:$0x1D000] =	vst v63  }
0x142: {  	_ = 	snop  }
0x143: {  	[tilespmem:s15], [sflag:$0x2] =	stream.indirect.gather [hbm4b:s4+s13], $0x80, s30, s13, $0xb8;
	[tilespmem:$0x1D000] =	vst v63  }
0x144: {  	s7 =	sadd.s32 $0x100, s7;
	_ =	swait.ge [sflag:s16], $0x4000  }
0x145: {  	p0 =	sne.s32 s7, $0xA00;
	[sflag:s16] =	ssyncset.done $0x0  }
.Ltmp0:
0x146: {  	[sflag:s16] =	ssyncadd.s32 $0xFFFFC000;
	(pc) =	sbr.rel @p0 .LBB2_2-.Ltmp0, $4  }
0x147: {  	[spmem:s2] =	stream.indirect.scatter.add.f32 [tilespmem:s14], [sflag:$0x3], $0x80, s31, s13, $0xb8;
	[tilespmem:$0x1D000] =	vst v63  }
0x148: {  	_ =	swait.ge [sflag:s17], $0x4000  }
0x149: {  	[sflag:s17] =	ssyncset.done $0x0  }
0x14a: {  	s8 =	rddreg [dreg:$0x4];
	[sflag:s17] =	ssyncadd.s32 $0xFFFFC000  }
0x14b: {  	[spmem:s2] =	stream.indirect.scatter.add.f32 [tilespmem:s15], [sflag:$0x4], $0x80, s1, s13, $0xb8;
	[tilespmem:$0x1D000] =	vst v63  }
0x14c: {  	s6 =	sadd.s32 s5, s8  }
0x14d: {  	[tilespmem:s11], [sflag:$0x5] =	stream.linear.gather [hbm4b:s6+s3], $0x800, $0x38;
	[tilespmem:$0x1D000] =	vst v63  }
0x14e: {  	_ =	swait.ge [sflag:s10], $0x800  }
0x14f: {  	s8 =	rddreg [dreg:$0x3];
	[sflag:s10] =	ssyncset.done $0x0  }
0x150: {  	[sflag:s10] =	ssyncadd.s32 $0xFFFFF800;
	s6 =	sadd.s32 s5, s8  }
0x151: {  	[tilespmem:s12], [sflag:$0x5] =	stream.linear.gather [hbm4b:s6+s3], $0x800, $0x38;
	[tilespmem:$0x1D000] =	vst v63  }
0x152: {  	_ =	swait.ge [sflag:s10], $0x800  }
0x153: {  	p0 =	seq.s32 s5, $0x0;
	[sflag:s10] =	ssyncset.done $0x0  }
0x154: {  	s5 =	simm.s32 @!p0 $0x3;
	[sflag:s10] =	ssyncadd.s32 $0xFFFFF800  }
0x155: {  	_ =	swait.ge @!p0 [sflag:s5], $0x4000  }
0x156: {  	[sflag:s5] =	ssyncset.done @!p0 $0x0  }
0x157: {  	[sflag:s5] =	ssyncadd.s32 @!p0 $0xFFFFC000;
	s5 =	simm.s32 @!p0 $0x4  }
0x158: {  	_ =	swait.ge @!p0 [sflag:s5], $0x4000  }
0x159: {  	[sflag:s5] =	ssyncset.done @!p0 $0x0  }
0x15a: {  	[sflag:s5] =	ssyncadd.s32 @!p0 $0xFFFFC000  }
0x15b: {  	[tilespmem:s14], [sflag:$0x1] =	stream.indirect.gather [hbm4b:s4+s13], $0x80, s11, s13, $0xb8;
	[tilespmem:$0x1D000] =	vst v63  }
0x15c: {  	s7 =	rddreg [dreg:$0x5]  }
0x15d: {  	[tilespmem:s15], [sflag:$0x2] =	stream.indirect.gather [hbm4b:s4+s13], $0x80, s7, s13, $0xb8;
	[tilespmem:$0x1D000] =	vst v63  }
0x15e: {  	_ =	swait.ge [sflag:s16], $0x4000  }
0x15f: {  	[sflag:s16] =	ssyncset.done $0x0  }
0x160: {  	[sflag:s16] =	ssyncadd.s32 $0xFFFFC000  }
0x161: {  	[spmem:s2] =	stream.indirect.scatter.add.f32 [tilespmem:s14], [sflag:$0x3], $0x80, s12, s13, $0xb8;
	[tilespmem:$0x1D000] =	vst v63  }
0x162: {  	_ =	swait.ge [sflag:s17], $0x4000  }
0x163: {  	[sflag:s17] =	ssyncset.done $0x0  }
0x164: {  	s8 =	rddreg [dreg:$0x6];
	[sflag:s17] =	ssyncadd.s32 $0xFFFFC000  }
0x165: {  	[spmem:s2] =	stream.indirect.scatter.add.f32 [tilespmem:s15], [sflag:$0x4], $0x80, s8, s13, $0xb8;
	[tilespmem:$0x1D000] =	vst v63  }
0x166: {  	_ =	swait.ge [sflag:s18], $0x4000  }
0x167: {  	[sflag:s18] =	ssyncset.done $0x0  }
0x168: {  	[sflag:s18] =	ssyncadd.s32 $0xFFFFC000  }
0x169: {  	_ =	swait.ge [sflag:s19], $0x4000  }
0x16a: {  	[sflag:s19] =	ssyncset.done $0x0  }
0x16b: {  	s6 =	rddreg [dreg:$0x7];
	[sflag:s19] =	ssyncadd.s32 $0xFFFFC000  }
0x16c: {  	[tilespmem:s14], [sflag:$0x1] =	stream.indirect.gather [hbm4b:s4+s13], $0x80, s6, s13, $0xb8;
	[tilespmem:$0x1D000] =	vst v63  }
0x16d: {  	s7 =	rddreg [dreg:$0x8]  }
0x16e: {  	[tilespmem:s15], [sflag:$0x2] =	stream.indirect.gather [hbm4b:s4+s13], $0x80, s7, s13, $0xb8;
	[tilespmem:$0x1D000] =	vst v63  }
0x16f: {  	_ =	swait.ge [sflag:s16], $0x4000  }
0x170: {  	[sflag:s16] =	ssyncset.done $0x0  }
0x171: {  	s8 =	rddreg [dreg:$0x9];
	[sflag:s16] =	ssyncadd.s32 $0xFFFFC000  }
0x172: {  	[spmem:s2] =	stream.indirect.scatter.add.f32 [tilespmem:s14], [sflag:$0x3], $0x80, s8, s13, $0xb8;
	[tilespmem:$0x1D000] =	vst v63  }
0x173: {  	_ =	swait.ge [sflag:s17], $0x4000  }
0x174: {  	[sflag:s17] =	ssyncset.done $0x0  }
0x175: {  	s6 =	rddreg [dreg:$0xa];
	[sflag:s17] =	ssyncadd.s32 $0xFFFFC000  }
0x176: {  	[spmem:s2] =	stream.indirect.scatter.add.f32 [tilespmem:s15], [sflag:$0x4], $0x80, s6, s13, $0xb8;
	[tilespmem:$0x1D000] =	vst v63  }
0x177: {  	_ =	swait.ge [sflag:s18], $0x4000  }
0x178: {  	[sflag:s18] =	ssyncset.done $0x0  }
0x179: {  	[sflag:s18] =	ssyncadd.s32 $0xFFFFC000  }
0x17a: {  	_ =	swait.ge [sflag:s19], $0x4000  }
0x17b: {  	[sflag:s19] =	ssyncset.done $0x0  }
0x17c: {  	s7 =	rddreg [dreg:$0xb];
	[sflag:s19] =	ssyncadd.s32 $0xFFFFC000  }
0x17d: {  	[tilespmem:s14], [sflag:$0x1] =	stream.indirect.gather [hbm4b:s4+s13], $0x80, s7, s13, $0xb8;
	[tilespmem:$0x1D000] =	vst v63  }
0x17e: {  	s8 =	rddreg [dreg:$0xc]  }
0x17f: {  	[tilespmem:s15], [sflag:$0x2] =	stream.indirect.gather [hbm4b:s4+s13], $0x80, s8, s13, $0xb8;
	[tilespmem:$0x1D000] =	vst v63  }
0x180: {  	_ =	swait.ge [sflag:s16], $0x4000  }
0x181: {  	[sflag:s16] =	ssyncset.done $0x0  }
0x182: {  	s7 =	rddreg [dreg:$0xd];
	[sflag:s16] =	ssyncadd.s32 $0xFFFFC000  }
0x183: {  	[spmem:s2] =	stream.indirect.scatter.add.f32 [tilespmem:s14], [sflag:$0x3], $0x80, s7, s13, $0xb8;
	[tilespmem:$0x1D000] =	vst v63  }
0x184: {  	_ =	swait.ge [sflag:s17], $0x4000  }
0x185: {  	[sflag:s17] =	ssyncset.done $0x0  }
0x186: {  	s8 =	rddreg [dreg:$0xe];
	[sflag:s17] =	ssyncadd.s32 $0xFFFFC000  }
0x187: {  	[spmem:s2] =	stream.indirect.scatter.add.f32 [tilespmem:s15], [sflag:$0x4], $0x80, s8, s13, $0xb8;
	[tilespmem:$0x1D000] =	vst v63  }
0x188: {  	_ =	swait.ge [sflag:s18], $0x4000  }
0x189: {  	[sflag:s18] =	ssyncset.done $0x0  }
0x18a: {  	[sflag:s18] =	ssyncadd.s32 $0xFFFFC000  }
0x18b: {  	_ =	swait.ge [sflag:s19], $0x4000  }
0x18c: {  	[sflag:s19] =	ssyncset.done $0x0  }
0x18d: {  	s6 =	rddreg [dreg:$0xf];
	[sflag:s19] =	ssyncadd.s32 $0xFFFFC000  }
0x18e: {  	[tilespmem:s14], [sflag:$0x1] =	stream.indirect.gather [hbm4b:s4+s13], $0x80, s6, s13, $0xb8;
	[tilespmem:$0x1D000] =	vst v63  }
0x18f: {  	s7 =	rddreg [dreg:$0x10]  }
0x190: {  	[tilespmem:s15], [sflag:$0x2] =	stream.indirect.gather [hbm4b:s4+s13], $0x80, s7, s13, $0xb8;
	[tilespmem:$0x1D000] =	vst v63  }
0x191: {  	_ =	swait.ge [sflag:s16], $0x4000  }
0x192: {  	[sflag:s16] =	ssyncset.done $0x0  }
0x193: {  	s8 =	rddreg [dreg:$0x11];
	[sflag:s16] =	ssyncadd.s32 $0xFFFFC000  }
0x194: {  	[spmem:s2] =	stream.indirect.scatter.add.f32 [tilespmem:s14], [sflag:$0x3], $0x80, s8, s13, $0xb8;
	[tilespmem:$0x1D000] =	vst v63  }
0x195: {  	_ =	swait.ge [sflag:s17], $0x4000  }
0x196: {  	[sflag:s17] =	ssyncset.done $0x0  }
0x197: {  	s6 =	rddreg [dreg:$0x12];
	[sflag:s17] =	ssyncadd.s32 $0xFFFFC000  }
0x198: {  	[spmem:s2] =	stream.indirect.scatter.add.f32 [tilespmem:s15], [sflag:$0x4], $0x80, s6, s13, $0xb8;
	[tilespmem:$0x1D000] =	vst v63  }
0x199: {  	_ =	swait.ge [sflag:s18], $0x4000  }
0x19a: {  	[sflag:s18] =	ssyncset.done $0x0  }
0x19b: {  	[sflag:s18] =	ssyncadd.s32 $0xFFFFC000  }
0x19c: {  	_ =	swait.ge [sflag:s19], $0x4000  }
0x19d: {  	[sflag:s19] =	ssyncset.done $0x0  }
0x19e: {  	s7 =	rddreg [dreg:$0x13];
	[sflag:s19] =	ssyncadd.s32 $0xFFFFC000  }
0x19f: {  	[tilespmem:s14], [sflag:$0x1] =	stream.indirect.gather [hbm4b:s4+s13], $0x80, s7, s13, $0xb8;
	[tilespmem:$0x1D000] =	vst v63  }
0x1a0: {  	s8 =	rddreg [dreg:$0x14]  }
0x1a1: {  	[tilespmem:s15], [sflag:$0x2] =	stream.indirect.gather [hbm4b:s4+s13], $0x80, s8, s13, $0xb8;
	[tilespmem:$0x1D000] =	vst v63  }
0x1a2: {  	_ =	swait.ge [sflag:s16], $0x4000  }
0x1a3: {  	[sflag:s16] =	ssyncset.done $0x0  }
0x1a4: {  	s6 =	rddreg [dreg:$0x15];
	[sflag:s16] =	ssyncadd.s32 $0xFFFFC000  }
0x1a5: {  	[spmem:s2] =	stream.indirect.scatter.add.f32 [tilespmem:s14], [sflag:$0x3], $0x80, s6, s13, $0xb8;
	[tilespmem:$0x1D000] =	vst v63  }
0x1a6: {  	_ =	swait.ge [sflag:s17], $0x4000  }
0x1a7: {  	[sflag:s17] =	ssyncset.done $0x0  }
0x1a8: {  	s7 =	rddreg [dreg:$0x16];
	[sflag:s17] =	ssyncadd.s32 $0xFFFFC000  }
0x1a9: {  	[spmem:s2] =	stream.indirect.scatter.add.f32 [tilespmem:s15], [sflag:$0x4], $0x80, s7, s13, $0xb8;
	[tilespmem:$0x1D000] =	vst v63  }
0x1aa: {  	_ =	swait.ge [sflag:s18], $0x4000  }
0x1ab: {  	[sflag:s18] =	ssyncset.done $0x0  }
0x1ac: {  	[sflag:s18] =	ssyncadd.s32 $0xFFFFC000  }
0x1ad: {  	_ =	swait.ge [sflag:s19], $0x4000  }
0x1ae: {  	[sflag:s19] =	ssyncset.done $0x0  }
0x1af: {  	[sflag:s19] =	ssyncadd.s32 $0xFFFFC000  }
0x1b0: {  	[tilespmem:s14], [sflag:$0x1] =	stream.indirect.gather [hbm4b:s4+s13], $0x80, s20, s13, $0xb8;
	[tilespmem:$0x1D000] =	vst v63  }
0x1b1: {  	_ = 	snop  }
0x1b2: {  	[tilespmem:s15], [sflag:$0x2] =	stream.indirect.gather [hbm4b:s4+s13], $0x80, s21, s13, $0xb8;
	[tilespmem:$0x1D000] =	vst v63  }
0x1b3: {  	_ =	swait.ge [sflag:s16], $0x4000  }
0x1b4: {  	[sflag:s16] =	ssyncset.done $0x0  }
0x1b5: {  	[sflag:s16] =	ssyncadd.s32 $0xFFFFC000  }
0x1b6: {  	[spmem:s2] =	stream.indirect.scatter.add.f32 [tilespmem:s14], [sflag:$0x3], $0x80, s22, s13, $0xb8;
	[tilespmem:$0x1D000] =	vst v63  }
0x1b7: {  	_ =	swait.ge [sflag:s17], $0x4000  }
0x1b8: {  	[sflag:s17] =	ssyncset.done $0x0  }
0x1b9: {  	[sflag:s17] =	ssyncadd.s32 $0xFFFFC000  }
0x1ba: {  	[spmem:s2] =	stream.indirect.scatter.add.f32 [tilespmem:s15], [sflag:$0x4], $0x80, s23, s13, $0xb8;
	[tilespmem:$0x1D000] =	vst v63  }
0x1bb: {  	_ =	swait.ge [sflag:s18], $0x4000  }
0x1bc: {  	[sflag:s18] =	ssyncset.done $0x0  }
0x1bd: {  	[sflag:s18] =	ssyncadd.s32 $0xFFFFC000  }
0x1be: {  	_ =	swait.ge [sflag:s19], $0x4000  }
0x1bf: {  	[sflag:s19] =	ssyncset.done $0x0  }
0x1c0: {  	[sflag:s19] =	ssyncadd.s32 $0xFFFFC000  }
0x1c1: {  	[tilespmem:s14], [sflag:$0x1] =	stream.indirect.gather [hbm4b:s4+s13], $0x80, s24, s13, $0xb8;
	[tilespmem:$0x1D000] =	vst v63  }
0x1c2: {  	_ = 	snop  }
0x1c3: {  	[tilespmem:s15], [sflag:$0x2] =	stream.indirect.gather [hbm4b:s4+s13], $0x80, s25, s13, $0xb8;
	[tilespmem:$0x1D000] =	vst v63  }
0x1c4: {  	_ =	swait.ge [sflag:s16], $0x4000  }
0x1c5: {  	[sflag:s16] =	ssyncset.done $0x0  }
0x1c6: {  	[sflag:s16] =	ssyncadd.s32 $0xFFFFC000  }
0x1c7: {  	[spmem:s2] =	stream.indirect.scatter.add.f32 [tilespmem:s14], [sflag:$0x3], $0x80, s26, s13, $0xb8;
	[tilespmem:$0x1D000] =	vst v63  }
0x1c8: {  	_ =	swait.ge [sflag:s17], $0x4000  }
0x1c9: {  	[sflag:s17] =	ssyncset.done $0x0  }
0x1ca: {  	[sflag:s17] =	ssyncadd.s32 $0xFFFFC000  }
0x1cb: {  	[spmem:s2] =	stream.indirect.scatter.add.f32 [tilespmem:s15], [sflag:$0x4], $0x80, s28, s13, $0xb8;
	[tilespmem:$0x1D000] =	vst v63  }
0x1cc: {  	_ =	swait.ge [sflag:s18], $0x4000  }
0x1cd: {  	[sflag:s18] =	ssyncset.done $0x0  }
0x1ce: {  	[sflag:s18] =	ssyncadd.s32 $0xFFFFC000  }
0x1cf: {  	_ =	swait.ge [sflag:s19], $0x4000  }
0x1d0: {  	[sflag:s19] =	ssyncset.done $0x0  }
0x1d1: {  	[sflag:s19] =	ssyncadd.s32 $0xFFFFC000  }
0x1d2: {  	[tilespmem:s14], [sflag:$0x1] =	stream.indirect.gather [hbm4b:s4+s13], $0x80, s29, s13, $0xb8;
	[tilespmem:$0x1D000] =	vst v63  }
0x1d3: {  	_ = 	snop  }
0x1d4: {  	[tilespmem:s15], [sflag:$0x2] =	stream.indirect.gather [hbm4b:s4+s13], $0x80, s30, s13, $0xb8;
	[tilespmem:$0x1D000] =	vst v63  }
0x1d5: {  	_ =	swait.ge [sflag:s16], $0x4000  }
0x1d6: {  	[sflag:s16] =	ssyncset.done $0x0  }
0x1d7: {  	[sflag:s16] =	ssyncadd.s32 $0xFFFFC000  }
0x1d8: {  	[spmem:s2] =	stream.indirect.scatter.add.f32 [tilespmem:s14], [sflag:$0x3], $0x80, s31, s13, $0xb8;
	[tilespmem:$0x1D000] =	vst v63  }
0x1d9: {  	_ =	swait.ge [sflag:s17], $0x4000  }
0x1da: {  	[sflag:s17] =	ssyncset.done $0x0  }
0x1db: {  	[sflag:s17] =	ssyncadd.s32 $0xFFFFC000  }
0x1dc: {  	[spmem:s2] =	stream.indirect.scatter.add.f32 [tilespmem:s15], [sflag:$0x4], $0x80, s1, s13, $0xb8;
	[tilespmem:$0x1D000] =	vst v63  }
0x1dd: {  	_ =	swait.ge [sflag:s18], $0x4000  }
0x1de: {  	[sflag:s18] =	ssyncset.done $0x0  }
0x1df: {  	[sflag:s18] =	ssyncadd.s32 $0xFFFFC000  }
0x1e0: {  	_ =	swait.ge [sflag:s19], $0x4000  }
0x1e1: {  	[sflag:s19] =	ssyncset.done $0x0  }
0x1e2: {  	[sflag:s19] =	ssyncadd.s32 $0xFFFFC000  }
0x1e3: {  	[bflag:$0x0] =	sbarrier.arrive $0xFFFF  }
0x1e4: {  	s8 =	rddreg [dreg:$0x18]  }
0x1e5: {  	s7 =	rddreg [dreg:$0x1a]  }
0x1e6: {  	[hbm:s8], [sflag:s9] =	dma.local [spmem:s7], $0x2800  }
0x1e7: {  	_ =	swait.ge [sflag:s10], $0x2800  }
0x1e8: {  	s0 =	sadd.s32 $0x1, s0;
	s6 =	smov.u32 s9;
	s9 =	rddreg [dreg:$0x19]  }
0x1e9: {  	p0 =	sne.s32 s0, s9  }
.Ltmp1:
0x1ea: {  	_ = 	snop;
	(pc) =	sbr.rel @p0 .LBB2_1-.Ltmp1, $3  }
0x1eb: {  	_ =	sdelay $0x1  }
0x1ec: {  	[sflag:s10] =	ssyncset.done $0x0  }
0x1ed: {  	[sflag:s10] =	ssyncadd.s32 $0xFFFFD800  }
0x1ee: {  	_ =	sfence.sel $0x180000  }
0x1ef: {  	[bflag:$0x0] =	sbarrier.arrive $0xFFFF  }
0x1f0: {  	_ =	strace $0x90000050  }
0x1f1: {  	s0 =	stileid.u32;
	[bflag:$0x2] =	sbarrier.arrive $0xFFFF  }
0x1f2: {  	p0 =	sne.s32 s0, $0x0;
	s0 =	rddreg [dreg:$0x2]  }
0x1f3: {  	s0 =	sadd.s32 @!p0 $0x100000, s0  }
0x1f4: {  	[sflag:s0] =	ssyncadd.tile.s32 @!p0 $0x1;
	_ =	shalt  }
.Lfunc_end2:
_tile_overlayer_lowered:
.L_overlay_start_2:
0x1f5: {  	(tag) =	ssettag $0x2  }
0x1f6: {  	s0 =	rddreg [dreg:$0x0];
	s2 =	stileid.u32  }
0x1f7: {  	s1 =	rddreg [dreg:$0x1];
	p0 =	sne.s32 s2, $0x0  }
0x1f8: {  	s3 =	rddreg [dreg:$0x2];
	[bflag:$0x3] =	sbarrier.arrive $0xFFFF;
	s2 =	simm.s32 @!p0 $0x1C05  }
0x1f9: {  	[timem:s3], [sflag:s2] =	dma.local @!p0 [hbm:s0], s1  }
0x1fa: {  	s0 =	simm.s32 @!p0 $0x5  }
0x1fb: {  	_ =	swait.ge @!p0 [sflag:s0], s1  }
0x1fc: {  	s1 =	ssub.s32 @!p0 $0x0, s1;
	[sflag:s0] =	ssyncset.done @!p0 $0x0  }
0x1fd: {  	[sflag:s0] =	ssyncadd.s32 @!p0 s1  }
0x1fe: {  	[bflag:$0x3] =	sbarrier.arrive $0xFFFF  }
0x1ff: {  	_ =	shalt  }

</sc_bundles>
